<compile_context>
chip_gen: v7x
topology: tpu7x:2x2x1
jax: 0.10.2.dev20260603
libtpu: 0.0.44.dev20260713+nightly
codegen_flags: <defaults>
</compile_context>

<pallas_src>
import jax
import jax.numpy as jnp
from jax import lax
from jax.experimental import pallas as pl
from jax.experimental.pallas import tpu as pltpu
from jax.experimental.pallas import tpu_sc as plsc

DIM = 32
B = 16384
L = 20
NEG = 5

NC = 2
NS = 16
NW = NC * NS
BPW = B // NW
CB = 64
NCHUNK = BPW // CB
NGRP = CB // 16

CTX_SL = CB * L // 128
PAD = DIM + 1


def _sc_body(ctx_i, cen, ctab, out_w,
             ci_v, ctx_a, ctx_b, cen_a, cen_b, obp, wT, sem_a, sem_b):
    cid = lax.axis_index("c")
    sid = lax.axis_index("s")
    wid = sid * NC + cid
    iota16 = lax.iota(jnp.int32, 16)

    pltpu.sync_copy(ctx_i.at[pl.ds(wid * (BPW * L // 128), BPW * L // 128)], ci_v)

    def fire(k, ctx_st, cen_st, sem):
        base = wid * BPW + k * CB
        for j in range(CTX_SL):
            pltpu.async_copy(ctab.at[ci_v.at[k * CTX_SL + j]],
                             ctx_st.at[pl.ds(j * 128, 128)], sem)
        pltpu.async_copy(cen.at[pl.ds(base, CB)], cen_st, sem)

    def drain(ctx_st, cen_st, sem):
        pltpu.make_async_copy(ctab.at[pl.ds(0, CB * L)], ctx_st, sem).wait()
        pltpu.make_async_copy(cen.at[pl.ds(0, CB)], cen_st, sem).wait()

    def process(k, ctx_st, cen_st):
        def bbody(b, carry2):
            c0 = cen_st[b, pl.ds(0, 16)]
            c1 = cen_st[b, pl.ds(16, 16)]
            acc0 = jnp.zeros((16,), jnp.float32)
            acc1 = jnp.zeros((16,), jnp.float32)
            wsum = jnp.zeros((16,), jnp.float32)
            row0 = b * L
            for l in range(L):
                x0 = ctx_st[row0 + l, pl.ds(0, 16)]
                x1 = ctx_st[row0 + l, pl.ds(16, 16)]
                d0 = x0 - c0
                d1 = x1 - c1
                s2 = d0 * d0 + d1 * d1
                tot = jnp.sum(s2)
                w = jnp.exp(jnp.broadcast_to(tot * -0.5, (16,)))
                acc0 = acc0 + w * x0
                acc1 = acc1 + w * x1
                wsum = wsum + w
            inv = 1.0 / (wsum + 1e-8)
            obp[b, pl.ds(0, 16)] = acc0 * inv
            obp[b, pl.ds(16, 16)] = acc1 * inv
            return carry2

        lax.fori_loop(0, CB, bbody, 0)

        def tbody(d, carry2):
            dsp = jnp.full((16,), 1, jnp.int32) * d
            for g in range(NGRP):
                bv = iota16 + g * 16
                wT[d, pl.ds(g * 16, 16)] = plsc.load_gather(obp, [bv, dsp])
            return carry2

        lax.fori_loop(0, DIM, tbody, 0)
        pltpu.sync_copy(wT, out_w.at[:, pl.ds(wid * BPW + k * CB, CB)])

    fire(0, ctx_a, cen_a, sem_a)

    def pair(k2, carry):
        k = k2 * 2
        fire(k + 1, ctx_b, cen_b, sem_b)
        drain(ctx_a, cen_a, sem_a)
        process(k, ctx_a, cen_a)

        @pl.when(k2 < NCHUNK // 2 - 1)
        def _():
            fire(k + 2, ctx_a, cen_a, sem_a)

        drain(ctx_b, cen_b, sem_b)
        process(k + 1, ctx_b, cen_b)
        return carry

    lax.fori_loop(0, NCHUNK // 2, pair, 0)


@jax.jit
def _run(ctx_i, cen, ctab):
    mesh = plsc.VectorSubcoreMesh(core_axis_name="c", subcore_axis_name="s")
    f = pl.kernel(
        _sc_body,
        out_type=jax.ShapeDtypeStruct((DIM, B), jnp.float32),
        mesh=mesh,
        scratch_types=[
            pltpu.VMEM((BPW * L // 128, 128), jnp.int32),
            pltpu.VMEM((CB * L, DIM), jnp.float32),
            pltpu.VMEM((CB * L, DIM), jnp.float32),
            pltpu.VMEM((CB, DIM), jnp.float32),
            pltpu.VMEM((CB, DIM), jnp.float32),
            pltpu.VMEM((CB, PAD), jnp.float32),
            pltpu.VMEM((DIM, CB), jnp.float32),
            pltpu.SemaphoreType.DMA,
            pltpu.SemaphoreType.DMA,
        ],
        compiler_params=pltpu.CompilerParams(
            needs_layout_passes=False, use_tc_tiling_on_sc=False),
    )
    return f(ctx_i, cen, ctab)


def kernel(context, center, neg_samples, center_table, context_table):
    cen_vec = jnp.take(context_table, center, axis=0)
    neg_vecs = jnp.stack(
        [jnp.take(context_table, neg_samples[:, j], axis=0)
         for j in range(NEG)], axis=1)
    ctx_i = context.astype(jnp.int32).reshape(B * L // 128, 128)
    out_w = _run(ctx_i, cen_vec, center_table)
    return (out_w.T, cen_vec, neg_vecs)

# --- scband reference (transcript-rebuilt; emitter-appended) ---
"""Pipeline reference for scband-krembedding-39934605918671 (READ-ONLY COPY).

The authoritative reference and input builder live on the scoring server;
editing this copy changes nothing except your own understanding.
"""

import jax, jax.numpy as jnp
import numpy as np

VOCAB = 1000000
DIM = 32
SIGMA = 1.0
B = 16384
L = 20
NEG = 5

def setup_inputs(seed: int = 0) -> dict:
    key = jax.random.key(seed)
    k1, k2, k3, k4, k5 = jax.random.split(key, 5)
    context = jax.random.randint(k1, (B, L), 0, VOCAB, dtype=jnp.int64 if jax.config.jax_enable_x64 else jnp.int32)
    center = jax.random.randint(k2, (B,), 0, VOCAB, dtype=jnp.int64 if jax.config.jax_enable_x64 else jnp.int32)
    neg_samples = jax.random.randint(k3, (B, NEG), 0, VOCAB, dtype=jnp.int64 if jax.config.jax_enable_x64 else jnp.int32)
    std = 1.0 / (DIM ** 2)
    center_table = jax.random.normal(k4, (VOCAB, DIM), dtype=jnp.float32) * std
    context_table = jax.random.normal(k5, (VOCAB, DIM), dtype=jnp.float32) * std
    return {"context": context, "center": center, "neg_samples": neg_samples,
            "center_table": center_table, "context_table": context_table}

def reference(context, center, neg_samples, center_table, context_table):
    # context_vecs = self.center_embeddings(context)
    context_vecs = jnp.take(center_table, context, axis=0)          # [B, L, D]
    # center_vec = self.context_embeddings(center)
    center_vec = jnp.take(context_table, center, axis=0)            # [B, D]
    # neg_vecs = self.context_embeddings(neg_samples)
    neg_vecs = jnp.take(context_table, neg_samples, axis=0)         # [B, NEG, D]
    diff = context_vecs - center_vec[:, None, :]                    # [B, L, D]
    dist_sq = jnp.sum(diff ** 2, axis=2)                            # [B, L]
    weights = jnp.exp(-dist_sq / (2.0 * SIGMA ** 2))
    weights = weights / (jnp.sum(weights, axis=1, keepdims=True) + 1e-08)
    weighted_context = jnp.sum(weights[:, :, None] * context_vecs, axis=1)  # [B, D]
    return (weighted_context, center_vec, neg_vecs)

if __name__ == "__main__":
    import jax
    _d = setup_inputs()
    print(jax.jit(kernel)(*tuple(_d.values())))

</pallas_src>

<mosaic_0001>
#map = affine_map<(d0, d1) -> (0, 0)>
module attributes {stable_mosaic.version = 14 : i64} {
  func.func @_sc_body(%arg0: i32, %arg1: i32, %arg2: memref<2560x128xi32, #tpu.memory_space<hbm>>, %arg3: memref<16384x32xf32, #tpu.memory_space<hbm>>, %arg4: memref<1000000x32xf32, #tpu.memory_space<hbm>>, %arg5: memref<32x16384xf32, #tpu.memory_space<hbm>>, %arg6: memref<80x128xi32, #tpu.memory_space<vmem>>, %arg7: memref<1280x32xf32, #tpu.memory_space<vmem>>, %arg8: memref<1280x32xf32, #tpu.memory_space<vmem>>, %arg9: memref<64x32xf32, #tpu.memory_space<vmem>>, %arg10: memref<64x32xf32, #tpu.memory_space<vmem>>, %arg11: memref<64x33xf32, #tpu.memory_space<vmem>>, %arg12: memref<32x64xf32, #tpu.memory_space<vmem>>, %arg13: memref<!tpu.dma_semaphore, #tpu.memory_space<semaphore_mem>>, %arg14: memref<!tpu.dma_semaphore, #tpu.memory_space<semaphore_mem>>) attributes {dimension_semantics = [#tpu.dimension_semantics<core_parallel>, #tpu.dimension_semantics<subcore_parallel>], iteration_bounds = array<i64: 2, 16>, scalar_prefetch = 0 : i64, scratch_operands = 9 : i64, tpu.core_type = #tpu.core_type<sc_vector_subcore>, window_params = [{transform_indices = #map}, {transform_indices = #map}, {transform_indices = #map}, {transform_indices = #map}]} {
    %mul3A = arith.constant 2 : i32
    %mul3A_0 = arith.muli %arg1, %mul3A : i32
    %add3A = arith.addi %mul3A_0, %arg0 : i32
    %iota3A = tpu.iota {dimensions = array<i32: 0>} : vector<16xi32>
    %mul3A_1 = arith.constant 80 : i32
    %mul3A_2 = arith.muli %add3A, %mul3A_1 : i32
    "tpu.region"() ({
      %run_scoped3A = tpu.sem_alloc : memref<!tpu.dma_semaphore, #tpu.memory_space<semaphore_mem>>
      %dma_start3A_115 = arith.constant 0 : i32
      %dma_start3A_116 = tpu.memref_slice %arg2[%mul3A_2, %dma_start3A_115] : memref<2560x128xi32, #tpu.memory_space<hbm>> -> memref<80x128xi32, #tpu.memory_space<hbm>>
      %dma_start3A_117 = arith.constant 0 : i32
      %dma_start3A_118 = tpu.memref_slice %arg2[%mul3A_2, %dma_start3A_117] : memref<2560x128xi32, #tpu.memory_space<hbm>> -> memref<80x128xi32, #tpu.memory_space<hbm>>
      tpu.enqueue_dma source(%dma_start3A_118 : memref<80x128xi32, #tpu.memory_space<hbm>>) target(%arg6 : memref<80x128xi32, #tpu.memory_space<vmem>>) target_semaphore(%run_scoped3A : memref<!tpu.dma_semaphore, #tpu.memory_space<semaphore_mem>>)
      %dma_wait3A = arith.constant 0 : i32
      %dma_wait3A_119 = tpu.memref_slice %arg2[%mul3A_2, %dma_wait3A] : memref<2560x128xi32, #tpu.memory_space<hbm>> -> memref<80x128xi32, #tpu.memory_space<hbm>>
      %dma_wait3A_120 = arith.constant 0 : i32
      %dma_wait3A_121 = tpu.memref_slice %arg2[%mul3A_2, %dma_wait3A_120] : memref<2560x128xi32, #tpu.memory_space<hbm>> -> memref<80x128xi32, #tpu.memory_space<hbm>>
      tpu.wait_dma2 semaphore(%run_scoped3A : memref<!tpu.dma_semaphore, #tpu.memory_space<semaphore_mem>>) src(%dma_wait3A_121 : memref<80x128xi32, #tpu.memory_space<hbm>>) dst(%arg6 : memref<80x128xi32, #tpu.memory_space<vmem>>)
      tpu.yield
    }) : () -> ()
    %mul3A_3 = arith.constant 512 : i32
    %mul3A_4 = arith.muli %add3A, %mul3A_3 : i32
    %add3A_5 = arith.constant 0 : i32
    %add3A_6 = arith.addi %mul3A_4, %add3A_5 : i32
    %dma_start3A = arith.constant 0 : i32
    %dma_start3A_7 = arith.constant 0 : i32
    %dma_start3A_8 = arith.constant 0 : i32
    %dma_start3A_9 = tpu.memref_slice %arg7[%dma_start3A_7, %dma_start3A_8] : memref<1280x32xf32, #tpu.memory_space<vmem>> -> memref<128x32xf32, #tpu.memory_space<vmem>>
    %dma_start3A_10 = arith.constant 0 : i32
    %dma_start3A_11 = tpu.memref_slice %arg6[%dma_start3A, %dma_start3A_10] : memref<80x128xi32, #tpu.memory_space<vmem>> -> memref<1x128xi32, #tpu.memory_space<vmem>>
    %dma_start3A_12 = tpu.memref_squeeze %dma_start3A_11 : memref<1x128xi32, #tpu.memory_space<vmem>> -> memref<128xi32, #tpu.memory_space<vmem>>
    %dma_start3A_13 = arith.constant 0 : i32
    %dma_start3A_14 = arith.constant 0 : i32
    %dma_start3A_15 = tpu.memref_slice %arg4[%dma_start3A_13, %dma_start3A_14] : memref<1000000x32xf32, #tpu.memory_space<hbm>> -> memref<1000000x32xf32, #tpu.memory_space<hbm>>
    tpu.enqueue_indirect_dma source(%dma_start3A_15 : memref<1000000x32xf32, #tpu.memory_space<hbm>>) target(%dma_start3A_9 : memref<128x32xf32, #tpu.memory_space<vmem>>) offsets(%dma_start3A_12 : memref<128xi32, #tpu.memory_space<vmem>>) semaphore(%arg13 : memref<!tpu.dma_semaphore, #tpu.memory_space<semaphore_mem>>)
    %dma_start3A_16 = arith.constant 1 : i32
    %dma_start3A_17 = arith.constant 128 : i32
    %dma_start3A_18 = arith.constant 0 : i32
    %dma_start3A_19 = tpu.memref_slice %arg7[%dma_start3A_17, %dma_start3A_18] : memref<1280x32xf32, #tpu.memory_space<vmem>> -> memref<128x32xf32, #tpu.memory_space<vmem>>
    %dma_start3A_20 = arith.constant 0 : i32
    %dma_start3A_21 = tpu.memref_slice %arg6[%dma_start3A_16, %dma_start3A_20] : memref<80x128xi32, #tpu.memory_space<vmem>> -> memref<1x128xi32, #tpu.memory_space<vmem>>
    %dma_start3A_22 = tpu.memref_squeeze %dma_start3A_21 : memref<1x128xi32, #tpu.memory_space<vmem>> -> memref<128xi32, #tpu.memory_space<vmem>>
    %dma_start3A_23 = arith.constant 0 : i32
    %dma_start3A_24 = arith.constant 0 : i32
    %dma_start3A_25 = tpu.memref_slice %arg4[%dma_start3A_23, %dma_start3A_24] : memref<1000000x32xf32, #tpu.memory_space<hbm>> -> memref<1000000x32xf32, #tpu.memory_space<hbm>>
    tpu.enqueue_indirect_dma source(%dma_start3A_25 : memref<1000000x32xf32, #tpu.memory_space<hbm>>) target(%dma_start3A_19 : memref<128x32xf32, #tpu.memory_space<vmem>>) offsets(%dma_start3A_22 : memref<128xi32, #tpu.memory_space<vmem>>) semaphore(%arg13 : memref<!tpu.dma_semaphore, #tpu.memory_space<semaphore_mem>>)
    %dma_start3A_26 = arith.constant 2 : i32
    %dma_start3A_27 = arith.constant 256 : i32
    %dma_start3A_28 = arith.constant 0 : i32
    %dma_start3A_29 = tpu.memref_slice %arg7[%dma_start3A_27, %dma_start3A_28] : memref<1280x32xf32, #tpu.memory_space<vmem>> -> memref<128x32xf32, #tpu.memory_space<vmem>>
    %dma_start3A_30 = arith.constant 0 : i32
    %dma_start3A_31 = tpu.memref_slice %arg6[%dma_start3A_26, %dma_start3A_30] : memref<80x128xi32, #tpu.memory_space<vmem>> -> memref<1x128xi32, #tpu.memory_space<vmem>>
    %dma_start3A_32 = tpu.memref_squeeze %dma_start3A_31 : memref<1x128xi32, #tpu.memory_space<vmem>> -> memref<128xi32, #tpu.memory_space<vmem>>
    %dma_start3A_33 = arith.constant 0 : i32
    %dma_start3A_34 = arith.constant 0 : i32
    %dma_start3A_35 = tpu.memref_slice %arg4[%dma_start3A_33, %dma_start3A_34] : memref<1000000x32xf32, #tpu.memory_space<hbm>> -> memref<1000000x32xf32, #tpu.memory_space<hbm>>
    tpu.enqueue_indirect_dma source(%dma_start3A_35 : memref<1000000x32xf32, #tpu.memory_space<hbm>>) target(%dma_start3A_29 : memref<128x32xf32, #tpu.memory_space<vmem>>) offsets(%dma_start3A_32 : memref<128xi32, #tpu.memory_space<vmem>>) semaphore(%arg13 : memref<!tpu.dma_semaphore, #tpu.memory_space<semaphore_mem>>)
    %dma_start3A_36 = arith.constant 3 : i32
    %dma_start3A_37 = arith.constant 384 : i32
    %dma_start3A_38 = arith.constant 0 : i32
    %dma_start3A_39 = tpu.memref_slice %arg7[%dma_start3A_37, %dma_start3A_38] : memref<1280x32xf32, #tpu.memory_space<vmem>> -> memref<128x32xf32, #tpu.memory_space<vmem>>
    %dma_start3A_40 = arith.constant 0 : i32
    %dma_start3A_41 = tpu.memref_slice %arg6[%dma_start3A_36, %dma_start3A_40] : memref<80x128xi32, #tpu.memory_space<vmem>> -> memref<1x128xi32, #tpu.memory_space<vmem>>
    %dma_start3A_42 = tpu.memref_squeeze %dma_start3A_41 : memref<1x128xi32, #tpu.memory_space<vmem>> -> memref<128xi32, #tpu.memory_space<vmem>>
    %dma_start3A_43 = arith.constant 0 : i32
    %dma_start3A_44 = arith.constant 0 : i32
    %dma_start3A_45 = tpu.memref_slice %arg4[%dma_start3A_43, %dma_start3A_44] : memref<1000000x32xf32, #tpu.memory_space<hbm>> -> memref<1000000x32xf32, #tpu.memory_space<hbm>>
    tpu.enqueue_indirect_dma source(%dma_start3A_45 : memref<1000000x32xf32, #tpu.memory_space<hbm>>) target(%dma_start3A_39 : memref<128x32xf32, #tpu.memory_space<vmem>>) offsets(%dma_start3A_42 : memref<128xi32, #tpu.memory_space<vmem>>) semaphore(%arg13 : memref<!tpu.dma_semaphore, #tpu.memory_space<semaphore_mem>>)
    %dma_start3A_46 = arith.constant 4 : i32
    %dma_start3A_47 = arith.constant 512 : i32
    %dma_start3A_48 = arith.constant 0 : i32
    %dma_start3A_49 = tpu.memref_slice %arg7[%dma_start3A_47, %dma_start3A_48] : memref<1280x32xf32, #tpu.memory_space<vmem>> -> memref<128x32xf32, #tpu.memory_space<vmem>>
    %dma_start3A_50 = arith.constant 0 : i32
    %dma_start3A_51 = tpu.memref_slice %arg6[%dma_start3A_46, %dma_start3A_50] : memref<80x128xi32, #tpu.memory_space<vmem>> -> memref<1x128xi32, #tpu.memory_space<vmem>>
    %dma_start3A_52 = tpu.memref_squeeze %dma_start3A_51 : memref<1x128xi32, #tpu.memory_space<vmem>> -> memref<128xi32, #tpu.memory_space<vmem>>
    %dma_start3A_53 = arith.constant 0 : i32
    %dma_start3A_54 = arith.constant 0 : i32
    %dma_start3A_55 = tpu.memref_slice %arg4[%dma_start3A_53, %dma_start3A_54] : memref<1000000x32xf32, #tpu.memory_space<hbm>> -> memref<1000000x32xf32, #tpu.memory_space<hbm>>
    tpu.enqueue_indirect_dma source(%dma_start3A_55 : memref<1000000x32xf32, #tpu.memory_space<hbm>>) target(%dma_start3A_49 : memref<128x32xf32, #tpu.memory_space<vmem>>) offsets(%dma_start3A_52 : memref<128xi32, #tpu.memory_space<vmem>>) semaphore(%arg13 : memref<!tpu.dma_semaphore, #tpu.memory_space<semaphore_mem>>)
    %dma_start3A_56 = arith.constant 5 : i32
    %dma_start3A_57 = arith.constant 640 : i32
    %dma_start3A_58 = arith.constant 0 : i32
    %dma_start3A_59 = tpu.memref_slice %arg7[%dma_start3A_57, %dma_start3A_58] : memref<1280x32xf32, #tpu.memory_space<vmem>> -> memref<128x32xf32, #tpu.memory_space<vmem>>
    %dma_start3A_60 = arith.constant 0 : i32
    %dma_start3A_61 = tpu.memref_slice %arg6[%dma_start3A_56, %dma_start3A_60] : memref<80x128xi32, #tpu.memory_space<vmem>> -> memref<1x128xi32, #tpu.memory_space<vmem>>
    %dma_start3A_62 = tpu.memref_squeeze %dma_start3A_61 : memref<1x128xi32, #tpu.memory_space<vmem>> -> memref<128xi32, #tpu.memory_space<vmem>>
    %dma_start3A_63 = arith.constant 0 : i32
    %dma_start3A_64 = arith.constant 0 : i32
    %dma_start3A_65 = tpu.memref_slice %arg4[%dma_start3A_63, %dma_start3A_64] : memref<1000000x32xf32, #tpu.memory_space<hbm>> -> memref<1000000x32xf32, #tpu.memory_space<hbm>>
    tpu.enqueue_indirect_dma source(%dma_start3A_65 : memref<1000000x32xf32, #tpu.memory_space<hbm>>) target(%dma_start3A_59 : memref<128x32xf32, #tpu.memory_space<vmem>>) offsets(%dma_start3A_62 : memref<128xi32, #tpu.memory_space<vmem>>) semaphore(%arg13 : memref<!tpu.dma_semaphore, #tpu.memory_space<semaphore_mem>>)
    %dma_start3A_66 = arith.constant 6 : i32
    %dma_start3A_67 = arith.constant 768 : i32
    %dma_start3A_68 = arith.constant 0 : i32
    %dma_start3A_69 = tpu.memref_slice %arg7[%dma_start3A_67, %dma_start3A_68] : memref<1280x32xf32, #tpu.memory_space<vmem>> -> memref<128x32xf32, #tpu.memory_space<vmem>>
    %dma_start3A_70 = arith.constant 0 : i32
    %dma_start3A_71 = tpu.memref_slice %arg6[%dma_start3A_66, %dma_start3A_70] : memref<80x128xi32, #tpu.memory_space<vmem>> -> memref<1x128xi32, #tpu.memory_space<vmem>>
    %dma_start3A_72 = tpu.memref_squeeze %dma_start3A_71 : memref<1x128xi32, #tpu.memory_space<vmem>> -> memref<128xi32, #tpu.memory_space<vmem>>
    %dma_start3A_73 = arith.constant 0 : i32
    %dma_start3A_74 = arith.constant 0 : i32
    %dma_start3A_75 = tpu.memref_slice %arg4[%dma_start3A_73, %dma_start3A_74] : memref<1000000x32xf32, #tpu.memory_space<hbm>> -> memref<1000000x32xf32, #tpu.memory_space<hbm>>
    tpu.enqueue_indirect_dma source(%dma_start3A_75 : memref<1000000x32xf32, #tpu.memory_space<hbm>>) target(%dma_start3A_69 : memref<128x32xf32, #tpu.memory_space<vmem>>) offsets(%dma_start3A_72 : memref<128xi32, #tpu.memory_space<vmem>>) semaphore(%arg13 : memref<!tpu.dma_semaphore, #tpu.memory_space<semaphore_mem>>)
    %dma_start3A_76 = arith.constant 7 : i32
    %dma_start3A_77 = arith.constant 896 : i32
    %dma_start3A_78 = arith.constant 0 : i32
    %dma_start3A_79 = tpu.memref_slice %arg7[%dma_start3A_77, %dma_start3A_78] : memref<1280x32xf32, #tpu.memory_space<vmem>> -> memref<128x32xf32, #tpu.memory_space<vmem>>
    %dma_start3A_80 = arith.constant 0 : i32
    %dma_start3A_81 = tpu.memref_slice %arg6[%dma_start3A_76, %dma_start3A_80] : memref<80x128xi32, #tpu.memory_space<vmem>> -> memref<1x128xi32, #tpu.memory_space<vmem>>
    %dma_start3A_82 = tpu.memref_squeeze %dma_start3A_81 : memref<1x128xi32, #tpu.memory_space<vmem>> -> memref<128xi32, #tpu.memory_space<vmem>>
    %dma_start3A_83 = arith.constant 0 : i32
    %dma_start3A_84 = arith.constant 0 : i32
    %dma_start3A_85 = tpu.memref_slice %arg4[%dma_start3A_83, %dma_start3A_84] : memref<1000000x32xf32, #tpu.memory_space<hbm>> -> memref<1000000x32xf32, #tpu.memory_space<hbm>>
    tpu.enqueue_indirect_dma source(%dma_start3A_85 : memref<1000000x32xf32, #tpu.memory_space<hbm>>) target(%dma_start3A_79 : memref<128x32xf32, #tpu.memory_space<vmem>>) offsets(%dma_start3A_82 : memref<128xi32, #tpu.memory_space<vmem>>) semaphore(%arg13 : memref<!tpu.dma_semaphore, #tpu.memory_space<semaphore_mem>>)
    %dma_start3A_86 = arith.constant 8 : i32
    %dma_start3A_87 = arith.constant 1024 : i32
    %dma_start3A_88 = arith.constant 0 : i32
    %dma_start3A_89 = tpu.memref_slice %arg7[%dma_start3A_87, %dma_start3A_88] : memref<1280x32xf32, #tpu.memory_space<vmem>> -> memref<128x32xf32, #tpu.memory_space<vmem>>
    %dma_start3A_90 = arith.constant 0 : i32
    %dma_start3A_91 = tpu.memref_slice %arg6[%dma_start3A_86, %dma_start3A_90] : memref<80x128xi32, #tpu.memory_space<vmem>> -> memref<1x128xi32, #tpu.memory_space<vmem>>
    %dma_start3A_92 = tpu.memref_squeeze %dma_start3A_91 : memref<1x128xi32, #tpu.memory_space<vmem>> -> memref<128xi32, #tpu.memory_space<vmem>>
    %dma_start3A_93 = arith.constant 0 : i32
    %dma_start3A_94 = arith.constant 0 : i32
    %dma_start3A_95 = tpu.memref_slice %arg4[%dma_start3A_93, %dma_start3A_94] : memref<1000000x32xf32, #tpu.memory_space<hbm>> -> memref<1000000x32xf32, #tpu.memory_space<hbm>>
    tpu.enqueue_indirect_dma source(%dma_start3A_95 : memref<1000000x32xf32, #tpu.memory_space<hbm>>) target(%dma_start3A_89 : memref<128x32xf32, #tpu.memory_space<vmem>>) offsets(%dma_start3A_92 : memref<128xi32, #tpu.memory_space<vmem>>) semaphore(%arg13 : memref<!tpu.dma_semaphore, #tpu.memory_space<semaphore_mem>>)
    %dma_start3A_96 = arith.constant 9 : i32
    %dma_start3A_97 = arith.constant 1152 : i32
    %dma_start3A_98 = arith.constant 0 : i32
    %dma_start3A_99 = tpu.memref_slice %arg7[%dma_start3A_97, %dma_start3A_98] : memref<1280x32xf32, #tpu.memory_space<vmem>> -> memref<128x32xf32, #tpu.memory_space<vmem>>
    %dma_start3A_100 = arith.constant 0 : i32
    %dma_start3A_101 = tpu.memref_slice %arg6[%dma_start3A_96, %dma_start3A_100] : memref<80x128xi32, #tpu.memory_space<vmem>> -> memref<1x128xi32, #tpu.memory_space<vmem>>
    %dma_start3A_102 = tpu.memref_squeeze %dma_start3A_101 : memref<1x128xi32, #tpu.memory_space<vmem>> -> memref<128xi32, #tpu.memory_space<vmem>>
    %dma_start3A_103 = arith.constant 0 : i32
    %dma_start3A_104 = arith.constant 0 : i32
    %dma_start3A_105 = tpu.memref_slice %arg4[%dma_start3A_103, %dma_start3A_104] : memref<1000000x32xf32, #tpu.memory_space<hbm>> -> memref<1000000x32xf32, #tpu.memory_space<hbm>>
    tpu.enqueue_indirect_dma source(%dma_start3A_105 : memref<1000000x32xf32, #tpu.memory_space<hbm>>) target(%dma_start3A_99 : memref<128x32xf32, #tpu.memory_space<vmem>>) offsets(%dma_start3A_102 : memref<128xi32, #tpu.memory_space<vmem>>) semaphore(%arg13 : memref<!tpu.dma_semaphore, #tpu.memory_space<semaphore_mem>>)
    %dma_start3A_106 = arith.constant 0 : i32
    %dma_start3A_107 = tpu.memref_slice %arg3[%add3A_6, %dma_start3A_106] : memref<16384x32xf32, #tpu.memory_space<hbm>> -> memref<64x32xf32, #tpu.memory_space<hbm>>
    %dma_start3A_108 = arith.constant 0 : i32
    %dma_start3A_109 = tpu.memref_slice %arg3[%add3A_6, %dma_start3A_108] : memref<16384x32xf32, #tpu.memory_space<hbm>> -> memref<64x32xf32, #tpu.memory_space<hbm>>
    tpu.enqueue_dma source(%dma_start3A_109 : memref<64x32xf32, #tpu.memory_space<hbm>>) target(%arg9 : memref<64x32xf32, #tpu.memory_space<vmem>>) target_semaphore(%arg13 : memref<!tpu.dma_semaphore, #tpu.memory_space<semaphore_mem>>)
    %scan3A = arith.constant 0 : i32
    %scan3A_110 = arith.constant 0 : i32
    %scan3A_111 = arith.constant 4 : i32
    %scan3A_112 = arith.addi %scan3A_110, %scan3A_111 : i32
    %scan3A_113 = arith.constant 1 : i32
    scf.for %scan3A_115 = %scan3A_110 to %scan3A_112 step %scan3A_113  : i32 {
      %mul3A_116 = arith.constant 2 : i32
      %mul3A_117 = arith.muli %scan3A_115, %mul3A_116 : i32
      %add3A_118 = arith.constant 1 : i32
      %add3A_119 = arith.addi %mul3A_117, %add3A_118 : i32
      %mul3A_120 = arith.constant 512 : i32
      %mul3A_121 = arith.muli %add3A, %mul3A_120 : i32
      %mul3A_122 = arith.constant 64 : i32
      %mul3A_123 = arith.muli %add3A_119, %mul3A_122 : i32
      %add3A_124 = arith.addi %mul3A_121, %mul3A_123 : i32
      %mul3A_125 = arith.constant 10 : i32
      %mul3A_126 = arith.muli %add3A_119, %mul3A_125 : i32
      %add3A_127 = arith.constant 0 : i32
      %add3A_128 = arith.addi %mul3A_126, %add3A_127 : i32
      %dma_start3A_129 = arith.constant 0 : i32
      %dma_start3A_130 = arith.constant 0 : i32
      %dma_start3A_131 = tpu.memref_slice %arg8[%dma_start3A_129, %dma_start3A_130] : memref<1280x32xf32, #tpu.memory_space<vmem>> -> memref<128x32xf32, #tpu.memory_space<vmem>>
      %dma_start3A_132 = arith.constant 0 : i32
      %dma_start3A_133 = tpu.memref_slice %arg6[%add3A_128, %dma_start3A_132] : memref<80x128xi32, #tpu.memory_space<vmem>> -> memref<1x128xi32, #tpu.memory_space<vmem>>
      %dma_start3A_134 = tpu.memref_squeeze %dma_start3A_133 : memref<1x128xi32, #tpu.memory_space<vmem>> -> memref<128xi32, #tpu.memory_space<vmem>>
      %dma_start3A_135 = arith.constant 0 : i32
      %dma_start3A_136 = arith.constant 0 : i32
      %dma_start3A_137 = tpu.memref_slice %arg4[%dma_start3A_135, %dma_start3A_136] : memref<1000000x32xf32, #tpu.memory_space<hbm>> -> memref<1000000x32xf32, #tpu.memory_space<hbm>>
      tpu.enqueue_indirect_dma source(%dma_start3A_137 : memref<1000000x32xf32, #tpu.memory_space<hbm>>) target(%dma_start3A_131 : memref<128x32xf32, #tpu.memory_space<vmem>>) offsets(%dma_start3A_134 : memref<128xi32, #tpu.memory_space<vmem>>) semaphore(%arg14 : memref<!tpu.dma_semaphore, #tpu.memory_space<semaphore_mem>>)
      %mul3A_138 = arith.constant 10 : i32
      %mul3A_139 = arith.muli %add3A_119, %mul3A_138 : i32
      %add3A_140 = arith.constant 1 : i32
      %add3A_141 = arith.addi %mul3A_139, %add3A_140 : i32
      %dma_start3A_142 = arith.constant 128 : i32
      %dma_start3A_143 = arith.constant 0 : i32
      %dma_start3A_144 = tpu.memref_slice %arg8[%dma_start3A_142, %dma_start3A_143] : memref<1280x32xf32, #tpu.memory_space<vmem>> -> memref<128x32xf32, #tpu.memory_space<vmem>>
      %dma_start3A_145 = arith.constant 0 : i32
      %dma_start3A_146 = tpu.memref_slice %arg6[%add3A_141, %dma_start3A_145] : memref<80x128xi32, #tpu.memory_space<vmem>> -> memref<1x128xi32, #tpu.memory_space<vmem>>
      %dma_start3A_147 = tpu.memref_squeeze %dma_start3A_146 : memref<1x128xi32, #tpu.memory_space<vmem>> -> memref<128xi32, #tpu.memory_space<vmem>>
      %dma_start3A_148 = arith.constant 0 : i32
      %dma_start3A_149 = arith.constant 0 : i32
      %dma_start3A_150 = tpu.memref_slice %arg4[%dma_start3A_148, %dma_start3A_149] : memref<1000000x32xf32, #tpu.memory_space<hbm>> -> memref<1000000x32xf32, #tpu.memory_space<hbm>>
      tpu.enqueue_indirect_dma source(%dma_start3A_150 : memref<1000000x32xf32, #tpu.memory_space<hbm>>) target(%dma_start3A_144 : memref<128x32xf32, #tpu.memory_space<vmem>>) offsets(%dma_start3A_147 : memref<128xi32, #tpu.memory_space<vmem>>) semaphore(%arg14 : memref<!tpu.dma_semaphore, #tpu.memory_space<semaphore_mem>>)
      %mul3A_151 = arith.constant 10 : i32
      %mul3A_152 = arith.muli %add3A_119, %mul3A_151 : i32
      %add3A_153 = arith.constant 2 : i32
      %add3A_154 = arith.addi %mul3A_152, %add3A_153 : i32
      %dma_start3A_155 = arith.constant 256 : i32
      %dma_start3A_156 = arith.constant 0 : i32
      %dma_start3A_157 = tpu.memref_slice %arg8[%dma_start3A_155, %dma_start3A_156] : memref<1280x32xf32, #tpu.memory_space<vmem>> -> memref<128x32xf32, #tpu.memory_space<vmem>>
      %dma_start3A_158 = arith.constant 0 : i32
      %dma_start3A_159 = tpu.memref_slice %arg6[%add3A_154, %dma_start3A_158] : memref<80x128xi32, #tpu.memory_space<vmem>> -> memref<1x128xi32, #tpu.memory_space<vmem>>
      %dma_start3A_160 = tpu.memref_squeeze %dma_start3A_159 : memref<1x128xi32, #tpu.memory_space<vmem>> -> memref<128xi32, #tpu.memory_space<vmem>>
      %dma_start3A_161 = arith.constant 0 : i32
      %dma_start3A_162 = arith.constant 0 : i32
      %dma_start3A_163 = tpu.memref_slice %arg4[%dma_start3A_161, %dma_start3A_162] : memref<1000000x32xf32, #tpu.memory_space<hbm>> -> memref<1000000x32xf32, #tpu.memory_space<hbm>>
      tpu.enqueue_indirect_dma source(%dma_start3A_163 : memref<1000000x32xf32, #tpu.memory_space<hbm>>) target(%dma_start3A_157 : memref<128x32xf32, #tpu.memory_space<vmem>>) offsets(%dma_start3A_160 : memref<128xi32, #tpu.memory_space<vmem>>) semaphore(%arg14 : memref<!tpu.dma_semaphore, #tpu.memory_space<semaphore_mem>>)
      %mul3A_164 = arith.constant 10 : i32
      %mul3A_165 = arith.muli %add3A_119, %mul3A_164 : i32
      %add3A_166 = arith.constant 3 : i32
      %add3A_167 = arith.addi %mul3A_165, %add3A_166 : i32
      %dma_start3A_168 = arith.constant 384 : i32
      %dma_start3A_169 = arith.constant 0 : i32
      %dma_start3A_170 = tpu.memref_slice %arg8[%dma_start3A_168, %dma_start3A_169] : memref<1280x32xf32, #tpu.memory_space<vmem>> -> memref<128x32xf32, #tpu.memory_space<vmem>>
      %dma_start3A_171 = arith.constant 0 : i32
      %dma_start3A_172 = tpu.memref_slice %arg6[%add3A_167, %dma_start3A_171] : memref<80x128xi32, #tpu.memory_space<vmem>> -> memref<1x128xi32, #tpu.memory_space<vmem>>
      %dma_start3A_173 = tpu.memref_squeeze %dma_start3A_172 : memref<1x128xi32, #tpu.memory_space<vmem>> -> memref<128xi32, #tpu.memory_space<vmem>>
      %dma_start3A_174 = arith.constant 0 : i32
      %dma_start3A_175 = arith.constant 0 : i32
      %dma_start3A_176 = tpu.memref_slice %arg4[%dma_start3A_174, %dma_start3A_175] : memref<1000000x32xf32, #tpu.memory_space<hbm>> -> memref<1000000x32xf32, #tpu.memory_space<hbm>>
      tpu.enqueue_indirect_dma source(%dma_start3A_176 : memref<1000000x32xf32, #tpu.memory_space<hbm>>) target(%dma_start3A_170 : memref<128x32xf32, #tpu.memory_space<vmem>>) offsets(%dma_start3A_173 : memref<128xi32, #tpu.memory_space<vmem>>) semaphore(%arg14 : memref<!tpu.dma_semaphore, #tpu.memory_space<semaphore_mem>>)
      %mul3A_177 = arith.constant 10 : i32
      %mul3A_178 = arith.muli %add3A_119, %mul3A_177 : i32
      %add3A_179 = arith.constant 4 : i32
      %add3A_180 = arith.addi %mul3A_178, %add3A_179 : i32
      %dma_start3A_181 = arith.constant 512 : i32
      %dma_start3A_182 = arith.constant 0 : i32
      %dma_start3A_183 = tpu.memref_slice %arg8[%dma_start3A_181, %dma_start3A_182] : memref<1280x32xf32, #tpu.memory_space<vmem>> -> memref<128x32xf32, #tpu.memory_space<vmem>>
      %dma_start3A_184 = arith.constant 0 : i32
      %dma_start3A_185 = tpu.memref_slice %arg6[%add3A_180, %dma_start3A_184] : memref<80x128xi32, #tpu.memory_space<vmem>> -> memref<1x128xi32, #tpu.memory_space<vmem>>
      %dma_start3A_186 = tpu.memref_squeeze %dma_start3A_185 : memref<1x128xi32, #tpu.memory_space<vmem>> -> memref<128xi32, #tpu.memory_space<vmem>>
      %dma_start3A_187 = arith.constant 0 : i32
      %dma_start3A_188 = arith.constant 0 : i32
      %dma_start3A_189 = tpu.memref_slice %arg4[%dma_start3A_187, %dma_start3A_188] : memref<1000000x32xf32, #tpu.memory_space<hbm>> -> memref<1000000x32xf32, #tpu.memory_space<hbm>>
      tpu.enqueue_indirect_dma source(%dma_start3A_189 : memref<1000000x32xf32, #tpu.memory_space<hbm>>) target(%dma_start3A_183 : memref<128x32xf32, #tpu.memory_space<vmem>>) offsets(%dma_start3A_186 : memref<128xi32, #tpu.memory_space<vmem>>) semaphore(%arg14 : memref<!tpu.dma_semaphore, #tpu.memory_space<semaphore_mem>>)
      %mul3A_190 = arith.constant 10 : i32
      %mul3A_191 = arith.muli %add3A_119, %mul3A_190 : i32
      %add3A_192 = arith.constant 5 : i32
      %add3A_193 = arith.addi %mul3A_191, %add3A_192 : i32
      %dma_start3A_194 = arith.constant 640 : i32
      %dma_start3A_195 = arith.constant 0 : i32
      %dma_start3A_196 = tpu.memref_slice %arg8[%dma_start3A_194, %dma_start3A_195] : memref<1280x32xf32, #tpu.memory_space<vmem>> -> memref<128x32xf32, #tpu.memory_space<vmem>>
      %dma_start3A_197 = arith.constant 0 : i32
      %dma_start3A_198 = tpu.memref_slice %arg6[%add3A_193, %dma_start3A_197] : memref<80x128xi32, #tpu.memory_space<vmem>> -> memref<1x128xi32, #tpu.memory_space<vmem>>
      %dma_start3A_199 = tpu.memref_squeeze %dma_start3A_198 : memref<1x128xi32, #tpu.memory_space<vmem>> -> memref<128xi32, #tpu.memory_space<vmem>>
      %dma_start3A_200 = arith.constant 0 : i32
      %dma_start3A_201 = arith.constant 0 : i32
      %dma_start3A_202 = tpu.memref_slice %arg4[%dma_start3A_200, %dma_start3A_201] : memref<1000000x32xf32, #tpu.memory_space<hbm>> -> memref<1000000x32xf32, #tpu.memory_space<hbm>>
      tpu.enqueue_indirect_dma source(%dma_start3A_202 : memref<1000000x32xf32, #tpu.memory_space<hbm>>) target(%dma_start3A_196 : memref<128x32xf32, #tpu.memory_space<vmem>>) offsets(%dma_start3A_199 : memref<128xi32, #tpu.memory_space<vmem>>) semaphore(%arg14 : memref<!tpu.dma_semaphore, #tpu.memory_space<semaphore_mem>>)
      %mul3A_203 = arith.constant 10 : i32
      %mul3A_204 = arith.muli %add3A_119, %mul3A_203 : i32
      %add3A_205 = arith.constant 6 : i32
      %add3A_206 = arith.addi %mul3A_204, %add3A_205 : i32
      %dma_start3A_207 = arith.constant 768 : i32
      %dma_start3A_208 = arith.constant 0 : i32
      %dma_start3A_209 = tpu.memref_slice %arg8[%dma_start3A_207, %dma_start3A_208] : memref<1280x32xf32, #tpu.memory_space<vmem>> -> memref<128x32xf32, #tpu.memory_space<vmem>>
      %dma_start3A_210 = arith.constant 0 : i32
      %dma_start3A_211 = tpu.memref_slice %arg6[%add3A_206, %dma_start3A_210] : memref<80x128xi32, #tpu.memory_space<vmem>> -> memref<1x128xi32, #tpu.memory_space<vmem>>
      %dma_start3A_212 = tpu.memref_squeeze %dma_start3A_211 : memref<1x128xi32, #tpu.memory_space<vmem>> -> memref<128xi32, #tpu.memory_space<vmem>>
      %dma_start3A_213 = arith.constant 0 : i32
      %dma_start3A_214 = arith.constant 0 : i32
      %dma_start3A_215 = tpu.memref_slice %arg4[%dma_start3A_213, %dma_start3A_214] : memref<1000000x32xf32, #tpu.memory_space<hbm>> -> memref<1000000x32xf32, #tpu.memory_space<hbm>>
      tpu.enqueue_indirect_dma source(%dma_start3A_215 : memref<1000000x32xf32, #tpu.memory_space<hbm>>) target(%dma_start3A_209 : memref<128x32xf32, #tpu.memory_space<vmem>>) offsets(%dma_start3A_212 : memref<128xi32, #tpu.memory_space<vmem>>) semaphore(%arg14 : memref<!tpu.dma_semaphore, #tpu.memory_space<semaphore_mem>>)
      %mul3A_216 = arith.constant 10 : i32
      %mul3A_217 = arith.muli %add3A_119, %mul3A_216 : i32
      %add3A_218 = arith.constant 7 : i32
      %add3A_219 = arith.addi %mul3A_217, %add3A_218 : i32
      %dma_start3A_220 = arith.constant 896 : i32
      %dma_start3A_221 = arith.constant 0 : i32
      %dma_start3A_222 = tpu.memref_slice %arg8[%dma_start3A_220, %dma_start3A_221] : memref<1280x32xf32, #tpu.memory_space<vmem>> -> memref<128x32xf32, #tpu.memory_space<vmem>>
      %dma_start3A_223 = arith.constant 0 : i32
      %dma_start3A_224 = tpu.memref_slice %arg6[%add3A_219, %dma_start3A_223] : memref<80x128xi32, #tpu.memory_space<vmem>> -> memref<1x128xi32, #tpu.memory_space<vmem>>
      %dma_start3A_225 = tpu.memref_squeeze %dma_start3A_224 : memref<1x128xi32, #tpu.memory_space<vmem>> -> memref<128xi32, #tpu.memory_space<vmem>>
      %dma_start3A_226 = arith.constant 0 : i32
      %dma_start3A_227 = arith.constant 0 : i32
      %dma_start3A_228 = tpu.memref_slice %arg4[%dma_start3A_226, %dma_start3A_227] : memref<1000000x32xf32, #tpu.memory_space<hbm>> -> memref<1000000x32xf32, #tpu.memory_space<hbm>>
      tpu.enqueue_indirect_dma source(%dma_start3A_228 : memref<1000000x32xf32, #tpu.memory_space<hbm>>) target(%dma_start3A_222 : memref<128x32xf32, #tpu.memory_space<vmem>>) offsets(%dma_start3A_225 : memref<128xi32, #tpu.memory_space<vmem>>) semaphore(%arg14 : memref<!tpu.dma_semaphore, #tpu.memory_space<semaphore_mem>>)
      %mul3A_229 = arith.constant 10 : i32
      %mul3A_230 = arith.muli %add3A_119, %mul3A_229 : i32
      %add3A_231 = arith.constant 8 : i32
      %add3A_232 = arith.addi %mul3A_230, %add3A_231 : i32
      %dma_start3A_233 = arith.constant 1024 : i32
      %dma_start3A_234 = arith.constant 0 : i32
      %dma_start3A_235 = tpu.memref_slice %arg8[%dma_start3A_233, %dma_start3A_234] : memref<1280x32xf32, #tpu.memory_space<vmem>> -> memref<128x32xf32, #tpu.memory_space<vmem>>
      %dma_start3A_236 = arith.constant 0 : i32
      %dma_start3A_237 = tpu.memref_slice %arg6[%add3A_232, %dma_start3A_236] : memref<80x128xi32, #tpu.memory_space<vmem>> -> memref<1x128xi32, #tpu.memory_space<vmem>>
      %dma_start3A_238 = tpu.memref_squeeze %dma_start3A_237 : memref<1x128xi32, #tpu.memory_space<vmem>> -> memref<128xi32, #tpu.memory_space<vmem>>
      %dma_start3A_239 = arith.constant 0 : i32
      %dma_start3A_240 = arith.constant 0 : i32
      %dma_start3A_241 = tpu.memref_slice %arg4[%dma_start3A_239, %dma_start3A_240] : memref<1000000x32xf32, #tpu.memory_space<hbm>> -> memref<1000000x32xf32, #tpu.memory_space<hbm>>
      tpu.enqueue_indirect_dma source(%dma_start3A_241 : memref<1000000x32xf32, #tpu.memory_space<hbm>>) target(%dma_start3A_235 : memref<128x32xf32, #tpu.memory_space<vmem>>) offsets(%dma_start3A_238 : memref<128xi32, #tpu.memory_space<vmem>>) semaphore(%arg14 : memref<!tpu.dma_semaphore, #tpu.memory_space<semaphore_mem>>)
      %mul3A_242 = arith.constant 10 : i32
      %mul3A_243 = arith.muli %add3A_119, %mul3A_242 : i32
      %add3A_244 = arith.constant 9 : i32
      %add3A_245 = arith.addi %mul3A_243, %add3A_244 : i32
      %dma_start3A_246 = arith.constant 1152 : i32
      %dma_start3A_247 = arith.constant 0 : i32
      %dma_start3A_248 = tpu.memref_slice %arg8[%dma_start3A_246, %dma_start3A_247] : memref<1280x32xf32, #tpu.memory_space<vmem>> -> memref<128x32xf32, #tpu.memory_space<vmem>>
      %dma_start3A_249 = arith.constant 0 : i32
      %dma_start3A_250 = tpu.memref_slice %arg6[%add3A_245, %dma_start3A_249] : memref<80x128xi32, #tpu.memory_space<vmem>> -> memref<1x128xi32, #tpu.memory_space<vmem>>
      %dma_start3A_251 = tpu.memref_squeeze %dma_start3A_250 : memref<1x128xi32, #tpu.memory_space<vmem>> -> memref<128xi32, #tpu.memory_space<vmem>>
      %dma_start3A_252 = arith.constant 0 : i32
      %dma_start3A_253 = arith.constant 0 : i32
      %dma_start3A_254 = tpu.memref_slice %arg4[%dma_start3A_252, %dma_start3A_253] : memref<1000000x32xf32, #tpu.memory_space<hbm>> -> memref<1000000x32xf32, #tpu.memory_space<hbm>>
      tpu.enqueue_indirect_dma source(%dma_start3A_254 : memref<1000000x32xf32, #tpu.memory_space<hbm>>) target(%dma_start3A_248 : memref<128x32xf32, #tpu.memory_space<vmem>>) offsets(%dma_start3A_251 : memref<128xi32, #tpu.memory_space<vmem>>) semaphore(%arg14 : memref<!tpu.dma_semaphore, #tpu.memory_space<semaphore_mem>>)
      %dma_start3A_255 = arith.constant 0 : i32
      %dma_start3A_256 = tpu.memref_slice %arg3[%add3A_124, %dma_start3A_255] : memref<16384x32xf32, #tpu.memory_space<hbm>> -> memref<64x32xf32, #tpu.memory_space<hbm>>
      %dma_start3A_257 = arith.constant 0 : i32
      %dma_start3A_258 = tpu.memref_slice %arg3[%add3A_124, %dma_start3A_257] : memref<16384x32xf32, #tpu.memory_space<hbm>> -> memref<64x32xf32, #tpu.memory_space<hbm>>
      tpu.enqueue_dma source(%dma_start3A_258 : memref<64x32xf32, #tpu.memory_space<hbm>>) target(%arg10 : memref<64x32xf32, #tpu.memory_space<vmem>>) target_semaphore(%arg14 : memref<!tpu.dma_semaphore, #tpu.memory_space<semaphore_mem>>)
      %dma_wait3A = arith.constant 0 : i32
      %dma_wait3A_259 = arith.constant 0 : i32
      %dma_wait3A_260 = tpu.memref_slice %arg4[%dma_wait3A, %dma_wait3A_259] : memref<1000000x32xf32, #tpu.memory_space<hbm>> -> memref<1280x32xf32, #tpu.memory_space<hbm>>
      %dma_wait3A_261 = arith.constant 0 : i32
      %dma_wait3A_262 = arith.constant 0 : i32
      %dma_wait3A_263 = tpu.memref_slice %arg4[%dma_wait3A_261, %dma_wait3A_262] : memref<1000000x32xf32, #tpu.memory_space<hbm>> -> memref<1280x32xf32, #tpu.memory_space<hbm>>
      tpu.wait_dma2 semaphore(%arg13 : memref<!tpu.dma_semaphore, #tpu.memory_space<semaphore_mem>>) src(%dma_wait3A_263 : memref<1280x32xf32, #tpu.memory_space<hbm>>) dst(%arg7 : memref<1280x32xf32, #tpu.memory_space<vmem>>)
      %dma_wait3A_264 = arith.constant 0 : i32
      %dma_wait3A_265 = arith.constant 0 : i32
      %dma_wait3A_266 = tpu.memref_slice %arg3[%dma_wait3A_264, %dma_wait3A_265] : memref<16384x32xf32, #tpu.memory_space<hbm>> -> memref<64x32xf32, #tpu.memory_space<hbm>>
      %dma_wait3A_267 = arith.constant 0 : i32
      %dma_wait3A_268 = arith.constant 0 : i32
      %dma_wait3A_269 = tpu.memref_slice %arg3[%dma_wait3A_267, %dma_wait3A_268] : memref<16384x32xf32, #tpu.memory_space<hbm>> -> memref<64x32xf32, #tpu.memory_space<hbm>>
      tpu.wait_dma2 semaphore(%arg13 : memref<!tpu.dma_semaphore, #tpu.memory_space<semaphore_mem>>) src(%dma_wait3A_269 : memref<64x32xf32, #tpu.memory_space<hbm>>) dst(%arg9 : memref<64x32xf32, #tpu.memory_space<vmem>>)
      %scan3A_270 = arith.constant 0 : i32
      %scan3A_271 = arith.constant 0 : i32
      %scan3A_272 = arith.constant 64 : i32
      %scan3A_273 = arith.addi %scan3A_271, %scan3A_272 : i32
      %scan3A_274 = arith.constant 1 : i32
      scf.for %scan3A_320 = %scan3A_271 to %scan3A_273 step %scan3A_274  : i32 {
        %get3A = arith.index_cast %scan3A_320 : i32 to index
        %get3A_321 = arith.constant 0 : index
        %get3A_322 = tpu.vector_load %arg9[%get3A, %get3A_321] {strides = array<i32>} : memref<64x32xf32, #tpu.memory_space<vmem>>, vector<16xf32>,
        %get3A_323 = arith.index_cast %scan3A_320 : i32 to index
        %get3A_324 = arith.constant 16 : index
        %get3A_325 = tpu.vector_load %arg9[%get3A_323, %get3A_324] {strides = array<i32>} : memref<64x32xf32, #tpu.memory_space<vmem>>, vector<16xf32>,
        %broadcast_in_dim3A = arith.constant 0.000000e+00 : f32
        %broadcast_in_dim3A_326 = vector.broadcast %broadcast_in_dim3A : f32 to vector<16xf32>
        %broadcast_in_dim3A_327 = arith.constant 0.000000e+00 : f32
        %broadcast_in_dim3A_328 = vector.broadcast %broadcast_in_dim3A_327 : f32 to vector<16xf32>
        %broadcast_in_dim3A_329 = arith.constant 0.000000e+00 : f32
        %broadcast_in_dim3A_330 = vector.broadcast %broadcast_in_dim3A_329 : f32 to vector<16xf32>
        %mul3A_331 = arith.constant 20 : i32
        %mul3A_332 = arith.muli %scan3A_320, %mul3A_331 : i32
        %add3A_333 = arith.constant 0 : i32
        %add3A_334 = arith.addi %mul3A_332, %add3A_333 : i32
        %get3A_335 = arith.index_cast %add3A_334 : i32 to index
        %get3A_336 = arith.constant 0 : index
        %get3A_337 = tpu.vector_load %arg7[%get3A_335, %get3A_336] {strides = array<i32>} : memref<1280x32xf32, #tpu.memory_space<vmem>>, vector<16xf32>,
        %add3A_338 = arith.constant 0 : i32
        %add3A_339 = arith.addi %mul3A_332, %add3A_338 : i32
        %get3A_340 = arith.index_cast %add3A_339 : i32 to index
        %get3A_341 = arith.constant 16 : index
        %get3A_342 = tpu.vector_load %arg7[%get3A_340, %get3A_341] {strides = array<i32>} : memref<1280x32xf32, #tpu.memory_space<vmem>>, vector<16xf32>,
        %sub3A = arith.subf %get3A_337, %get3A_322 : vector<16xf32>
        %sub3A_343 = arith.subf %get3A_342, %get3A_325 : vector<16xf32>
        %mul3A_344 = arith.mulf %sub3A, %sub3A : vector<16xf32>
        %mul3A_345 = arith.mulf %sub3A_343, %sub3A_343 : vector<16xf32>
        %add3A_346 = arith.addf %mul3A_344, %mul3A_345 : vector<16xf32>
        %reduce_sum3A = arith.constant true
        %reduce_sum3A_347 = vector.broadcast %reduce_sum3A : i1 to vector<16xi1>
        %reduce_sum3A_348 = tpu.scan <sum>, %add3A_346 masked %reduce_sum3A_347 : vector<16xf32>, vector<16xi1> -> vector<16xf32>
        %reduce_sum3A_349 = vector.extract %reduce_sum3A_348[15] : f32 from vector<16xf32>
        %mul3A_350 = arith.constant -5.000000e-01 : f32
        %mul3A_351 = arith.mulf %reduce_sum3A_349, %mul3A_350 : f32
        %broadcast_in_dim3A_352 = vector.broadcast %mul3A_351 : f32 to vector<16xf32>
        %exp3A = math.exp %broadcast_in_dim3A_352 : vector<16xf32>
        %mul3A_353 = arith.mulf %exp3A, %get3A_337 : vector<16xf32>
        %add3A_354 = arith.addf %broadcast_in_dim3A_326, %mul3A_353 : vector<16xf32>
        %mul3A_355 = arith.mulf %exp3A, %get3A_342 : vector<16xf32>
        %add3A_356 = arith.addf %broadcast_in_dim3A_328, %mul3A_355 : vector<16xf32>
        %add3A_357 = arith.addf %broadcast_in_dim3A_330, %exp3A : vector<16xf32>
        %add3A_358 = arith.constant 1 : i32
        %add3A_359 = arith.addi %mul3A_332, %add3A_358 : i32
        %get3A_360 = arith.index_cast %add3A_359 : i32 to index
        %get3A_361 = arith.constant 0 : index
        %get3A_362 = tpu.vector_load %arg7[%get3A_360, %get3A_361] {strides = array<i32>} : memref<1280x32xf32, #tpu.memory_space<vmem>>, vector<16xf32>,
        %add3A_363 = arith.constant 1 : i32
        %add3A_364 = arith.addi %mul3A_332, %add3A_363 : i32
        %get3A_365 = arith.index_cast %add3A_364 : i32 to index
        %get3A_366 = arith.constant 16 : index
        %get3A_367 = tpu.vector_load %arg7[%get3A_365, %get3A_366] {strides = array<i32>} : memref<1280x32xf32, #tpu.memory_space<vmem>>, vector<16xf32>,
        %sub3A_368 = arith.subf %get3A_362, %get3A_322 : vector<16xf32>
        %sub3A_369 = arith.subf %get3A_367, %get3A_325 : vector<16xf32>
        %mul3A_370 = arith.mulf %sub3A_368, %sub3A_368 : vector<16xf32>
        %mul3A_371 = arith.mulf %sub3A_369, %sub3A_369 : vector<16xf32>
        %add3A_372 = arith.addf %mul3A_370, %mul3A_371 : vector<16xf32>
        %reduce_sum3A_373 = arith.constant true
        %reduce_sum3A_374 = vector.broadcast %reduce_sum3A_373 : i1 to vector<16xi1>
        %reduce_sum3A_375 = tpu.scan <sum>, %add3A_372 masked %reduce_sum3A_374 : vector<16xf32>, vector<16xi1> -> vector<16xf32>
        %reduce_sum3A_376 = vector.extract %reduce_sum3A_375[15] : f32 from vector<16xf32>
        %mul3A_377 = arith.constant -5.000000e-01 : f32
        %mul3A_378 = arith.mulf %reduce_sum3A_376, %mul3A_377 : f32
        %broadcast_in_dim3A_379 = vector.broadcast %mul3A_378 : f32 to vector<16xf32>
        %exp3A_380 = math.exp %broadcast_in_dim3A_379 : vector<16xf32>
        %mul3A_381 = arith.mulf %exp3A_380, %get3A_362 : vector<16xf32>
        %add3A_382 = arith.addf %add3A_354, %mul3A_381 : vector<16xf32>
        %mul3A_383 = arith.mulf %exp3A_380, %get3A_367 : vector<16xf32>
        %add3A_384 = arith.addf %add3A_356, %mul3A_383 : vector<16xf32>
        %add3A_385 = arith.addf %add3A_357, %exp3A_380 : vector<16xf32>
        %add3A_386 = arith.constant 2 : i32
        %add3A_387 = arith.addi %mul3A_332, %add3A_386 : i32
        %get3A_388 = arith.index_cast %add3A_387 : i32 to index
        %get3A_389 = arith.constant 0 : index
        %get3A_390 = tpu.vector_load %arg7[%get3A_388, %get3A_389] {strides = array<i32>} : memref<1280x32xf32, #tpu.memory_space<vmem>>, vector<16xf32>,
        %add3A_391 = arith.constant 2 : i32
        %add3A_392 = arith.addi %mul3A_332, %add3A_391 : i32
        %get3A_393 = arith.index_cast %add3A_392 : i32 to index
        %get3A_394 = arith.constant 16 : index
        %get3A_395 = tpu.vector_load %arg7[%get3A_393, %get3A_394] {strides = array<i32>} : memref<1280x32xf32, #tpu.memory_space<vmem>>, vector<16xf32>,
        %sub3A_396 = arith.subf %get3A_390, %get3A_322 : vector<16xf32>
        %sub3A_397 = arith.subf %get3A_395, %get3A_325 : vector<16xf32>
        %mul3A_398 = arith.mulf %sub3A_396, %sub3A_396 : vector<16xf32>
        %mul3A_399 = arith.mulf %sub3A_397, %sub3A_397 : vector<16xf32>
        %add3A_400 = arith.addf %mul3A_398, %mul3A_399 : vector<16xf32>
        %reduce_sum3A_401 = arith.constant true
        %reduce_sum3A_402 = vector.broadcast %reduce_sum3A_401 : i1 to vector<16xi1>
        %reduce_sum3A_403 = tpu.scan <sum>, %add3A_400 masked %reduce_sum3A_402 : vector<16xf32>, vector<16xi1> -> vector<16xf32>
        %reduce_sum3A_404 = vector.extract %reduce_sum3A_403[15] : f32 from vector<16xf32>
        %mul3A_405 = arith.constant -5.000000e-01 : f32
        %mul3A_406 = arith.mulf %reduce_sum3A_404, %mul3A_405 : f32
        %broadcast_in_dim3A_407 = vector.broadcast %mul3A_406 : f32 to vector<16xf32>
        %exp3A_408 = math.exp %broadcast_in_dim3A_407 : vector<16xf32>
        %mul3A_409 = arith.mulf %exp3A_408, %get3A_390 : vector<16xf32>
        %add3A_410 = arith.addf %add3A_382, %mul3A_409 : vector<16xf32>
        %mul3A_411 = arith.mulf %exp3A_408, %get3A_395 : vector<16xf32>
        %add3A_412 = arith.addf %add3A_384, %mul3A_411 : vector<16xf32>
        %add3A_413 = arith.addf %add3A_385, %exp3A_408 : vector<16xf32>
        %add3A_414 = arith.constant 3 : i32
        %add3A_415 = arith.addi %mul3A_332, %add3A_414 : i32
        %get3A_416 = arith.index_cast %add3A_415 : i32 to index
        %get3A_417 = arith.constant 0 : index
        %get3A_418 = tpu.vector_load %arg7[%get3A_416, %get3A_417] {strides = array<i32>} : memref<1280x32xf32, #tpu.memory_space<vmem>>, vector<16xf32>,
        %add3A_419 = arith.constant 3 : i32
        %add3A_420 = arith.addi %mul3A_332, %add3A_419 : i32
        %get3A_421 = arith.index_cast %add3A_420 : i32 to index
        %get3A_422 = arith.constant 16 : index
        %get3A_423 = tpu.vector_load %arg7[%get3A_421, %get3A_422] {strides = array<i32>} : memref<1280x32xf32, #tpu.memory_space<vmem>>, vector<16xf32>,
        %sub3A_424 = arith.subf %get3A_418, %get3A_322 : vector<16xf32>
        %sub3A_425 = arith.subf %get3A_423, %get3A_325 : vector<16xf32>
        %mul3A_426 = arith.mulf %sub3A_424, %sub3A_424 : vector<16xf32>
        %mul3A_427 = arith.mulf %sub3A_425, %sub3A_425 : vector<16xf32>
        %add3A_428 = arith.addf %mul3A_426, %mul3A_427 : vector<16xf32>
        %reduce_sum3A_429 = arith.constant true
        %reduce_sum3A_430 = vector.broadcast %reduce_sum3A_429 : i1 to vector<16xi1>
        %reduce_sum3A_431 = tpu.scan <sum>, %add3A_428 masked %reduce_sum3A_430 : vector<16xf32>, vector<16xi1> -> vector<16xf32>
        %reduce_sum3A_432 = vector.extract %reduce_sum3A_431[15] : f32 from vector<16xf32>
        %mul3A_433 = arith.constant -5.000000e-01 : f32
        %mul3A_434 = arith.mulf %reduce_sum3A_432, %mul3A_433 : f32
        %broadcast_in_dim3A_435 = vector.broadcast %mul3A_434 : f32 to vector<16xf32>
        %exp3A_436 = math.exp %broadcast_in_dim3A_435 : vector<16xf32>
        %mul3A_437 = arith.mulf %exp3A_436, %get3A_418 : vector<16xf32>
        %add3A_438 = arith.addf %add3A_410, %mul3A_437 : vector<16xf32>
        %mul3A_439 = arith.mulf %exp3A_436, %get3A_423 : vector<16xf32>
        %add3A_440 = arith.addf %add3A_412, %mul3A_439 : vector<16xf32>
        %add3A_441 = arith.addf %add3A_413, %exp3A_436 : vector<16xf32>
        %add3A_442 = arith.constant 4 : i32
        %add3A_443 = arith.addi %mul3A_332, %add3A_442 : i32
        %get3A_444 = arith.index_cast %add3A_443 : i32 to index
        %get3A_445 = arith.constant 0 : index
        %get3A_446 = tpu.vector_load %arg7[%get3A_444, %get3A_445] {strides = array<i32>} : memref<1280x32xf32, #tpu.memory_space<vmem>>, vector<16xf32>,
        %add3A_447 = arith.constant 4 : i32
        %add3A_448 = arith.addi %mul3A_332, %add3A_447 : i32
        %get3A_449 = arith.index_cast %add3A_448 : i32 to index
        %get3A_450 = arith.constant 16 : index
        %get3A_451 = tpu.vector_load %arg7[%get3A_449, %get3A_450] {strides = array<i32>} : memref<1280x32xf32, #tpu.memory_space<vmem>>, vector<16xf32>,
        %sub3A_452 = arith.subf %get3A_446, %get3A_322 : vector<16xf32>
        %sub3A_453 = arith.subf %get3A_451, %get3A_325 : vector<16xf32>
        %mul3A_454 = arith.mulf %sub3A_452, %sub3A_452 : vector<16xf32>
        %mul3A_455 = arith.mulf %sub3A_453, %sub3A_453 : vector<16xf32>
        %add3A_456 = arith.addf %mul3A_454, %mul3A_455 : vector<16xf32>
        %reduce_sum3A_457 = arith.constant true
        %reduce_sum3A_458 = vector.broadcast %reduce_sum3A_457 : i1 to vector<16xi1>
        %reduce_sum3A_459 = tpu.scan <sum>, %add3A_456 masked %reduce_sum3A_458 : vector<16xf32>, vector<16xi1> -> vector<16xf32>
        %reduce_sum3A_460 = vector.extract %reduce_sum3A_459[15] : f32 from vector<16xf32>
        %mul3A_461 = arith.constant -5.000000e-01 : f32
        %mul3A_462 = arith.mulf %reduce_sum3A_460, %mul3A_461 : f32
        %broadcast_in_dim3A_463 = vector.broadcast %mul3A_462 : f32 to vector<16xf32>
        %exp3A_464 = math.exp %broadcast_in_dim3A_463 : vector<16xf32>
        %mul3A_465 = arith.mulf %exp3A_464, %get3A_446 : vector<16xf32>
        %add3A_466 = arith.addf %add3A_438, %mul3A_465 : vector<16xf32>
        %mul3A_467 = arith.mulf %exp3A_464, %get3A_451 : vector<16xf32>
        %add3A_468 = arith.addf %add3A_440, %mul3A_467 : vector<16xf32>
        %add3A_469 = arith.addf %add3A_441, %exp3A_464 : vector<16xf32>
        %add3A_470 = arith.constant 5 : i32
        %add3A_471 = arith.addi %mul3A_332, %add3A_470 : i32
        %get3A_472 = arith.index_cast %add3A_471 : i32 to index
        %get3A_473 = arith.constant 0 : index
        %get3A_474 = tpu.vector_load %arg7[%get3A_472, %get3A_473] {strides = array<i32>} : memref<1280x32xf32, #tpu.memory_space<vmem>>, vector<16xf32>,
        %add3A_475 = arith.constant 5 : i32
        %add3A_476 = arith.addi %mul3A_332, %add3A_475 : i32
        %get3A_477 = arith.index_cast %add3A_476 : i32 to index
        %get3A_478 = arith.constant 16 : index
        %get3A_479 = tpu.vector_load %arg7[%get3A_477, %get3A_478] {strides = array<i32>} : memref<1280x32xf32, #tpu.memory_space<vmem>>, vector<16xf32>,
        %sub3A_480 = arith.subf %get3A_474, %get3A_322 : vector<16xf32>
        %sub3A_481 = arith.subf %get3A_479, %get3A_325 : vector<16xf32>
        %mul3A_482 = arith.mulf %sub3A_480, %sub3A_480 : vector<16xf32>
        %mul3A_483 = arith.mulf %sub3A_481, %sub3A_481 : vector<16xf32>
        %add3A_484 = arith.addf %mul3A_482, %mul3A_483 : vector<16xf32>
        %reduce_sum3A_485 = arith.constant true
        %reduce_sum3A_486 = vector.broadcast %reduce_sum3A_485 : i1 to vector<16xi1>
        %reduce_sum3A_487 = tpu.scan <sum>, %add3A_484 masked %reduce_sum3A_486 : vector<16xf32>, vector<16xi1> -> vector<16xf32>
        %reduce_sum3A_488 = vector.extract %reduce_sum3A_487[15] : f32 from vector<16xf32>
        %mul3A_489 = arith.constant -5.000000e-01 : f32
        %mul3A_490 = arith.mulf %reduce_sum3A_488, %mul3A_489 : f32
        %broadcast_in_dim3A_491 = vector.broadcast %mul3A_490 : f32 to vector<16xf32>
        %exp3A_492 = math.exp %broadcast_in_dim3A_491 : vector<16xf32>
        %mul3A_493 = arith.mulf %exp3A_492, %get3A_474 : vector<16xf32>
        %add3A_494 = arith.addf %add3A_466, %mul3A_493 : vector<16xf32>
        %mul3A_495 = arith.mulf %exp3A_492, %get3A_479 : vector<16xf32>
        %add3A_496 = arith.addf %add3A_468, %mul3A_495 : vector<16xf32>
        %add3A_497 = arith.addf %add3A_469, %exp3A_492 : vector<16xf32>
        %add3A_498 = arith.constant 6 : i32
        %add3A_499 = arith.addi %mul3A_332, %add3A_498 : i32
        %get3A_500 = arith.index_cast %add3A_499 : i32 to index
        %get3A_501 = arith.constant 0 : index
        %get3A_502 = tpu.vector_load %arg7[%get3A_500, %get3A_501] {strides = array<i32>} : memref<1280x32xf32, #tpu.memory_space<vmem>>, vector<16xf32>,
        %add3A_503 = arith.constant 6 : i32
        %add3A_504 = arith.addi %mul3A_332, %add3A_503 : i32
        %get3A_505 = arith.index_cast %add3A_504 : i32 to index
        %get3A_506 = arith.constant 16 : index
        %get3A_507 = tpu.vector_load %arg7[%get3A_505, %get3A_506] {strides = array<i32>} : memref<1280x32xf32, #tpu.memory_space<vmem>>, vector<16xf32>,
        %sub3A_508 = arith.subf %get3A_502, %get3A_322 : vector<16xf32>
        %sub3A_509 = arith.subf %get3A_507, %get3A_325 : vector<16xf32>
        %mul3A_510 = arith.mulf %sub3A_508, %sub3A_508 : vector<16xf32>
        %mul3A_511 = arith.mulf %sub3A_509, %sub3A_509 : vector<16xf32>
        %add3A_512 = arith.addf %mul3A_510, %mul3A_511 : vector<16xf32>
        %reduce_sum3A_513 = arith.constant true
        %reduce_sum3A_514 = vector.broadcast %reduce_sum3A_513 : i1 to vector<16xi1>
        %reduce_sum3A_515 = tpu.scan <sum>, %add3A_512 masked %reduce_sum3A_514 : vector<16xf32>, vector<16xi1> -> vector<16xf32>
        %reduce_sum3A_516 = vector.extract %reduce_sum3A_515[15] : f32 from vector<16xf32>
        %mul3A_517 = arith.constant -5.000000e-01 : f32
        %mul3A_518 = arith.mulf %reduce_sum3A_516, %mul3A_517 : f32
        %broadcast_in_dim3A_519 = vector.broadcast %mul3A_518 : f32 to vector<16xf32>
        %exp3A_520 = math.exp %broadcast_in_dim3A_519 : vector<16xf32>
        %mul3A_521 = arith.mulf %exp3A_520, %get3A_502 : vector<16xf32>
        %add3A_522 = arith.addf %add3A_494, %mul3A_521 : vector<16xf32>
        %mul3A_523 = arith.mulf %exp3A_520, %get3A_507 : vector<16xf32>
        %add3A_524 = arith.addf %add3A_496, %mul3A_523 : vector<16xf32>
        %add3A_525 = arith.addf %add3A_497, %exp3A_520 : vector<16xf32>
        %add3A_526 = arith.constant 7 : i32
        %add3A_527 = arith.addi %mul3A_332, %add3A_526 : i32
        %get3A_528 = arith.index_cast %add3A_527 : i32 to index
        %get3A_529 = arith.constant 0 : index
        %get3A_530 = tpu.vector_load %arg7[%get3A_528, %get3A_529] {strides = array<i32>} : memref<1280x32xf32, #tpu.memory_space<vmem>>, vector<16xf32>,
        %add3A_531 = arith.constant 7 : i32
        %add3A_532 = arith.addi %mul3A_332, %add3A_531 : i32
        %get3A_533 = arith.index_cast %add3A_532 : i32 to index
        %get3A_534 = arith.constant 16 : index
        %get3A_535 = tpu.vector_load %arg7[%get3A_533, %get3A_534] {strides = array<i32>} : memref<1280x32xf32, #tpu.memory_space<vmem>>, vector<16xf32>,
        %sub3A_536 = arith.subf %get3A_530, %get3A_322 : vector<16xf32>
        %sub3A_537 = arith.subf %get3A_535, %get3A_325 : vector<16xf32>
        %mul3A_538 = arith.mulf %sub3A_536, %sub3A_536 : vector<16xf32>
        %mul3A_539 = arith.mulf %sub3A_537, %sub3A_537 : vector<16xf32>
        %add3A_540 = arith.addf %mul3A_538, %mul3A_539 : vector<16xf32>
        %reduce_sum3A_541 = arith.constant true
        %reduce_sum3A_542 = vector.broadcast %reduce_sum3A_541 : i1 to vector<16xi1>
        %reduce_sum3A_543 = tpu.scan <sum>, %add3A_540 masked %reduce_sum3A_542 : vector<16xf32>, vector<16xi1> -> vector<16xf32>
        %reduce_sum3A_544 = vector.extract %reduce_sum3A_543[15] : f32 from vector<16xf32>
        %mul3A_545 = arith.constant -5.000000e-01 : f32
        %mul3A_546 = arith.mulf %reduce_sum3A_544, %mul3A_545 : f32
        %broadcast_in_dim3A_547 = vector.broadcast %mul3A_546 : f32 to vector<16xf32>
        %exp3A_548 = math.exp %broadcast_in_dim3A_547 : vector<16xf32>
        %mul3A_549 = arith.mulf %exp3A_548, %get3A_530 : vector<16xf32>
        %add3A_550 = arith.addf %add3A_522, %mul3A_549 : vector<16xf32>
        %mul3A_551 = arith.mulf %exp3A_548, %get3A_535 : vector<16xf32>
        %add3A_552 = arith.addf %add3A_524, %mul3A_551 : vector<16xf32>
        %add3A_553 = arith.addf %add3A_525, %exp3A_548 : vector<16xf32>
        %add3A_554 = arith.constant 8 : i32
        %add3A_555 = arith.addi %mul3A_332, %add3A_554 : i32
        %get3A_556 = arith.index_cast %add3A_555 : i32 to index
        %get3A_557 = arith.constant 0 : index
        %get3A_558 = tpu.vector_load %arg7[%get3A_556, %get3A_557] {strides = array<i32>} : memref<1280x32xf32, #tpu.memory_space<vmem>>, vector<16xf32>,
        %add3A_559 = arith.constant 8 : i32
        %add3A_560 = arith.addi %mul3A_332, %add3A_559 : i32
        %get3A_561 = arith.index_cast %add3A_560 : i32 to index
        %get3A_562 = arith.constant 16 : index
        %get3A_563 = tpu.vector_load %arg7[%get3A_561, %get3A_562] {strides = array<i32>} : memref<1280x32xf32, #tpu.memory_space<vmem>>, vector<16xf32>,
        %sub3A_564 = arith.subf %get3A_558, %get3A_322 : vector<16xf32>
        %sub3A_565 = arith.subf %get3A_563, %get3A_325 : vector<16xf32>
        %mul3A_566 = arith.mulf %sub3A_564, %sub3A_564 : vector<16xf32>
        %mul3A_567 = arith.mulf %sub3A_565, %sub3A_565 : vector<16xf32>
        %add3A_568 = arith.addf %mul3A_566, %mul3A_567 : vector<16xf32>
        %reduce_sum3A_569 = arith.constant true
        %reduce_sum3A_570 = vector.broadcast %reduce_sum3A_569 : i1 to vector<16xi1>
        %reduce_sum3A_571 = tpu.scan <sum>, %add3A_568 masked %reduce_sum3A_570 : vector<16xf32>, vector<16xi1> -> vector<16xf32>
        %reduce_sum3A_572 = vector.extract %reduce_sum3A_571[15] : f32 from vector<16xf32>
        %mul3A_573 = arith.constant -5.000000e-01 : f32
        %mul3A_574 = arith.mulf %reduce_sum3A_572, %mul3A_573 : f32
        %broadcast_in_dim3A_575 = vector.broadcast %mul3A_574 : f32 to vector<16xf32>
        %exp3A_576 = math.exp %broadcast_in_dim3A_575 : vector<16xf32>
        %mul3A_577 = arith.mulf %exp3A_576, %get3A_558 : vector<16xf32>
        %add3A_578 = arith.addf %add3A_550, %mul3A_577 : vector<16xf32>
        %mul3A_579 = arith.mulf %exp3A_576, %get3A_563 : vector<16xf32>
        %add3A_580 = arith.addf %add3A_552, %mul3A_579 : vector<16xf32>
        %add3A_581 = arith.addf %add3A_553, %exp3A_576 : vector<16xf32>
        %add3A_582 = arith.constant 9 : i32
        %add3A_583 = arith.addi %mul3A_332, %add3A_582 : i32
        %get3A_584 = arith.index_cast %add3A_583 : i32 to index
        %get3A_585 = arith.constant 0 : index
        %get3A_586 = tpu.vector_load %arg7[%get3A_584, %get3A_585] {strides = array<i32>} : memref<1280x32xf32, #tpu.memory_space<vmem>>, vector<16xf32>,
        %add3A_587 = arith.constant 9 : i32
        %add3A_588 = arith.addi %mul3A_332, %add3A_587 : i32
        %get3A_589 = arith.index_cast %add3A_588 : i32 to index
        %get3A_590 = arith.constant 16 : index
        %get3A_591 = tpu.vector_load %arg7[%get3A_589, %get3A_590] {strides = array<i32>} : memref<1280x32xf32, #tpu.memory_space<vmem>>, vector<16xf32>,
        %sub3A_592 = arith.subf %get3A_586, %get3A_322 : vector<16xf32>
        %sub3A_593 = arith.subf %get3A_591, %get3A_325 : vector<16xf32>
        %mul3A_594 = arith.mulf %sub3A_592, %sub3A_592 : vector<16xf32>
        %mul3A_595 = arith.mulf %sub3A_593, %sub3A_593 : vector<16xf32>
        %add3A_596 = arith.addf %mul3A_594, %mul3A_595 : vector<16xf32>
        %reduce_sum3A_597 = arith.constant true
        %reduce_sum3A_598 = vector.broadcast %reduce_sum3A_597 : i1 to vector<16xi1>
        %reduce_sum3A_599 = tpu.scan <sum>, %add3A_596 masked %reduce_sum3A_598 : vector<16xf32>, vector<16xi1> -> vector<16xf32>
        %reduce_sum3A_600 = vector.extract %reduce_sum3A_599[15] : f32 from vector<16xf32>
        %mul3A_601 = arith.constant -5.000000e-01 : f32
        %mul3A_602 = arith.mulf %reduce_sum3A_600, %mul3A_601 : f32
        %broadcast_in_dim3A_603 = vector.broadcast %mul3A_602 : f32 to vector<16xf32>
        %exp3A_604 = math.exp %broadcast_in_dim3A_603 : vector<16xf32>
        %mul3A_605 = arith.mulf %exp3A_604, %get3A_586 : vector<16xf32>
        %add3A_606 = arith.addf %add3A_578, %mul3A_605 : vector<16xf32>
        %mul3A_607 = arith.mulf %exp3A_604, %get3A_591 : vector<16xf32>
        %add3A_608 = arith.addf %add3A_580, %mul3A_607 : vector<16xf32>
        %add3A_609 = arith.addf %add3A_581, %exp3A_604 : vector<16xf32>
        %add3A_610 = arith.constant 10 : i32
        %add3A_611 = arith.addi %mul3A_332, %add3A_610 : i32
        %get3A_612 = arith.index_cast %add3A_611 : i32 to index
        %get3A_613 = arith.constant 0 : index
        %get3A_614 = tpu.vector_load %arg7[%get3A_612, %get3A_613] {strides = array<i32>} : memref<1280x32xf32, #tpu.memory_space<vmem>>, vector<16xf32>,
        %add3A_615 = arith.constant 10 : i32
        %add3A_616 = arith.addi %mul3A_332, %add3A_615 : i32
        %get3A_617 = arith.index_cast %add3A_616 : i32 to index
        %get3A_618 = arith.constant 16 : index
        %get3A_619 = tpu.vector_load %arg7[%get3A_617, %get3A_618] {strides = array<i32>} : memref<1280x32xf32, #tpu.memory_space<vmem>>, vector<16xf32>,
        %sub3A_620 = arith.subf %get3A_614, %get3A_322 : vector<16xf32>
        %sub3A_621 = arith.subf %get3A_619, %get3A_325 : vector<16xf32>
        %mul3A_622 = arith.mulf %sub3A_620, %sub3A_620 : vector<16xf32>
        %mul3A_623 = arith.mulf %sub3A_621, %sub3A_621 : vector<16xf32>
        %add3A_624 = arith.addf %mul3A_622, %mul3A_623 : vector<16xf32>
        %reduce_sum3A_625 = arith.constant true
        %reduce_sum3A_626 = vector.broadcast %reduce_sum3A_625 : i1 to vector<16xi1>
        %reduce_sum3A_627 = tpu.scan <sum>, %add3A_624 masked %reduce_sum3A_626 : vector<16xf32>, vector<16xi1> -> vector<16xf32>
        %reduce_sum3A_628 = vector.extract %reduce_sum3A_627[15] : f32 from vector<16xf32>
        %mul3A_629 = arith.constant -5.000000e-01 : f32
        %mul3A_630 = arith.mulf %reduce_sum3A_628, %mul3A_629 : f32
        %broadcast_in_dim3A_631 = vector.broadcast %mul3A_630 : f32 to vector<16xf32>
        %exp3A_632 = math.exp %broadcast_in_dim3A_631 : vector<16xf32>
        %mul3A_633 = arith.mulf %exp3A_632, %get3A_614 : vector<16xf32>
        %add3A_634 = arith.addf %add3A_606, %mul3A_633 : vector<16xf32>
        %mul3A_635 = arith.mulf %exp3A_632, %get3A_619 : vector<16xf32>
        %add3A_636 = arith.addf %add3A_608, %mul3A_635 : vector<16xf32>
        %add3A_637 = arith.addf %add3A_609, %exp3A_632 : vector<16xf32>
        %add3A_638 = arith.constant 11 : i32
        %add3A_639 = arith.addi %mul3A_332, %add3A_638 : i32
        %get3A_640 = arith.index_cast %add3A_639 : i32 to index
        %get3A_641 = arith.constant 0 : index
        %get3A_642 = tpu.vector_load %arg7[%get3A_640, %get3A_641] {strides = array<i32>} : memref<1280x32xf32, #tpu.memory_space<vmem>>, vector<16xf32>,
        %add3A_643 = arith.constant 11 : i32
        %add3A_644 = arith.addi %mul3A_332, %add3A_643 : i32
        %get3A_645 = arith.index_cast %add3A_644 : i32 to index
        %get3A_646 = arith.constant 16 : index
        %get3A_647 = tpu.vector_load %arg7[%get3A_645, %get3A_646] {strides = array<i32>} : memref<1280x32xf32, #tpu.memory_space<vmem>>, vector<16xf32>,
        %sub3A_648 = arith.subf %get3A_642, %get3A_322 : vector<16xf32>
        %sub3A_649 = arith.subf %get3A_647, %get3A_325 : vector<16xf32>
        %mul3A_650 = arith.mulf %sub3A_648, %sub3A_648 : vector<16xf32>
        %mul3A_651 = arith.mulf %sub3A_649, %sub3A_649 : vector<16xf32>
        %add3A_652 = arith.addf %mul3A_650, %mul3A_651 : vector<16xf32>
        %reduce_sum3A_653 = arith.constant true
        %reduce_sum3A_654 = vector.broadcast %reduce_sum3A_653 : i1 to vector<16xi1>
        %reduce_sum3A_655 = tpu.scan <sum>, %add3A_652 masked %reduce_sum3A_654 : vector<16xf32>, vector<16xi1> -> vector<16xf32>
        %reduce_sum3A_656 = vector.extract %reduce_sum3A_655[15] : f32 from vector<16xf32>
        %mul3A_657 = arith.constant -5.000000e-01 : f32
        %mul3A_658 = arith.mulf %reduce_sum3A_656, %mul3A_657 : f32
        %broadcast_in_dim3A_659 = vector.broadcast %mul3A_658 : f32 to vector<16xf32>
        %exp3A_660 = math.exp %broadcast_in_dim3A_659 : vector<16xf32>
        %mul3A_661 = arith.mulf %exp3A_660, %get3A_642 : vector<16xf32>
        %add3A_662 = arith.addf %add3A_634, %mul3A_661 : vector<16xf32>
        %mul3A_663 = arith.mulf %exp3A_660, %get3A_647 : vector<16xf32>
        %add3A_664 = arith.addf %add3A_636, %mul3A_663 : vector<16xf32>
        %add3A_665 = arith.addf %add3A_637, %exp3A_660 : vector<16xf32>
        %add3A_666 = arith.constant 12 : i32
        %add3A_667 = arith.addi %mul3A_332, %add3A_666 : i32
        %get3A_668 = arith.index_cast %add3A_667 : i32 to index
        %get3A_669 = arith.constant 0 : index
        %get3A_670 = tpu.vector_load %arg7[%get3A_668, %get3A_669] {strides = array<i32>} : memref<1280x32xf32, #tpu.memory_space<vmem>>, vector<16xf32>,
        %add3A_671 = arith.constant 12 : i32
        %add3A_672 = arith.addi %mul3A_332, %add3A_671 : i32
        %get3A_673 = arith.index_cast %add3A_672 : i32 to index
        %get3A_674 = arith.constant 16 : index
        %get3A_675 = tpu.vector_load %arg7[%get3A_673, %get3A_674] {strides = array<i32>} : memref<1280x32xf32, #tpu.memory_space<vmem>>, vector<16xf32>,
        %sub3A_676 = arith.subf %get3A_670, %get3A_322 : vector<16xf32>
        %sub3A_677 = arith.subf %get3A_675, %get3A_325 : vector<16xf32>
        %mul3A_678 = arith.mulf %sub3A_676, %sub3A_676 : vector<16xf32>
        %mul3A_679 = arith.mulf %sub3A_677, %sub3A_677 : vector<16xf32>
        %add3A_680 = arith.addf %mul3A_678, %mul3A_679 : vector<16xf32>
        %reduce_sum3A_681 = arith.constant true
        %reduce_sum3A_682 = vector.broadcast %reduce_sum3A_681 : i1 to vector<16xi1>
        %reduce_sum3A_683 = tpu.scan <sum>, %add3A_680 masked %reduce_sum3A_682 : vector<16xf32>, vector<16xi1> -> vector<16xf32>
        %reduce_sum3A_684 = vector.extract %reduce_sum3A_683[15] : f32 from vector<16xf32>
        %mul3A_685 = arith.constant -5.000000e-01 : f32
        %mul3A_686 = arith.mulf %reduce_sum3A_684, %mul3A_685 : f32
        %broadcast_in_dim3A_687 = vector.broadcast %mul3A_686 : f32 to vector<16xf32>
        %exp3A_688 = math.exp %broadcast_in_dim3A_687 : vector<16xf32>
        %mul3A_689 = arith.mulf %exp3A_688, %get3A_670 : vector<16xf32>
        %add3A_690 = arith.addf %add3A_662, %mul3A_689 : vector<16xf32>
        %mul3A_691 = arith.mulf %exp3A_688, %get3A_675 : vector<16xf32>
        %add3A_692 = arith.addf %add3A_664, %mul3A_691 : vector<16xf32>
        %add3A_693 = arith.addf %add3A_665, %exp3A_688 : vector<16xf32>
        %add3A_694 = arith.constant 13 : i32
        %add3A_695 = arith.addi %mul3A_332, %add3A_694 : i32
        %get3A_696 = arith.index_cast %add3A_695 : i32 to index
        %get3A_697 = arith.constant 0 : index
        %get3A_698 = tpu.vector_load %arg7[%get3A_696, %get3A_697] {strides = array<i32>} : memref<1280x32xf32, #tpu.memory_space<vmem>>, vector<16xf32>,
        %add3A_699 = arith.constant 13 : i32
        %add3A_700 = arith.addi %mul3A_332, %add3A_699 : i32
        %get3A_701 = arith.index_cast %add3A_700 : i32 to index
        %get3A_702 = arith.constant 16 : index
        %get3A_703 = tpu.vector_load %arg7[%get3A_701, %get3A_702] {strides = array<i32>} : memref<1280x32xf32, #tpu.memory_space<vmem>>, vector<16xf32>,
        %sub3A_704 = arith.subf %get3A_698, %get3A_322 : vector<16xf32>
        %sub3A_705 = arith.subf %get3A_703, %get3A_325 : vector<16xf32>
        %mul3A_706 = arith.mulf %sub3A_704, %sub3A_704 : vector<16xf32>
        %mul3A_707 = arith.mulf %sub3A_705, %sub3A_705 : vector<16xf32>
        %add3A_708 = arith.addf %mul3A_706, %mul3A_707 : vector<16xf32>
        %reduce_sum3A_709 = arith.constant true
        %reduce_sum3A_710 = vector.broadcast %reduce_sum3A_709 : i1 to vector<16xi1>
        %reduce_sum3A_711 = tpu.scan <sum>, %add3A_708 masked %reduce_sum3A_710 : vector<16xf32>, vector<16xi1> -> vector<16xf32>
        %reduce_sum3A_712 = vector.extract %reduce_sum3A_711[15] : f32 from vector<16xf32>
        %mul3A_713 = arith.constant -5.000000e-01 : f32
        %mul3A_714 = arith.mulf %reduce_sum3A_712, %mul3A_713 : f32
        %broadcast_in_dim3A_715 = vector.broadcast %mul3A_714 : f32 to vector<16xf32>
        %exp3A_716 = math.exp %broadcast_in_dim3A_715 : vector<16xf32>
        %mul3A_717 = arith.mulf %exp3A_716, %get3A_698 : vector<16xf32>
        %add3A_718 = arith.addf %add3A_690, %mul3A_717 : vector<16xf32>
        %mul3A_719 = arith.mulf %exp3A_716, %get3A_703 : vector<16xf32>
        %add3A_720 = arith.addf %add3A_692, %mul3A_719 : vector<16xf32>
        %add3A_721 = arith.addf %add3A_693, %exp3A_716 : vector<16xf32>
        %add3A_722 = arith.constant 14 : i32
        %add3A_723 = arith.addi %mul3A_332, %add3A_722 : i32
        %get3A_724 = arith.index_cast %add3A_723 : i32 to index
        %get3A_725 = arith.constant 0 : index
        %get3A_726 = tpu.vector_load %arg7[%get3A_724, %get3A_725] {strides = array<i32>} : memref<1280x32xf32, #tpu.memory_space<vmem>>, vector<16xf32>,
        %add3A_727 = arith.constant 14 : i32
        %add3A_728 = arith.addi %mul3A_332, %add3A_727 : i32
        %get3A_729 = arith.index_cast %add3A_728 : i32 to index
        %get3A_730 = arith.constant 16 : index
        %get3A_731 = tpu.vector_load %arg7[%get3A_729, %get3A_730] {strides = array<i32>} : memref<1280x32xf32, #tpu.memory_space<vmem>>, vector<16xf32>,
        %sub3A_732 = arith.subf %get3A_726, %get3A_322 : vector<16xf32>
        %sub3A_733 = arith.subf %get3A_731, %get3A_325 : vector<16xf32>
        %mul3A_734 = arith.mulf %sub3A_732, %sub3A_732 : vector<16xf32>
        %mul3A_735 = arith.mulf %sub3A_733, %sub3A_733 : vector<16xf32>
        %add3A_736 = arith.addf %mul3A_734, %mul3A_735 : vector<16xf32>
        %reduce_sum3A_737 = arith.constant true
        %reduce_sum3A_738 = vector.broadcast %reduce_sum3A_737 : i1 to vector<16xi1>
        %reduce_sum3A_739 = tpu.scan <sum>, %add3A_736 masked %reduce_sum3A_738 : vector<16xf32>, vector<16xi1> -> vector<16xf32>
        %reduce_sum3A_740 = vector.extract %reduce_sum3A_739[15] : f32 from vector<16xf32>
        %mul3A_741 = arith.constant -5.000000e-01 : f32
        %mul3A_742 = arith.mulf %reduce_sum3A_740, %mul3A_741 : f32
        %broadcast_in_dim3A_743 = vector.broadcast %mul3A_742 : f32 to vector<16xf32>
        %exp3A_744 = math.exp %broadcast_in_dim3A_743 : vector<16xf32>
        %mul3A_745 = arith.mulf %exp3A_744, %get3A_726 : vector<16xf32>
        %add3A_746 = arith.addf %add3A_718, %mul3A_745 : vector<16xf32>
        %mul3A_747 = arith.mulf %exp3A_744, %get3A_731 : vector<16xf32>
        %add3A_748 = arith.addf %add3A_720, %mul3A_747 : vector<16xf32>
        %add3A_749 = arith.addf %add3A_721, %exp3A_744 : vector<16xf32>
        %add3A_750 = arith.constant 15 : i32
        %add3A_751 = arith.addi %mul3A_332, %add3A_750 : i32
        %get3A_752 = arith.index_cast %add3A_751 : i32 to index
        %get3A_753 = arith.constant 0 : index
        %get3A_754 = tpu.vector_load %arg7[%get3A_752, %get3A_753] {strides = array<i32>} : memref<1280x32xf32, #tpu.memory_space<vmem>>, vector<16xf32>,
        %add3A_755 = arith.constant 15 : i32
        %add3A_756 = arith.addi %mul3A_332, %add3A_755 : i32
        %get3A_757 = arith.index_cast %add3A_756 : i32 to index
        %get3A_758 = arith.constant 16 : index
        %get3A_759 = tpu.vector_load %arg7[%get3A_757, %get3A_758] {strides = array<i32>} : memref<1280x32xf32, #tpu.memory_space<vmem>>, vector<16xf32>,
        %sub3A_760 = arith.subf %get3A_754, %get3A_322 : vector<16xf32>
        %sub3A_761 = arith.subf %get3A_759, %get3A_325 : vector<16xf32>
        %mul3A_762 = arith.mulf %sub3A_760, %sub3A_760 : vector<16xf32>
        %mul3A_763 = arith.mulf %sub3A_761, %sub3A_761 : vector<16xf32>
        %add3A_764 = arith.addf %mul3A_762, %mul3A_763 : vector<16xf32>
        %reduce_sum3A_765 = arith.constant true
        %reduce_sum3A_766 = vector.broadcast %reduce_sum3A_765 : i1 to vector<16xi1>
        %reduce_sum3A_767 = tpu.scan <sum>, %add3A_764 masked %reduce_sum3A_766 : vector<16xf32>, vector<16xi1> -> vector<16xf32>
        %reduce_sum3A_768 = vector.extract %reduce_sum3A_767[15] : f32 from vector<16xf32>
        %mul3A_769 = arith.constant -5.000000e-01 : f32
        %mul3A_770 = arith.mulf %reduce_sum3A_768, %mul3A_769 : f32
        %broadcast_in_dim3A_771 = vector.broadcast %mul3A_770 : f32 to vector<16xf32>
        %exp3A_772 = math.exp %broadcast_in_dim3A_771 : vector<16xf32>
        %mul3A_773 = arith.mulf %exp3A_772, %get3A_754 : vector<16xf32>
        %add3A_774 = arith.addf %add3A_746, %mul3A_773 : vector<16xf32>
        %mul3A_775 = arith.mulf %exp3A_772, %get3A_759 : vector<16xf32>
        %add3A_776 = arith.addf %add3A_748, %mul3A_775 : vector<16xf32>
        %add3A_777 = arith.addf %add3A_749, %exp3A_772 : vector<16xf32>
        %add3A_778 = arith.constant 16 : i32
        %add3A_779 = arith.addi %mul3A_332, %add3A_778 : i32
        %get3A_780 = arith.index_cast %add3A_779 : i32 to index
        %get3A_781 = arith.constant 0 : index
        %get3A_782 = tpu.vector_load %arg7[%get3A_780, %get3A_781] {strides = array<i32>} : memref<1280x32xf32, #tpu.memory_space<vmem>>, vector<16xf32>,
        %add3A_783 = arith.constant 16 : i32
        %add3A_784 = arith.addi %mul3A_332, %add3A_783 : i32
        %get3A_785 = arith.index_cast %add3A_784 : i32 to index
        %get3A_786 = arith.constant 16 : index
        %get3A_787 = tpu.vector_load %arg7[%get3A_785, %get3A_786] {strides = array<i32>} : memref<1280x32xf32, #tpu.memory_space<vmem>>, vector<16xf32>,
        %sub3A_788 = arith.subf %get3A_782, %get3A_322 : vector<16xf32>
        %sub3A_789 = arith.subf %get3A_787, %get3A_325 : vector<16xf32>
        %mul3A_790 = arith.mulf %sub3A_788, %sub3A_788 : vector<16xf32>
        %mul3A_791 = arith.mulf %sub3A_789, %sub3A_789 : vector<16xf32>
        %add3A_792 = arith.addf %mul3A_790, %mul3A_791 : vector<16xf32>
        %reduce_sum3A_793 = arith.constant true
        %reduce_sum3A_794 = vector.broadcast %reduce_sum3A_793 : i1 to vector<16xi1>
        %reduce_sum3A_795 = tpu.scan <sum>, %add3A_792 masked %reduce_sum3A_794 : vector<16xf32>, vector<16xi1> -> vector<16xf32>
        %reduce_sum3A_796 = vector.extract %reduce_sum3A_795[15] : f32 from vector<16xf32>
        %mul3A_797 = arith.constant -5.000000e-01 : f32
        %mul3A_798 = arith.mulf %reduce_sum3A_796, %mul3A_797 : f32
        %broadcast_in_dim3A_799 = vector.broadcast %mul3A_798 : f32 to vector<16xf32>
        %exp3A_800 = math.exp %broadcast_in_dim3A_799 : vector<16xf32>
        %mul3A_801 = arith.mulf %exp3A_800, %get3A_782 : vector<16xf32>
        %add3A_802 = arith.addf %add3A_774, %mul3A_801 : vector<16xf32>
        %mul3A_803 = arith.mulf %exp3A_800, %get3A_787 : vector<16xf32>
        %add3A_804 = arith.addf %add3A_776, %mul3A_803 : vector<16xf32>
        %add3A_805 = arith.addf %add3A_777, %exp3A_800 : vector<16xf32>
        %add3A_806 = arith.constant 17 : i32
        %add3A_807 = arith.addi %mul3A_332, %add3A_806 : i32
        %get3A_808 = arith.index_cast %add3A_807 : i32 to index
        %get3A_809 = arith.constant 0 : index
        %get3A_810 = tpu.vector_load %arg7[%get3A_808, %get3A_809] {strides = array<i32>} : memref<1280x32xf32, #tpu.memory_space<vmem>>, vector<16xf32>,
        %add3A_811 = arith.constant 17 : i32
        %add3A_812 = arith.addi %mul3A_332, %add3A_811 : i32
        %get3A_813 = arith.index_cast %add3A_812 : i32 to index
        %get3A_814 = arith.constant 16 : index
        %get3A_815 = tpu.vector_load %arg7[%get3A_813, %get3A_814] {strides = array<i32>} : memref<1280x32xf32, #tpu.memory_space<vmem>>, vector<16xf32>,
        %sub3A_816 = arith.subf %get3A_810, %get3A_322 : vector<16xf32>
        %sub3A_817 = arith.subf %get3A_815, %get3A_325 : vector<16xf32>
        %mul3A_818 = arith.mulf %sub3A_816, %sub3A_816 : vector<16xf32>
        %mul3A_819 = arith.mulf %sub3A_817, %sub3A_817 : vector<16xf32>
        %add3A_820 = arith.addf %mul3A_818, %mul3A_819 : vector<16xf32>
        %reduce_sum3A_821 = arith.constant true
        %reduce_sum3A_822 = vector.broadcast %reduce_sum3A_821 : i1 to vector<16xi1>
        %reduce_sum3A_823 = tpu.scan <sum>, %add3A_820 masked %reduce_sum3A_822 : vector<16xf32>, vector<16xi1> -> vector<16xf32>
        %reduce_sum3A_824 = vector.extract %reduce_sum3A_823[15] : f32 from vector<16xf32>
        %mul3A_825 = arith.constant -5.000000e-01 : f32
        %mul3A_826 = arith.mulf %reduce_sum3A_824, %mul3A_825 : f32
        %broadcast_in_dim3A_827 = vector.broadcast %mul3A_826 : f32 to vector<16xf32>
        %exp3A_828 = math.exp %broadcast_in_dim3A_827 : vector<16xf32>
        %mul3A_829 = arith.mulf %exp3A_828, %get3A_810 : vector<16xf32>
        %add3A_830 = arith.addf %add3A_802, %mul3A_829 : vector<16xf32>
        %mul3A_831 = arith.mulf %exp3A_828, %get3A_815 : vector<16xf32>
        %add3A_832 = arith.addf %add3A_804, %mul3A_831 : vector<16xf32>
        %add3A_833 = arith.addf %add3A_805, %exp3A_828 : vector<16xf32>
        %add3A_834 = arith.constant 18 : i32
        %add3A_835 = arith.addi %mul3A_332, %add3A_834 : i32
        %get3A_836 = arith.index_cast %add3A_835 : i32 to index
        %get3A_837 = arith.constant 0 : index
        %get3A_838 = tpu.vector_load %arg7[%get3A_836, %get3A_837] {strides = array<i32>} : memref<1280x32xf32, #tpu.memory_space<vmem>>, vector<16xf32>,
        %add3A_839 = arith.constant 18 : i32
        %add3A_840 = arith.addi %mul3A_332, %add3A_839 : i32
        %get3A_841 = arith.index_cast %add3A_840 : i32 to index
        %get3A_842 = arith.constant 16 : index
        %get3A_843 = tpu.vector_load %arg7[%get3A_841, %get3A_842] {strides = array<i32>} : memref<1280x32xf32, #tpu.memory_space<vmem>>, vector<16xf32>,
        %sub3A_844 = arith.subf %get3A_838, %get3A_322 : vector<16xf32>
        %sub3A_845 = arith.subf %get3A_843, %get3A_325 : vector<16xf32>
        %mul3A_846 = arith.mulf %sub3A_844, %sub3A_844 : vector<16xf32>
        %mul3A_847 = arith.mulf %sub3A_845, %sub3A_845 : vector<16xf32>
        %add3A_848 = arith.addf %mul3A_846, %mul3A_847 : vector<16xf32>
        %reduce_sum3A_849 = arith.constant true
        %reduce_sum3A_850 = vector.broadcast %reduce_sum3A_849 : i1 to vector<16xi1>
        %reduce_sum3A_851 = tpu.scan <sum>, %add3A_848 masked %reduce_sum3A_850 : vector<16xf32>, vector<16xi1> -> vector<16xf32>
        %reduce_sum3A_852 = vector.extract %reduce_sum3A_851[15] : f32 from vector<16xf32>
        %mul3A_853 = arith.constant -5.000000e-01 : f32
        %mul3A_854 = arith.mulf %reduce_sum3A_852, %mul3A_853 : f32
        %broadcast_in_dim3A_855 = vector.broadcast %mul3A_854 : f32 to vector<16xf32>
        %exp3A_856 = math.exp %broadcast_in_dim3A_855 : vector<16xf32>
        %mul3A_857 = arith.mulf %exp3A_856, %get3A_838 : vector<16xf32>
        %add3A_858 = arith.addf %add3A_830, %mul3A_857 : vector<16xf32>
        %mul3A_859 = arith.mulf %exp3A_856, %get3A_843 : vector<16xf32>
        %add3A_860 = arith.addf %add3A_832, %mul3A_859 : vector<16xf32>
        %add3A_861 = arith.addf %add3A_833, %exp3A_856 : vector<16xf32>
        %add3A_862 = arith.constant 19 : i32
        %add3A_863 = arith.addi %mul3A_332, %add3A_862 : i32
        %get3A_864 = arith.index_cast %add3A_863 : i32 to index
        %get3A_865 = arith.constant 0 : index
        %get3A_866 = tpu.vector_load %arg7[%get3A_864, %get3A_865] {strides = array<i32>} : memref<1280x32xf32, #tpu.memory_space<vmem>>, vector<16xf32>,
        %add3A_867 = arith.constant 19 : i32
        %add3A_868 = arith.addi %mul3A_332, %add3A_867 : i32
        %get3A_869 = arith.index_cast %add3A_868 : i32 to index
        %get3A_870 = arith.constant 16 : index
        %get3A_871 = tpu.vector_load %arg7[%get3A_869, %get3A_870] {strides = array<i32>} : memref<1280x32xf32, #tpu.memory_space<vmem>>, vector<16xf32>,
        %sub3A_872 = arith.subf %get3A_866, %get3A_322 : vector<16xf32>
        %sub3A_873 = arith.subf %get3A_871, %get3A_325 : vector<16xf32>
        %mul3A_874 = arith.mulf %sub3A_872, %sub3A_872 : vector<16xf32>
        %mul3A_875 = arith.mulf %sub3A_873, %sub3A_873 : vector<16xf32>
        %add3A_876 = arith.addf %mul3A_874, %mul3A_875 : vector<16xf32>
        %reduce_sum3A_877 = arith.constant true
        %reduce_sum3A_878 = vector.broadcast %reduce_sum3A_877 : i1 to vector<16xi1>
        %reduce_sum3A_879 = tpu.scan <sum>, %add3A_876 masked %reduce_sum3A_878 : vector<16xf32>, vector<16xi1> -> vector<16xf32>
        %reduce_sum3A_880 = vector.extract %reduce_sum3A_879[15] : f32 from vector<16xf32>
        %mul3A_881 = arith.constant -5.000000e-01 : f32
        %mul3A_882 = arith.mulf %reduce_sum3A_880, %mul3A_881 : f32
        %broadcast_in_dim3A_883 = vector.broadcast %mul3A_882 : f32 to vector<16xf32>
        %exp3A_884 = math.exp %broadcast_in_dim3A_883 : vector<16xf32>
        %mul3A_885 = arith.mulf %exp3A_884, %get3A_866 : vector<16xf32>
        %add3A_886 = arith.addf %add3A_858, %mul3A_885 : vector<16xf32>
        %mul3A_887 = arith.mulf %exp3A_884, %get3A_871 : vector<16xf32>
        %add3A_888 = arith.addf %add3A_860, %mul3A_887 : vector<16xf32>
        %add3A_889 = arith.addf %add3A_861, %exp3A_884 : vector<16xf32>
        %add3A_890 = arith.constant 9.99999993E-9 : f32
        %add3A_891 = vector.broadcast %add3A_890 : f32 to vector<16xf32>
        %add3A_892 = arith.addf %add3A_889, %add3A_891 : vector<16xf32>
        %div3A = arith.constant 1.000000e+00 : f32
        %div3A_893 = vector.broadcast %div3A : f32 to vector<16xf32>
        %div3A_894 = arith.divf %div3A_893, %add3A_892 : vector<16xf32>
        %mul3A_895 = arith.mulf %add3A_886, %div3A_894 : vector<16xf32>
        %swap3A = arith.index_cast %scan3A_320 : i32 to index
        %swap3A_896 = arith.constant 0 : index
        %swap3A_897 = tpu.vector_load %arg11[%swap3A, %swap3A_896] {strides = array<i32>} : memref<64x33xf32, #tpu.memory_space<vmem>>, vector<16xf32>,
        tpu.vector_store %arg11[%swap3A, %swap3A_896], %mul3A_895 {strides = array<i32>} : memref<64x33xf32, #tpu.memory_space<vmem>>, vector<16xf32>,
        %mul3A_898 = arith.mulf %add3A_888, %div3A_894 : vector<16xf32>
        %swap3A_899 = arith.index_cast %scan3A_320 : i32 to index
        %swap3A_900 = arith.constant 16 : index
        %swap3A_901 = tpu.vector_load %arg11[%swap3A_899, %swap3A_900] {strides = array<i32>} : memref<64x33xf32, #tpu.memory_space<vmem>>, vector<16xf32>,
        tpu.vector_store %arg11[%swap3A_899, %swap3A_900], %mul3A_898 {strides = array<i32>} : memref<64x33xf32, #tpu.memory_space<vmem>>, vector<16xf32>,
      }
      %scan3A_275 = arith.constant 64 : i32
      %scan3A_276 = arith.constant 0 : i32
      %scan3A_277 = arith.constant 0 : i32
      %scan3A_278 = arith.constant 32 : i32
      %scan3A_279 = arith.addi %scan3A_277, %scan3A_278 : i32
      %scan3A_280 = arith.constant 1 : i32
      scf.for %scan3A_320 = %scan3A_277 to %scan3A_279 step %scan3A_280  : i32 {
        %broadcast_in_dim3A = arith.constant 1 : i32
        %broadcast_in_dim3A_321 = vector.broadcast %broadcast_in_dim3A : i32 to vector<16xi32>
        %mul3A_322 = vector.broadcast %scan3A_320 : i32 to vector<16xi32>
        %mul3A_323 = arith.muli %broadcast_in_dim3A_321, %mul3A_322 : vector<16xi32>
        %add3A_324 = arith.constant 0 : i32
        %add3A_325 = vector.broadcast %add3A_324 : i32 to vector<16xi32>
        %add3A_326 = arith.addi %iota3A, %add3A_325 : vector<16xi32>
        %gather3A = tpu.vector_load_idx %arg11[%add3A_326, %mul3A_323] : memref<64x33xf32, #tpu.memory_space<vmem>>[vector<16xi32>, vector<16xi32>], vector<16xf32>,
        %swap3A = arith.index_cast %scan3A_320 : i32 to index
        %swap3A_327 = arith.constant 0 : index
        %swap3A_328 = tpu.vector_load %arg12[%swap3A, %swap3A_327] {strides = array<i32>} : memref<32x64xf32, #tpu.memory_space<vmem>>, vector<16xf32>,
        tpu.vector_store %arg12[%swap3A, %swap3A_327], %gather3A {strides = array<i32>} : memref<32x64xf32, #tpu.memory_space<vmem>>, vector<16xf32>,
        %add3A_329 = arith.constant 16 : i32
        %add3A_330 = vector.broadcast %add3A_329 : i32 to vector<16xi32>
        %add3A_331 = arith.addi %iota3A, %add3A_330 : vector<16xi32>
        %gather3A_332 = tpu.vector_load_idx %arg11[%add3A_331, %mul3A_323] : memref<64x33xf32, #tpu.memory_space<vmem>>[vector<16xi32>, vector<16xi32>], vector<16xf32>,
        %swap3A_333 = arith.index_cast %scan3A_320 : i32 to index
        %swap3A_334 = arith.constant 16 : index
        %swap3A_335 = tpu.vector_load %arg12[%swap3A_333, %swap3A_334] {strides = array<i32>} : memref<32x64xf32, #tpu.memory_space<vmem>>, vector<16xf32>,
        tpu.vector_store %arg12[%swap3A_333, %swap3A_334], %gather3A_332 {strides = array<i32>} : memref<32x64xf32, #tpu.memory_space<vmem>>, vector<16xf32>,
        %add3A_336 = arith.constant 32 : i32
        %add3A_337 = vector.broadcast %add3A_336 : i32 to vector<16xi32>
        %add3A_338 = arith.addi %iota3A, %add3A_337 : vector<16xi32>
        %gather3A_339 = tpu.vector_load_idx %arg11[%add3A_338, %mul3A_323] : memref<64x33xf32, #tpu.memory_space<vmem>>[vector<16xi32>, vector<16xi32>], vector<16xf32>,
        %swap3A_340 = arith.index_cast %scan3A_320 : i32 to index
        %swap3A_341 = arith.constant 32 : index
        %swap3A_342 = tpu.vector_load %arg12[%swap3A_340, %swap3A_341] {strides = array<i32>} : memref<32x64xf32, #tpu.memory_space<vmem>>, vector<16xf32>,
        tpu.vector_store %arg12[%swap3A_340, %swap3A_341], %gather3A_339 {strides = array<i32>} : memref<32x64xf32, #tpu.memory_space<vmem>>, vector<16xf32>,
        %add3A_343 = arith.constant 48 : i32
        %add3A_344 = vector.broadcast %add3A_343 : i32 to vector<16xi32>
        %add3A_345 = arith.addi %iota3A, %add3A_344 : vector<16xi32>
        %gather3A_346 = tpu.vector_load_idx %arg11[%add3A_345, %mul3A_323] : memref<64x33xf32, #tpu.memory_space<vmem>>[vector<16xi32>, vector<16xi32>], vector<16xf32>,
        %swap3A_347 = arith.index_cast %scan3A_320 : i32 to index
        %swap3A_348 = arith.constant 48 : index
        %swap3A_349 = tpu.vector_load %arg12[%swap3A_347, %swap3A_348] {strides = array<i32>} : memref<32x64xf32, #tpu.memory_space<vmem>>, vector<16xf32>,
        tpu.vector_store %arg12[%swap3A_347, %swap3A_348], %gather3A_346 {strides = array<i32>} : memref<32x64xf32, #tpu.memory_space<vmem>>, vector<16xf32>,
      }
      %scan3A_281 = arith.constant 32 : i32
      %mul3A_282 = arith.constant 512 : i32
      %mul3A_283 = arith.muli %add3A, %mul3A_282 : i32
      %mul3A_284 = arith.constant 64 : i32
      %mul3A_285 = arith.muli %mul3A_117, %mul3A_284 : i32
      %add3A_286 = arith.addi %mul3A_283, %mul3A_285 : i32
      "tpu.region"() ({
        %run_scoped3A = tpu.sem_alloc : memref<!tpu.dma_semaphore, #tpu.memory_space<semaphore_mem>>
        %dma_start3A_320 = arith.constant 0 : i32
        %dma_start3A_321 = tpu.memref_slice %arg5[%dma_start3A_320, %add3A_286] : memref<32x16384xf32, #tpu.memory_space<hbm>> -> memref<32x64xf32, #tpu.memory_space<hbm>>
        %dma_start3A_322 = arith.constant 0 : i32
        %dma_start3A_323 = tpu.memref_slice %arg5[%dma_start3A_322, %add3A_286] : memref<32x16384xf32, #tpu.memory_space<hbm>> -> memref<32x64xf32, #tpu.memory_space<hbm>>
        tpu.enqueue_dma source(%arg12 : memref<32x64xf32, #tpu.memory_space<vmem>>) target(%dma_start3A_323 : memref<32x64xf32, #tpu.memory_space<hbm>>) target_semaphore(%run_scoped3A : memref<!tpu.dma_semaphore, #tpu.memory_space<semaphore_mem>>)
        %dma_wait3A_324 = arith.constant 0 : i32
        %dma_wait3A_325 = tpu.memref_slice %arg5[%dma_wait3A_324, %add3A_286] : memref<32x16384xf32, #tpu.memory_space<hbm>> -> memref<32x64xf32, #tpu.memory_space<hbm>>
        %dma_wait3A_326 = arith.constant 0 : i32
        %dma_wait3A_327 = tpu.memref_slice %arg5[%dma_wait3A_326, %add3A_286] : memref<32x16384xf32, #tpu.memory_space<hbm>> -> memref<32x64xf32, #tpu.memory_space<hbm>>
        tpu.wait_dma2 semaphore(%run_scoped3A : memref<!tpu.dma_semaphore, #tpu.memory_space<semaphore_mem>>) src(%arg12 : memref<32x64xf32, #tpu.memory_space<vmem>>) dst(%dma_wait3A_327 : memref<32x64xf32, #tpu.memory_space<hbm>>)
        tpu.yield
      }) : () -> ()
      %lt3A = arith.constant 3 : i32
      %lt3A_287 = arith.cmpi slt, %scan3A_115, %lt3A : i32
      %convert_element_type3A = arith.extui %lt3A_287 : i1 to i32
      %cond3A = arith.constant 0 : i32
      %cond3A_288 = arith.cmpi ne, %convert_element_type3A, %cond3A : i32
      scf.if %cond3A_288 {
        %add3A_320 = arith.constant 2 : i32
        %add3A_321 = arith.addi %mul3A_117, %add3A_320 : i32
        %mul3A_322 = arith.constant 512 : i32
        %mul3A_323 = arith.muli %add3A, %mul3A_322 : i32
        %mul3A_324 = arith.constant 64 : i32
        %mul3A_325 = arith.muli %add3A_321, %mul3A_324 : i32
        %add3A_326 = arith.addi %mul3A_323, %mul3A_325 : i32
        %mul3A_327 = arith.constant 10 : i32
        %mul3A_328 = arith.muli %add3A_321, %mul3A_327 : i32
        %add3A_329 = arith.constant 0 : i32
        %add3A_330 = arith.addi %mul3A_328, %add3A_329 : i32
        %dma_start3A_331 = arith.constant 0 : i32
        %dma_start3A_332 = arith.constant 0 : i32
        %dma_start3A_333 = tpu.memref_slice %arg7[%dma_start3A_331, %dma_start3A_332] : memref<1280x32xf32, #tpu.memory_space<vmem>> -> memref<128x32xf32, #tpu.memory_space<vmem>>
        %dma_start3A_334 = arith.constant 0 : i32
        %dma_start3A_335 = tpu.memref_slice %arg6[%add3A_330, %dma_start3A_334] : memref<80x128xi32, #tpu.memory_space<vmem>> -> memref<1x128xi32, #tpu.memory_space<vmem>>
        %dma_start3A_336 = tpu.memref_squeeze %dma_start3A_335 : memref<1x128xi32, #tpu.memory_space<vmem>> -> memref<128xi32, #tpu.memory_space<vmem>>
        %dma_start3A_337 = arith.constant 0 : i32
        %dma_start3A_338 = arith.constant 0 : i32
        %dma_start3A_339 = tpu.memref_slice %arg4[%dma_start3A_337, %dma_start3A_338] : memref<1000000x32xf32, #tpu.memory_space<hbm>> -> memref<1000000x32xf32, #tpu.memory_space<hbm>>
        tpu.enqueue_indirect_dma source(%dma_start3A_339 : memref<1000000x32xf32, #tpu.memory_space<hbm>>) target(%dma_start3A_333 : memref<128x32xf32, #tpu.memory_space<vmem>>) offsets(%dma_start3A_336 : memref<128xi32, #tpu.memory_space<vmem>>) semaphore(%arg13 : memref<!tpu.dma_semaphore, #tpu.memory_space<semaphore_mem>>)
        %mul3A_340 = arith.constant 10 : i32
        %mul3A_341 = arith.muli %add3A_321, %mul3A_340 : i32
        %add3A_342 = arith.constant 1 : i32
        %add3A_343 = arith.addi %mul3A_341, %add3A_342 : i32
        %dma_start3A_344 = arith.constant 128 : i32
        %dma_start3A_345 = arith.constant 0 : i32
        %dma_start3A_346 = tpu.memref_slice %arg7[%dma_start3A_344, %dma_start3A_345] : memref<1280x32xf32, #tpu.memory_space<vmem>> -> memref<128x32xf32, #tpu.memory_space<vmem>>
        %dma_start3A_347 = arith.constant 0 : i32
        %dma_start3A_348 = tpu.memref_slice %arg6[%add3A_343, %dma_start3A_347] : memref<80x128xi32, #tpu.memory_space<vmem>> -> memref<1x128xi32, #tpu.memory_space<vmem>>
        %dma_start3A_349 = tpu.memref_squeeze %dma_start3A_348 : memref<1x128xi32, #tpu.memory_space<vmem>> -> memref<128xi32, #tpu.memory_space<vmem>>
        %dma_start3A_350 = arith.constant 0 : i32
        %dma_start3A_351 = arith.constant 0 : i32
        %dma_start3A_352 = tpu.memref_slice %arg4[%dma_start3A_350, %dma_start3A_351] : memref<1000000x32xf32, #tpu.memory_space<hbm>> -> memref<1000000x32xf32, #tpu.memory_space<hbm>>
        tpu.enqueue_indirect_dma source(%dma_start3A_352 : memref<1000000x32xf32, #tpu.memory_space<hbm>>) target(%dma_start3A_346 : memref<128x32xf32, #tpu.memory_space<vmem>>) offsets(%dma_start3A_349 : memref<128xi32, #tpu.memory_space<vmem>>) semaphore(%arg13 : memref<!tpu.dma_semaphore, #tpu.memory_space<semaphore_mem>>)
        %mul3A_353 = arith.constant 10 : i32
        %mul3A_354 = arith.muli %add3A_321, %mul3A_353 : i32
        %add3A_355 = arith.constant 2 : i32
        %add3A_356 = arith.addi %mul3A_354, %add3A_355 : i32
        %dma_start3A_357 = arith.constant 256 : i32
        %dma_start3A_358 = arith.constant 0 : i32
        %dma_start3A_359 = tpu.memref_slice %arg7[%dma_start3A_357, %dma_start3A_358] : memref<1280x32xf32, #tpu.memory_space<vmem>> -> memref<128x32xf32, #tpu.memory_space<vmem>>
        %dma_start3A_360 = arith.constant 0 : i32
        %dma_start3A_361 = tpu.memref_slice %arg6[%add3A_356, %dma_start3A_360] : memref<80x128xi32, #tpu.memory_space<vmem>> -> memref<1x128xi32, #tpu.memory_space<vmem>>
        %dma_start3A_362 = tpu.memref_squeeze %dma_start3A_361 : memref<1x128xi32, #tpu.memory_space<vmem>> -> memref<128xi32, #tpu.memory_space<vmem>>
        %dma_start3A_363 = arith.constant 0 : i32
        %dma_start3A_364 = arith.constant 0 : i32
        %dma_start3A_365 = tpu.memref_slice %arg4[%dma_start3A_363, %dma_start3A_364] : memref<1000000x32xf32, #tpu.memory_space<hbm>> -> memref<1000000x32xf32, #tpu.memory_space<hbm>>
        tpu.enqueue_indirect_dma source(%dma_start3A_365 : memref<1000000x32xf32, #tpu.memory_space<hbm>>) target(%dma_start3A_359 : memref<128x32xf32, #tpu.memory_space<vmem>>) offsets(%dma_start3A_362 : memref<128xi32, #tpu.memory_space<vmem>>) semaphore(%arg13 : memref<!tpu.dma_semaphore, #tpu.memory_space<semaphore_mem>>)
        %mul3A_366 = arith.constant 10 : i32
        %mul3A_367 = arith.muli %add3A_321, %mul3A_366 : i32
        %add3A_368 = arith.constant 3 : i32
        %add3A_369 = arith.addi %mul3A_367, %add3A_368 : i32
        %dma_start3A_370 = arith.constant 384 : i32
        %dma_start3A_371 = arith.constant 0 : i32
        %dma_start3A_372 = tpu.memref_slice %arg7[%dma_start3A_370, %dma_start3A_371] : memref<1280x32xf32, #tpu.memory_space<vmem>> -> memref<128x32xf32, #tpu.memory_space<vmem>>
        %dma_start3A_373 = arith.constant 0 : i32
        %dma_start3A_374 = tpu.memref_slice %arg6[%add3A_369, %dma_start3A_373] : memref<80x128xi32, #tpu.memory_space<vmem>> -> memref<1x128xi32, #tpu.memory_space<vmem>>
        %dma_start3A_375 = tpu.memref_squeeze %dma_start3A_374 : memref<1x128xi32, #tpu.memory_space<vmem>> -> memref<128xi32, #tpu.memory_space<vmem>>
        %dma_start3A_376 = arith.constant 0 : i32
        %dma_start3A_377 = arith.constant 0 : i32
        %dma_start3A_378 = tpu.memref_slice %arg4[%dma_start3A_376, %dma_start3A_377] : memref<1000000x32xf32, #tpu.memory_space<hbm>> -> memref<1000000x32xf32, #tpu.memory_space<hbm>>
        tpu.enqueue_indirect_dma source(%dma_start3A_378 : memref<1000000x32xf32, #tpu.memory_space<hbm>>) target(%dma_start3A_372 : memref<128x32xf32, #tpu.memory_space<vmem>>) offsets(%dma_start3A_375 : memref<128xi32, #tpu.memory_space<vmem>>) semaphore(%arg13 : memref<!tpu.dma_semaphore, #tpu.memory_space<semaphore_mem>>)
        %mul3A_379 = arith.constant 10 : i32
        %mul3A_380 = arith.muli %add3A_321, %mul3A_379 : i32
        %add3A_381 = arith.constant 4 : i32
        %add3A_382 = arith.addi %mul3A_380, %add3A_381 : i32
        %dma_start3A_383 = arith.constant 512 : i32
        %dma_start3A_384 = arith.constant 0 : i32
        %dma_start3A_385 = tpu.memref_slice %arg7[%dma_start3A_383, %dma_start3A_384] : memref<1280x32xf32, #tpu.memory_space<vmem>> -> memref<128x32xf32, #tpu.memory_space<vmem>>
        %dma_start3A_386 = arith.constant 0 : i32
        %dma_start3A_387 = tpu.memref_slice %arg6[%add3A_382, %dma_start3A_386] : memref<80x128xi32, #tpu.memory_space<vmem>> -> memref<1x128xi32, #tpu.memory_space<vmem>>
        %dma_start3A_388 = tpu.memref_squeeze %dma_start3A_387 : memref<1x128xi32, #tpu.memory_space<vmem>> -> memref<128xi32, #tpu.memory_space<vmem>>
        %dma_start3A_389 = arith.constant 0 : i32
        %dma_start3A_390 = arith.constant 0 : i32
        %dma_start3A_391 = tpu.memref_slice %arg4[%dma_start3A_389, %dma_start3A_390] : memref<1000000x32xf32, #tpu.memory_space<hbm>> -> memref<1000000x32xf32, #tpu.memory_space<hbm>>
        tpu.enqueue_indirect_dma source(%dma_start3A_391 : memref<1000000x32xf32, #tpu.memory_space<hbm>>) target(%dma_start3A_385 : memref<128x32xf32, #tpu.memory_space<vmem>>) offsets(%dma_start3A_388 : memref<128xi32, #tpu.memory_space<vmem>>) semaphore(%arg13 : memref<!tpu.dma_semaphore, #tpu.memory_space<semaphore_mem>>)
        %mul3A_392 = arith.constant 10 : i32
        %mul3A_393 = arith.muli %add3A_321, %mul3A_392 : i32
        %add3A_394 = arith.constant 5 : i32
        %add3A_395 = arith.addi %mul3A_393, %add3A_394 : i32
        %dma_start3A_396 = arith.constant 640 : i32
        %dma_start3A_397 = arith.constant 0 : i32
        %dma_start3A_398 = tpu.memref_slice %arg7[%dma_start3A_396, %dma_start3A_397] : memref<1280x32xf32, #tpu.memory_space<vmem>> -> memref<128x32xf32, #tpu.memory_space<vmem>>
        %dma_start3A_399 = arith.constant 0 : i32
        %dma_start3A_400 = tpu.memref_slice %arg6[%add3A_395, %dma_start3A_399] : memref<80x128xi32, #tpu.memory_space<vmem>> -> memref<1x128xi32, #tpu.memory_space<vmem>>
        %dma_start3A_401 = tpu.memref_squeeze %dma_start3A_400 : memref<1x128xi32, #tpu.memory_space<vmem>> -> memref<128xi32, #tpu.memory_space<vmem>>
        %dma_start3A_402 = arith.constant 0 : i32
        %dma_start3A_403 = arith.constant 0 : i32
        %dma_start3A_404 = tpu.memref_slice %arg4[%dma_start3A_402, %dma_start3A_403] : memref<1000000x32xf32, #tpu.memory_space<hbm>> -> memref<1000000x32xf32, #tpu.memory_space<hbm>>
        tpu.enqueue_indirect_dma source(%dma_start3A_404 : memref<1000000x32xf32, #tpu.memory_space<hbm>>) target(%dma_start3A_398 : memref<128x32xf32, #tpu.memory_space<vmem>>) offsets(%dma_start3A_401 : memref<128xi32, #tpu.memory_space<vmem>>) semaphore(%arg13 : memref<!tpu.dma_semaphore, #tpu.memory_space<semaphore_mem>>)
        %mul3A_405 = arith.constant 10 : i32
        %mul3A_406 = arith.muli %add3A_321, %mul3A_405 : i32
        %add3A_407 = arith.constant 6 : i32
        %add3A_408 = arith.addi %mul3A_406, %add3A_407 : i32
        %dma_start3A_409 = arith.constant 768 : i32
        %dma_start3A_410 = arith.constant 0 : i32
        %dma_start3A_411 = tpu.memref_slice %arg7[%dma_start3A_409, %dma_start3A_410] : memref<1280x32xf32, #tpu.memory_space<vmem>> -> memref<128x32xf32, #tpu.memory_space<vmem>>
        %dma_start3A_412 = arith.constant 0 : i32
        %dma_start3A_413 = tpu.memref_slice %arg6[%add3A_408, %dma_start3A_412] : memref<80x128xi32, #tpu.memory_space<vmem>> -> memref<1x128xi32, #tpu.memory_space<vmem>>
        %dma_start3A_414 = tpu.memref_squeeze %dma_start3A_413 : memref<1x128xi32, #tpu.memory_space<vmem>> -> memref<128xi32, #tpu.memory_space<vmem>>
        %dma_start3A_415 = arith.constant 0 : i32
        %dma_start3A_416 = arith.constant 0 : i32
        %dma_start3A_417 = tpu.memref_slice %arg4[%dma_start3A_415, %dma_start3A_416] : memref<1000000x32xf32, #tpu.memory_space<hbm>> -> memref<1000000x32xf32, #tpu.memory_space<hbm>>
        tpu.enqueue_indirect_dma source(%dma_start3A_417 : memref<1000000x32xf32, #tpu.memory_space<hbm>>) target(%dma_start3A_411 : memref<128x32xf32, #tpu.memory_space<vmem>>) offsets(%dma_start3A_414 : memref<128xi32, #tpu.memory_space<vmem>>) semaphore(%arg13 : memref<!tpu.dma_semaphore, #tpu.memory_space<semaphore_mem>>)
        %mul3A_418 = arith.constant 10 : i32
        %mul3A_419 = arith.muli %add3A_321, %mul3A_418 : i32
        %add3A_420 = arith.constant 7 : i32
        %add3A_421 = arith.addi %mul3A_419, %add3A_420 : i32
        %dma_start3A_422 = arith.constant 896 : i32
        %dma_start3A_423 = arith.constant 0 : i32
        %dma_start3A_424 = tpu.memref_slice %arg7[%dma_start3A_422, %dma_start3A_423] : memref<1280x32xf32, #tpu.memory_space<vmem>> -> memref<128x32xf32, #tpu.memory_space<vmem>>
        %dma_start3A_425 = arith.constant 0 : i32
        %dma_start3A_426 = tpu.memref_slice %arg6[%add3A_421, %dma_start3A_425] : memref<80x128xi32, #tpu.memory_space<vmem>> -> memref<1x128xi32, #tpu.memory_space<vmem>>
        %dma_start3A_427 = tpu.memref_squeeze %dma_start3A_426 : memref<1x128xi32, #tpu.memory_space<vmem>> -> memref<128xi32, #tpu.memory_space<vmem>>
        %dma_start3A_428 = arith.constant 0 : i32
        %dma_start3A_429 = arith.constant 0 : i32
        %dma_start3A_430 = tpu.memref_slice %arg4[%dma_start3A_428, %dma_start3A_429] : memref<1000000x32xf32, #tpu.memory_space<hbm>> -> memref<1000000x32xf32, #tpu.memory_space<hbm>>
        tpu.enqueue_indirect_dma source(%dma_start3A_430 : memref<1000000x32xf32, #tpu.memory_space<hbm>>) target(%dma_start3A_424 : memref<128x32xf32, #tpu.memory_space<vmem>>) offsets(%dma_start3A_427 : memref<128xi32, #tpu.memory_space<vmem>>) semaphore(%arg13 : memref<!tpu.dma_semaphore, #tpu.memory_space<semaphore_mem>>)
        %mul3A_431 = arith.constant 10 : i32
        %mul3A_432 = arith.muli %add3A_321, %mul3A_431 : i32
        %add3A_433 = arith.constant 8 : i32
        %add3A_434 = arith.addi %mul3A_432, %add3A_433 : i32
        %dma_start3A_435 = arith.constant 1024 : i32
        %dma_start3A_436 = arith.constant 0 : i32
        %dma_start3A_437 = tpu.memref_slice %arg7[%dma_start3A_435, %dma_start3A_436] : memref<1280x32xf32, #tpu.memory_space<vmem>> -> memref<128x32xf32, #tpu.memory_space<vmem>>
        %dma_start3A_438 = arith.constant 0 : i32
        %dma_start3A_439 = tpu.memref_slice %arg6[%add3A_434, %dma_start3A_438] : memref<80x128xi32, #tpu.memory_space<vmem>> -> memref<1x128xi32, #tpu.memory_space<vmem>>
        %dma_start3A_440 = tpu.memref_squeeze %dma_start3A_439 : memref<1x128xi32, #tpu.memory_space<vmem>> -> memref<128xi32, #tpu.memory_space<vmem>>
        %dma_start3A_441 = arith.constant 0 : i32
        %dma_start3A_442 = arith.constant 0 : i32
        %dma_start3A_443 = tpu.memref_slice %arg4[%dma_start3A_441, %dma_start3A_442] : memref<1000000x32xf32, #tpu.memory_space<hbm>> -> memref<1000000x32xf32, #tpu.memory_space<hbm>>
        tpu.enqueue_indirect_dma source(%dma_start3A_443 : memref<1000000x32xf32, #tpu.memory_space<hbm>>) target(%dma_start3A_437 : memref<128x32xf32, #tpu.memory_space<vmem>>) offsets(%dma_start3A_440 : memref<128xi32, #tpu.memory_space<vmem>>) semaphore(%arg13 : memref<!tpu.dma_semaphore, #tpu.memory_space<semaphore_mem>>)
        %mul3A_444 = arith.constant 10 : i32
        %mul3A_445 = arith.muli %add3A_321, %mul3A_444 : i32
        %add3A_446 = arith.constant 9 : i32
        %add3A_447 = arith.addi %mul3A_445, %add3A_446 : i32
        %dma_start3A_448 = arith.constant 1152 : i32
        %dma_start3A_449 = arith.constant 0 : i32
        %dma_start3A_450 = tpu.memref_slice %arg7[%dma_start3A_448, %dma_start3A_449] : memref<1280x32xf32, #tpu.memory_space<vmem>> -> memref<128x32xf32, #tpu.memory_space<vmem>>
        %dma_start3A_451 = arith.constant 0 : i32
        %dma_start3A_452 = tpu.memref_slice %arg6[%add3A_447, %dma_start3A_451] : memref<80x128xi32, #tpu.memory_space<vmem>> -> memref<1x128xi32, #tpu.memory_space<vmem>>
        %dma_start3A_453 = tpu.memref_squeeze %dma_start3A_452 : memref<1x128xi32, #tpu.memory_space<vmem>> -> memref<128xi32, #tpu.memory_space<vmem>>
        %dma_start3A_454 = arith.constant 0 : i32
        %dma_start3A_455 = arith.constant 0 : i32
        %dma_start3A_456 = tpu.memref_slice %arg4[%dma_start3A_454, %dma_start3A_455] : memref<1000000x32xf32, #tpu.memory_space<hbm>> -> memref<1000000x32xf32, #tpu.memory_space<hbm>>
        tpu.enqueue_indirect_dma source(%dma_start3A_456 : memref<1000000x32xf32, #tpu.memory_space<hbm>>) target(%dma_start3A_450 : memref<128x32xf32, #tpu.memory_space<vmem>>) offsets(%dma_start3A_453 : memref<128xi32, #tpu.memory_space<vmem>>) semaphore(%arg13 : memref<!tpu.dma_semaphore, #tpu.memory_space<semaphore_mem>>)
        %dma_start3A_457 = arith.constant 0 : i32
        %dma_start3A_458 = tpu.memref_slice %arg3[%add3A_326, %dma_start3A_457] : memref<16384x32xf32, #tpu.memory_space<hbm>> -> memref<64x32xf32, #tpu.memory_space<hbm>>
        %dma_start3A_459 = arith.constant 0 : i32
        %dma_start3A_460 = tpu.memref_slice %arg3[%add3A_326, %dma_start3A_459] : memref<16384x32xf32, #tpu.memory_space<hbm>> -> memref<64x32xf32, #tpu.memory_space<hbm>>
        tpu.enqueue_dma source(%dma_start3A_460 : memref<64x32xf32, #tpu.memory_space<hbm>>) target(%arg9 : memref<64x32xf32, #tpu.memory_space<vmem>>) target_semaphore(%arg13 : memref<!tpu.dma_semaphore, #tpu.memory_space<semaphore_mem>>)
      } else {
      }
      %dma_wait3A_289 = arith.constant 0 : i32
      %dma_wait3A_290 = arith.constant 0 : i32
      %dma_wait3A_291 = tpu.memref_slice %arg4[%dma_wait3A_289, %dma_wait3A_290] : memref<1000000x32xf32, #tpu.memory_space<hbm>> -> memref<1280x32xf32, #tpu.memory_space<hbm>>
      %dma_wait3A_292 = arith.constant 0 : i32
      %dma_wait3A_293 = arith.constant 0 : i32
      %dma_wait3A_294 = tpu.memref_slice %arg4[%dma_wait3A_292, %dma_wait3A_293] : memref<1000000x32xf32, #tpu.memory_space<hbm>> -> memref<1280x32xf32, #tpu.memory_space<hbm>>
      tpu.wait_dma2 semaphore(%arg14 : memref<!tpu.dma_semaphore, #tpu.memory_space<semaphore_mem>>) src(%dma_wait3A_294 : memref<1280x32xf32, #tpu.memory_space<hbm>>) dst(%arg8 : memref<1280x32xf32, #tpu.memory_space<vmem>>)
      %dma_wait3A_295 = arith.constant 0 : i32
      %dma_wait3A_296 = arith.constant 0 : i32
      %dma_wait3A_297 = tpu.memref_slice %arg3[%dma_wait3A_295, %dma_wait3A_296] : memref<16384x32xf32, #tpu.memory_space<hbm>> -> memref<64x32xf32, #tpu.memory_space<hbm>>
      %dma_wait3A_298 = arith.constant 0 : i32
      %dma_wait3A_299 = arith.constant 0 : i32
      %dma_wait3A_300 = tpu.memref_slice %arg3[%dma_wait3A_298, %dma_wait3A_299] : memref<16384x32xf32, #tpu.memory_space<hbm>> -> memref<64x32xf32, #tpu.memory_space<hbm>>
      tpu.wait_dma2 semaphore(%arg14 : memref<!tpu.dma_semaphore, #tpu.memory_space<semaphore_mem>>) src(%dma_wait3A_300 : memref<64x32xf32, #tpu.memory_space<hbm>>) dst(%arg10 : memref<64x32xf32, #tpu.memory_space<vmem>>)
      %add3A_301 = arith.constant 1 : i32
      %add3A_302 = arith.addi %mul3A_117, %add3A_301 : i32
      %scan3A_303 = arith.constant 0 : i32
      %scan3A_304 = arith.constant 0 : i32
      %scan3A_305 = arith.constant 64 : i32
      %scan3A_306 = arith.addi %scan3A_304, %scan3A_305 : i32
      %scan3A_307 = arith.constant 1 : i32
      scf.for %scan3A_320 = %scan3A_304 to %scan3A_306 step %scan3A_307  : i32 {
        %get3A = arith.index_cast %scan3A_320 : i32 to index
        %get3A_321 = arith.constant 0 : index
        %get3A_322 = tpu.vector_load %arg10[%get3A, %get3A_321] {strides = array<i32>} : memref<64x32xf32, #tpu.memory_space<vmem>>, vector<16xf32>,
        %get3A_323 = arith.index_cast %scan3A_320 : i32 to index
        %get3A_324 = arith.constant 16 : index
        %get3A_325 = tpu.vector_load %arg10[%get3A_323, %get3A_324] {strides = array<i32>} : memref<64x32xf32, #tpu.memory_space<vmem>>, vector<16xf32>,
        %broadcast_in_dim3A = arith.constant 0.000000e+00 : f32
        %broadcast_in_dim3A_326 = vector.broadcast %broadcast_in_dim3A : f32 to vector<16xf32>
        %broadcast_in_dim3A_327 = arith.constant 0.000000e+00 : f32
        %broadcast_in_dim3A_328 = vector.broadcast %broadcast_in_dim3A_327 : f32 to vector<16xf32>
        %broadcast_in_dim3A_329 = arith.constant 0.000000e+00 : f32
        %broadcast_in_dim3A_330 = vector.broadcast %broadcast_in_dim3A_329 : f32 to vector<16xf32>
        %mul3A_331 = arith.constant 20 : i32
        %mul3A_332 = arith.muli %scan3A_320, %mul3A_331 : i32
        %add3A_333 = arith.constant 0 : i32
        %add3A_334 = arith.addi %mul3A_332, %add3A_333 : i32
        %get3A_335 = arith.index_cast %add3A_334 : i32 to index
        %get3A_336 = arith.constant 0 : index
        %get3A_337 = tpu.vector_load %arg8[%get3A_335, %get3A_336] {strides = array<i32>} : memref<1280x32xf32, #tpu.memory_space<vmem>>, vector<16xf32>,
        %add3A_338 = arith.constant 0 : i32
        %add3A_339 = arith.addi %mul3A_332, %add3A_338 : i32
        %get3A_340 = arith.index_cast %add3A_339 : i32 to index
        %get3A_341 = arith.constant 16 : index
        %get3A_342 = tpu.vector_load %arg8[%get3A_340, %get3A_341] {strides = array<i32>} : memref<1280x32xf32, #tpu.memory_space<vmem>>, vector<16xf32>,
        %sub3A = arith.subf %get3A_337, %get3A_322 : vector<16xf32>
        %sub3A_343 = arith.subf %get3A_342, %get3A_325 : vector<16xf32>
        %mul3A_344 = arith.mulf %sub3A, %sub3A : vector<16xf32>
        %mul3A_345 = arith.mulf %sub3A_343, %sub3A_343 : vector<16xf32>
        %add3A_346 = arith.addf %mul3A_344, %mul3A_345 : vector<16xf32>
        %reduce_sum3A = arith.constant true
        %reduce_sum3A_347 = vector.broadcast %reduce_sum3A : i1 to vector<16xi1>
        %reduce_sum3A_348 = tpu.scan <sum>, %add3A_346 masked %reduce_sum3A_347 : vector<16xf32>, vector<16xi1> -> vector<16xf32>
        %reduce_sum3A_349 = vector.extract %reduce_sum3A_348[15] : f32 from vector<16xf32>
        %mul3A_350 = arith.constant -5.000000e-01 : f32
        %mul3A_351 = arith.mulf %reduce_sum3A_349, %mul3A_350 : f32
        %broadcast_in_dim3A_352 = vector.broadcast %mul3A_351 : f32 to vector<16xf32>
        %exp3A = math.exp %broadcast_in_dim3A_352 : vector<16xf32>
        %mul3A_353 = arith.mulf %exp3A, %get3A_337 : vector<16xf32>
        %add3A_354 = arith.addf %broadcast_in_dim3A_326, %mul3A_353 : vector<16xf32>
        %mul3A_355 = arith.mulf %exp3A, %get3A_342 : vector<16xf32>
        %add3A_356 = arith.addf %broadcast_in_dim3A_328, %mul3A_355 : vector<16xf32>
        %add3A_357 = arith.addf %broadcast_in_dim3A_330, %exp3A : vector<16xf32>
        %add3A_358 = arith.constant 1 : i32
        %add3A_359 = arith.addi %mul3A_332, %add3A_358 : i32
        %get3A_360 = arith.index_cast %add3A_359 : i32 to index
        %get3A_361 = arith.constant 0 : index
        %get3A_362 = tpu.vector_load %arg8[%get3A_360, %get3A_361] {strides = array<i32>} : memref<1280x32xf32, #tpu.memory_space<vmem>>, vector<16xf32>,
        %add3A_363 = arith.constant 1 : i32
        %add3A_364 = arith.addi %mul3A_332, %add3A_363 : i32
        %get3A_365 = arith.index_cast %add3A_364 : i32 to index
        %get3A_366 = arith.constant 16 : index
        %get3A_367 = tpu.vector_load %arg8[%get3A_365, %get3A_366] {strides = array<i32>} : memref<1280x32xf32, #tpu.memory_space<vmem>>, vector<16xf32>,
        %sub3A_368 = arith.subf %get3A_362, %get3A_322 : vector<16xf32>
        %sub3A_369 = arith.subf %get3A_367, %get3A_325 : vector<16xf32>
        %mul3A_370 = arith.mulf %sub3A_368, %sub3A_368 : vector<16xf32>
        %mul3A_371 = arith.mulf %sub3A_369, %sub3A_369 : vector<16xf32>
        %add3A_372 = arith.addf %mul3A_370, %mul3A_371 : vector<16xf32>
        %reduce_sum3A_373 = arith.constant true
        %reduce_sum3A_374 = vector.broadcast %reduce_sum3A_373 : i1 to vector<16xi1>
        %reduce_sum3A_375 = tpu.scan <sum>, %add3A_372 masked %reduce_sum3A_374 : vector<16xf32>, vector<16xi1> -> vector<16xf32>
        %reduce_sum3A_376 = vector.extract %reduce_sum3A_375[15] : f32 from vector<16xf32>
        %mul3A_377 = arith.constant -5.000000e-01 : f32
        %mul3A_378 = arith.mulf %reduce_sum3A_376, %mul3A_377 : f32
        %broadcast_in_dim3A_379 = vector.broadcast %mul3A_378 : f32 to vector<16xf32>
        %exp3A_380 = math.exp %broadcast_in_dim3A_379 : vector<16xf32>
        %mul3A_381 = arith.mulf %exp3A_380, %get3A_362 : vector<16xf32>
        %add3A_382 = arith.addf %add3A_354, %mul3A_381 : vector<16xf32>
        %mul3A_383 = arith.mulf %exp3A_380, %get3A_367 : vector<16xf32>
        %add3A_384 = arith.addf %add3A_356, %mul3A_383 : vector<16xf32>
        %add3A_385 = arith.addf %add3A_357, %exp3A_380 : vector<16xf32>
        %add3A_386 = arith.constant 2 : i32
        %add3A_387 = arith.addi %mul3A_332, %add3A_386 : i32
        %get3A_388 = arith.index_cast %add3A_387 : i32 to index
        %get3A_389 = arith.constant 0 : index
        %get3A_390 = tpu.vector_load %arg8[%get3A_388, %get3A_389] {strides = array<i32>} : memref<1280x32xf32, #tpu.memory_space<vmem>>, vector<16xf32>,
        %add3A_391 = arith.constant 2 : i32
        %add3A_392 = arith.addi %mul3A_332, %add3A_391 : i32
        %get3A_393 = arith.index_cast %add3A_392 : i32 to index
        %get3A_394 = arith.constant 16 : index
        %get3A_395 = tpu.vector_load %arg8[%get3A_393, %get3A_394] {strides = array<i32>} : memref<1280x32xf32, #tpu.memory_space<vmem>>, vector<16xf32>,
        %sub3A_396 = arith.subf %get3A_390, %get3A_322 : vector<16xf32>
        %sub3A_397 = arith.subf %get3A_395, %get3A_325 : vector<16xf32>
        %mul3A_398 = arith.mulf %sub3A_396, %sub3A_396 : vector<16xf32>
        %mul3A_399 = arith.mulf %sub3A_397, %sub3A_397 : vector<16xf32>
        %add3A_400 = arith.addf %mul3A_398, %mul3A_399 : vector<16xf32>
        %reduce_sum3A_401 = arith.constant true
        %reduce_sum3A_402 = vector.broadcast %reduce_sum3A_401 : i1 to vector<16xi1>
        %reduce_sum3A_403 = tpu.scan <sum>, %add3A_400 masked %reduce_sum3A_402 : vector<16xf32>, vector<16xi1> -> vector<16xf32>
        %reduce_sum3A_404 = vector.extract %reduce_sum3A_403[15] : f32 from vector<16xf32>
        %mul3A_405 = arith.constant -5.000000e-01 : f32
        %mul3A_406 = arith.mulf %reduce_sum3A_404, %mul3A_405 : f32
        %broadcast_in_dim3A_407 = vector.broadcast %mul3A_406 : f32 to vector<16xf32>
        %exp3A_408 = math.exp %broadcast_in_dim3A_407 : vector<16xf32>
        %mul3A_409 = arith.mulf %exp3A_408, %get3A_390 : vector<16xf32>
        %add3A_410 = arith.addf %add3A_382, %mul3A_409 : vector<16xf32>
        %mul3A_411 = arith.mulf %exp3A_408, %get3A_395 : vector<16xf32>
        %add3A_412 = arith.addf %add3A_384, %mul3A_411 : vector<16xf32>
        %add3A_413 = arith.addf %add3A_385, %exp3A_408 : vector<16xf32>
        %add3A_414 = arith.constant 3 : i32
        %add3A_415 = arith.addi %mul3A_332, %add3A_414 : i32
        %get3A_416 = arith.index_cast %add3A_415 : i32 to index
        %get3A_417 = arith.constant 0 : index
        %get3A_418 = tpu.vector_load %arg8[%get3A_416, %get3A_417] {strides = array<i32>} : memref<1280x32xf32, #tpu.memory_space<vmem>>, vector<16xf32>,
        %add3A_419 = arith.constant 3 : i32
        %add3A_420 = arith.addi %mul3A_332, %add3A_419 : i32
        %get3A_421 = arith.index_cast %add3A_420 : i32 to index
        %get3A_422 = arith.constant 16 : index
        %get3A_423 = tpu.vector_load %arg8[%get3A_421, %get3A_422] {strides = array<i32>} : memref<1280x32xf32, #tpu.memory_space<vmem>>, vector<16xf32>,
        %sub3A_424 = arith.subf %get3A_418, %get3A_322 : vector<16xf32>
        %sub3A_425 = arith.subf %get3A_423, %get3A_325 : vector<16xf32>
        %mul3A_426 = arith.mulf %sub3A_424, %sub3A_424 : vector<16xf32>
        %mul3A_427 = arith.mulf %sub3A_425, %sub3A_425 : vector<16xf32>
        %add3A_428 = arith.addf %mul3A_426, %mul3A_427 : vector<16xf32>
        %reduce_sum3A_429 = arith.constant true
        %reduce_sum3A_430 = vector.broadcast %reduce_sum3A_429 : i1 to vector<16xi1>
        %reduce_sum3A_431 = tpu.scan <sum>, %add3A_428 masked %reduce_sum3A_430 : vector<16xf32>, vector<16xi1> -> vector<16xf32>
        %reduce_sum3A_432 = vector.extract %reduce_sum3A_431[15] : f32 from vector<16xf32>
        %mul3A_433 = arith.constant -5.000000e-01 : f32
        %mul3A_434 = arith.mulf %reduce_sum3A_432, %mul3A_433 : f32
        %broadcast_in_dim3A_435 = vector.broadcast %mul3A_434 : f32 to vector<16xf32>
        %exp3A_436 = math.exp %broadcast_in_dim3A_435 : vector<16xf32>
        %mul3A_437 = arith.mulf %exp3A_436, %get3A_418 : vector<16xf32>
        %add3A_438 = arith.addf %add3A_410, %mul3A_437 : vector<16xf32>
        %mul3A_439 = arith.mulf %exp3A_436, %get3A_423 : vector<16xf32>
        %add3A_440 = arith.addf %add3A_412, %mul3A_439 : vector<16xf32>
        %add3A_441 = arith.addf %add3A_413, %exp3A_436 : vector<16xf32>
        %add3A_442 = arith.constant 4 : i32
        %add3A_443 = arith.addi %mul3A_332, %add3A_442 : i32
        %get3A_444 = arith.index_cast %add3A_443 : i32 to index
        %get3A_445 = arith.constant 0 : index
        %get3A_446 = tpu.vector_load %arg8[%get3A_444, %get3A_445] {strides = array<i32>} : memref<1280x32xf32, #tpu.memory_space<vmem>>, vector<16xf32>,
        %add3A_447 = arith.constant 4 : i32
        %add3A_448 = arith.addi %mul3A_332, %add3A_447 : i32
        %get3A_449 = arith.index_cast %add3A_448 : i32 to index
        %get3A_450 = arith.constant 16 : index
        %get3A_451 = tpu.vector_load %arg8[%get3A_449, %get3A_450] {strides = array<i32>} : memref<1280x32xf32, #tpu.memory_space<vmem>>, vector<16xf32>,
        %sub3A_452 = arith.subf %get3A_446, %get3A_322 : vector<16xf32>
        %sub3A_453 = arith.subf %get3A_451, %get3A_325 : vector<16xf32>
        %mul3A_454 = arith.mulf %sub3A_452, %sub3A_452 : vector<16xf32>
        %mul3A_455 = arith.mulf %sub3A_453, %sub3A_453 : vector<16xf32>
        %add3A_456 = arith.addf %mul3A_454, %mul3A_455 : vector<16xf32>
        %reduce_sum3A_457 = arith.constant true
        %reduce_sum3A_458 = vector.broadcast %reduce_sum3A_457 : i1 to vector<16xi1>
        %reduce_sum3A_459 = tpu.scan <sum>, %add3A_456 masked %reduce_sum3A_458 : vector<16xf32>, vector<16xi1> -> vector<16xf32>
        %reduce_sum3A_460 = vector.extract %reduce_sum3A_459[15] : f32 from vector<16xf32>
        %mul3A_461 = arith.constant -5.000000e-01 : f32
        %mul3A_462 = arith.mulf %reduce_sum3A_460, %mul3A_461 : f32
        %broadcast_in_dim3A_463 = vector.broadcast %mul3A_462 : f32 to vector<16xf32>
        %exp3A_464 = math.exp %broadcast_in_dim3A_463 : vector<16xf32>
        %mul3A_465 = arith.mulf %exp3A_464, %get3A_446 : vector<16xf32>
        %add3A_466 = arith.addf %add3A_438, %mul3A_465 : vector<16xf32>
        %mul3A_467 = arith.mulf %exp3A_464, %get3A_451 : vector<16xf32>
        %add3A_468 = arith.addf %add3A_440, %mul3A_467 : vector<16xf32>
        %add3A_469 = arith.addf %add3A_441, %exp3A_464 : vector<16xf32>
        %add3A_470 = arith.constant 5 : i32
        %add3A_471 = arith.addi %mul3A_332, %add3A_470 : i32
        %get3A_472 = arith.index_cast %add3A_471 : i32 to index
        %get3A_473 = arith.constant 0 : index
        %get3A_474 = tpu.vector_load %arg8[%get3A_472, %get3A_473] {strides = array<i32>} : memref<1280x32xf32, #tpu.memory_space<vmem>>, vector<16xf32>,
        %add3A_475 = arith.constant 5 : i32
        %add3A_476 = arith.addi %mul3A_332, %add3A_475 : i32
        %get3A_477 = arith.index_cast %add3A_476 : i32 to index
        %get3A_478 = arith.constant 16 : index
        %get3A_479 = tpu.vector_load %arg8[%get3A_477, %get3A_478] {strides = array<i32>} : memref<1280x32xf32, #tpu.memory_space<vmem>>, vector<16xf32>,
        %sub3A_480 = arith.subf %get3A_474, %get3A_322 : vector<16xf32>
        %sub3A_481 = arith.subf %get3A_479, %get3A_325 : vector<16xf32>
        %mul3A_482 = arith.mulf %sub3A_480, %sub3A_480 : vector<16xf32>
        %mul3A_483 = arith.mulf %sub3A_481, %sub3A_481 : vector<16xf32>
        %add3A_484 = arith.addf %mul3A_482, %mul3A_483 : vector<16xf32>
        %reduce_sum3A_485 = arith.constant true
        %reduce_sum3A_486 = vector.broadcast %reduce_sum3A_485 : i1 to vector<16xi1>
        %reduce_sum3A_487 = tpu.scan <sum>, %add3A_484 masked %reduce_sum3A_486 : vector<16xf32>, vector<16xi1> -> vector<16xf32>
        %reduce_sum3A_488 = vector.extract %reduce_sum3A_487[15] : f32 from vector<16xf32>
        %mul3A_489 = arith.constant -5.000000e-01 : f32
        %mul3A_490 = arith.mulf %reduce_sum3A_488, %mul3A_489 : f32
        %broadcast_in_dim3A_491 = vector.broadcast %mul3A_490 : f32 to vector<16xf32>
        %exp3A_492 = math.exp %broadcast_in_dim3A_491 : vector<16xf32>
        %mul3A_493 = arith.mulf %exp3A_492, %get3A_474 : vector<16xf32>
        %add3A_494 = arith.addf %add3A_466, %mul3A_493 : vector<16xf32>
        %mul3A_495 = arith.mulf %exp3A_492, %get3A_479 : vector<16xf32>
        %add3A_496 = arith.addf %add3A_468, %mul3A_495 : vector<16xf32>
        %add3A_497 = arith.addf %add3A_469, %exp3A_492 : vector<16xf32>
        %add3A_498 = arith.constant 6 : i32
        %add3A_499 = arith.addi %mul3A_332, %add3A_498 : i32
        %get3A_500 = arith.index_cast %add3A_499 : i32 to index
        %get3A_501 = arith.constant 0 : index
        %get3A_502 = tpu.vector_load %arg8[%get3A_500, %get3A_501] {strides = array<i32>} : memref<1280x32xf32, #tpu.memory_space<vmem>>, vector<16xf32>,
        %add3A_503 = arith.constant 6 : i32
        %add3A_504 = arith.addi %mul3A_332, %add3A_503 : i32
        %get3A_505 = arith.index_cast %add3A_504 : i32 to index
        %get3A_506 = arith.constant 16 : index
        %get3A_507 = tpu.vector_load %arg8[%get3A_505, %get3A_506] {strides = array<i32>} : memref<1280x32xf32, #tpu.memory_space<vmem>>, vector<16xf32>,
        %sub3A_508 = arith.subf %get3A_502, %get3A_322 : vector<16xf32>
        %sub3A_509 = arith.subf %get3A_507, %get3A_325 : vector<16xf32>
        %mul3A_510 = arith.mulf %sub3A_508, %sub3A_508 : vector<16xf32>
        %mul3A_511 = arith.mulf %sub3A_509, %sub3A_509 : vector<16xf32>
        %add3A_512 = arith.addf %mul3A_510, %mul3A_511 : vector<16xf32>
        %reduce_sum3A_513 = arith.constant true
        %reduce_sum3A_514 = vector.broadcast %reduce_sum3A_513 : i1 to vector<16xi1>
        %reduce_sum3A_515 = tpu.scan <sum>, %add3A_512 masked %reduce_sum3A_514 : vector<16xf32>, vector<16xi1> -> vector<16xf32>
        %reduce_sum3A_516 = vector.extract %reduce_sum3A_515[15] : f32 from vector<16xf32>
        %mul3A_517 = arith.constant -5.000000e-01 : f32
        %mul3A_518 = arith.mulf %reduce_sum3A_516, %mul3A_517 : f32
        %broadcast_in_dim3A_519 = vector.broadcast %mul3A_518 : f32 to vector<16xf32>
        %exp3A_520 = math.exp %broadcast_in_dim3A_519 : vector<16xf32>
        %mul3A_521 = arith.mulf %exp3A_520, %get3A_502 : vector<16xf32>
        %add3A_522 = arith.addf %add3A_494, %mul3A_521 : vector<16xf32>
        %mul3A_523 = arith.mulf %exp3A_520, %get3A_507 : vector<16xf32>
        %add3A_524 = arith.addf %add3A_496, %mul3A_523 : vector<16xf32>
        %add3A_525 = arith.addf %add3A_497, %exp3A_520 : vector<16xf32>
        %add3A_526 = arith.constant 7 : i32
        %add3A_527 = arith.addi %mul3A_332, %add3A_526 : i32
        %get3A_528 = arith.index_cast %add3A_527 : i32 to index
        %get3A_529 = arith.constant 0 : index
        %get3A_530 = tpu.vector_load %arg8[%get3A_528, %get3A_529] {strides = array<i32>} : memref<1280x32xf32, #tpu.memory_space<vmem>>, vector<16xf32>,
        %add3A_531 = arith.constant 7 : i32
        %add3A_532 = arith.addi %mul3A_332, %add3A_531 : i32
        %get3A_533 = arith.index_cast %add3A_532 : i32 to index
        %get3A_534 = arith.constant 16 : index
        %get3A_535 = tpu.vector_load %arg8[%get3A_533, %get3A_534] {strides = array<i32>} : memref<1280x32xf32, #tpu.memory_space<vmem>>, vector<16xf32>,
        %sub3A_536 = arith.subf %get3A_530, %get3A_322 : vector<16xf32>
        %sub3A_537 = arith.subf %get3A_535, %get3A_325 : vector<16xf32>
        %mul3A_538 = arith.mulf %sub3A_536, %sub3A_536 : vector<16xf32>
        %mul3A_539 = arith.mulf %sub3A_537, %sub3A_537 : vector<16xf32>
        %add3A_540 = arith.addf %mul3A_538, %mul3A_539 : vector<16xf32>
        %reduce_sum3A_541 = arith.constant true
        %reduce_sum3A_542 = vector.broadcast %reduce_sum3A_541 : i1 to vector<16xi1>
        %reduce_sum3A_543 = tpu.scan <sum>, %add3A_540 masked %reduce_sum3A_542 : vector<16xf32>, vector<16xi1> -> vector<16xf32>
        %reduce_sum3A_544 = vector.extract %reduce_sum3A_543[15] : f32 from vector<16xf32>
        %mul3A_545 = arith.constant -5.000000e-01 : f32
        %mul3A_546 = arith.mulf %reduce_sum3A_544, %mul3A_545 : f32
        %broadcast_in_dim3A_547 = vector.broadcast %mul3A_546 : f32 to vector<16xf32>
        %exp3A_548 = math.exp %broadcast_in_dim3A_547 : vector<16xf32>
        %mul3A_549 = arith.mulf %exp3A_548, %get3A_530 : vector<16xf32>
        %add3A_550 = arith.addf %add3A_522, %mul3A_549 : vector<16xf32>
        %mul3A_551 = arith.mulf %exp3A_548, %get3A_535 : vector<16xf32>
        %add3A_552 = arith.addf %add3A_524, %mul3A_551 : vector<16xf32>
        %add3A_553 = arith.addf %add3A_525, %exp3A_548 : vector<16xf32>
        %add3A_554 = arith.constant 8 : i32
        %add3A_555 = arith.addi %mul3A_332, %add3A_554 : i32
        %get3A_556 = arith.index_cast %add3A_555 : i32 to index
        %get3A_557 = arith.constant 0 : index
        %get3A_558 = tpu.vector_load %arg8[%get3A_556, %get3A_557] {strides = array<i32>} : memref<1280x32xf32, #tpu.memory_space<vmem>>, vector<16xf32>,
        %add3A_559 = arith.constant 8 : i32
        %add3A_560 = arith.addi %mul3A_332, %add3A_559 : i32
        %get3A_561 = arith.index_cast %add3A_560 : i32 to index
        %get3A_562 = arith.constant 16 : index
        %get3A_563 = tpu.vector_load %arg8[%get3A_561, %get3A_562] {strides = array<i32>} : memref<1280x32xf32, #tpu.memory_space<vmem>>, vector<16xf32>,
        %sub3A_564 = arith.subf %get3A_558, %get3A_322 : vector<16xf32>
        %sub3A_565 = arith.subf %get3A_563, %get3A_325 : vector<16xf32>
        %mul3A_566 = arith.mulf %sub3A_564, %sub3A_564 : vector<16xf32>
        %mul3A_567 = arith.mulf %sub3A_565, %sub3A_565 : vector<16xf32>
        %add3A_568 = arith.addf %mul3A_566, %mul3A_567 : vector<16xf32>
        %reduce_sum3A_569 = arith.constant true
        %reduce_sum3A_570 = vector.broadcast %reduce_sum3A_569 : i1 to vector<16xi1>
        %reduce_sum3A_571 = tpu.scan <sum>, %add3A_568 masked %reduce_sum3A_570 : vector<16xf32>, vector<16xi1> -> vector<16xf32>
        %reduce_sum3A_572 = vector.extract %reduce_sum3A_571[15] : f32 from vector<16xf32>
        %mul3A_573 = arith.constant -5.000000e-01 : f32
        %mul3A_574 = arith.mulf %reduce_sum3A_572, %mul3A_573 : f32
        %broadcast_in_dim3A_575 = vector.broadcast %mul3A_574 : f32 to vector<16xf32>
        %exp3A_576 = math.exp %broadcast_in_dim3A_575 : vector<16xf32>
        %mul3A_577 = arith.mulf %exp3A_576, %get3A_558 : vector<16xf32>
        %add3A_578 = arith.addf %add3A_550, %mul3A_577 : vector<16xf32>
        %mul3A_579 = arith.mulf %exp3A_576, %get3A_563 : vector<16xf32>
        %add3A_580 = arith.addf %add3A_552, %mul3A_579 : vector<16xf32>
        %add3A_581 = arith.addf %add3A_553, %exp3A_576 : vector<16xf32>
        %add3A_582 = arith.constant 9 : i32
        %add3A_583 = arith.addi %mul3A_332, %add3A_582 : i32
        %get3A_584 = arith.index_cast %add3A_583 : i32 to index
        %get3A_585 = arith.constant 0 : index
        %get3A_586 = tpu.vector_load %arg8[%get3A_584, %get3A_585] {strides = array<i32>} : memref<1280x32xf32, #tpu.memory_space<vmem>>, vector<16xf32>,
        %add3A_587 = arith.constant 9 : i32
        %add3A_588 = arith.addi %mul3A_332, %add3A_587 : i32
        %get3A_589 = arith.index_cast %add3A_588 : i32 to index
        %get3A_590 = arith.constant 16 : index
        %get3A_591 = tpu.vector_load %arg8[%get3A_589, %get3A_590] {strides = array<i32>} : memref<1280x32xf32, #tpu.memory_space<vmem>>, vector<16xf32>,
        %sub3A_592 = arith.subf %get3A_586, %get3A_322 : vector<16xf32>
        %sub3A_593 = arith.subf %get3A_591, %get3A_325 : vector<16xf32>
        %mul3A_594 = arith.mulf %sub3A_592, %sub3A_592 : vector<16xf32>
        %mul3A_595 = arith.mulf %sub3A_593, %sub3A_593 : vector<16xf32>
        %add3A_596 = arith.addf %mul3A_594, %mul3A_595 : vector<16xf32>
        %reduce_sum3A_597 = arith.constant true
        %reduce_sum3A_598 = vector.broadcast %reduce_sum3A_597 : i1 to vector<16xi1>
        %reduce_sum3A_599 = tpu.scan <sum>, %add3A_596 masked %reduce_sum3A_598 : vector<16xf32>, vector<16xi1> -> vector<16xf32>
        %reduce_sum3A_600 = vector.extract %reduce_sum3A_599[15] : f32 from vector<16xf32>
        %mul3A_601 = arith.constant -5.000000e-01 : f32
        %mul3A_602 = arith.mulf %reduce_sum3A_600, %mul3A_601 : f32
        %broadcast_in_dim3A_603 = vector.broadcast %mul3A_602 : f32 to vector<16xf32>
        %exp3A_604 = math.exp %broadcast_in_dim3A_603 : vector<16xf32>
        %mul3A_605 = arith.mulf %exp3A_604, %get3A_586 : vector<16xf32>
        %add3A_606 = arith.addf %add3A_578, %mul3A_605 : vector<16xf32>
        %mul3A_607 = arith.mulf %exp3A_604, %get3A_591 : vector<16xf32>
        %add3A_608 = arith.addf %add3A_580, %mul3A_607 : vector<16xf32>
        %add3A_609 = arith.addf %add3A_581, %exp3A_604 : vector<16xf32>
        %add3A_610 = arith.constant 10 : i32
        %add3A_611 = arith.addi %mul3A_332, %add3A_610 : i32
        %get3A_612 = arith.index_cast %add3A_611 : i32 to index
        %get3A_613 = arith.constant 0 : index
        %get3A_614 = tpu.vector_load %arg8[%get3A_612, %get3A_613] {strides = array<i32>} : memref<1280x32xf32, #tpu.memory_space<vmem>>, vector<16xf32>,
        %add3A_615 = arith.constant 10 : i32
        %add3A_616 = arith.addi %mul3A_332, %add3A_615 : i32
        %get3A_617 = arith.index_cast %add3A_616 : i32 to index
        %get3A_618 = arith.constant 16 : index
        %get3A_619 = tpu.vector_load %arg8[%get3A_617, %get3A_618] {strides = array<i32>} : memref<1280x32xf32, #tpu.memory_space<vmem>>, vector<16xf32>,
        %sub3A_620 = arith.subf %get3A_614, %get3A_322 : vector<16xf32>
        %sub3A_621 = arith.subf %get3A_619, %get3A_325 : vector<16xf32>
        %mul3A_622 = arith.mulf %sub3A_620, %sub3A_620 : vector<16xf32>
        %mul3A_623 = arith.mulf %sub3A_621, %sub3A_621 : vector<16xf32>
        %add3A_624 = arith.addf %mul3A_622, %mul3A_623 : vector<16xf32>
        %reduce_sum3A_625 = arith.constant true
        %reduce_sum3A_626 = vector.broadcast %reduce_sum3A_625 : i1 to vector<16xi1>
        %reduce_sum3A_627 = tpu.scan <sum>, %add3A_624 masked %reduce_sum3A_626 : vector<16xf32>, vector<16xi1> -> vector<16xf32>
        %reduce_sum3A_628 = vector.extract %reduce_sum3A_627[15] : f32 from vector<16xf32>
        %mul3A_629 = arith.constant -5.000000e-01 : f32
        %mul3A_630 = arith.mulf %reduce_sum3A_628, %mul3A_629 : f32
        %broadcast_in_dim3A_631 = vector.broadcast %mul3A_630 : f32 to vector<16xf32>
        %exp3A_632 = math.exp %broadcast_in_dim3A_631 : vector<16xf32>
        %mul3A_633 = arith.mulf %exp3A_632, %get3A_614 : vector<16xf32>
        %add3A_634 = arith.addf %add3A_606, %mul3A_633 : vector<16xf32>
        %mul3A_635 = arith.mulf %exp3A_632, %get3A_619 : vector<16xf32>
        %add3A_636 = arith.addf %add3A_608, %mul3A_635 : vector<16xf32>
        %add3A_637 = arith.addf %add3A_609, %exp3A_632 : vector<16xf32>
        %add3A_638 = arith.constant 11 : i32
        %add3A_639 = arith.addi %mul3A_332, %add3A_638 : i32
        %get3A_640 = arith.index_cast %add3A_639 : i32 to index
        %get3A_641 = arith.constant 0 : index
        %get3A_642 = tpu.vector_load %arg8[%get3A_640, %get3A_641] {strides = array<i32>} : memref<1280x32xf32, #tpu.memory_space<vmem>>, vector<16xf32>,
        %add3A_643 = arith.constant 11 : i32
        %add3A_644 = arith.addi %mul3A_332, %add3A_643 : i32
        %get3A_645 = arith.index_cast %add3A_644 : i32 to index
        %get3A_646 = arith.constant 16 : index
        %get3A_647 = tpu.vector_load %arg8[%get3A_645, %get3A_646] {strides = array<i32>} : memref<1280x32xf32, #tpu.memory_space<vmem>>, vector<16xf32>,
        %sub3A_648 = arith.subf %get3A_642, %get3A_322 : vector<16xf32>
        %sub3A_649 = arith.subf %get3A_647, %get3A_325 : vector<16xf32>
        %mul3A_650 = arith.mulf %sub3A_648, %sub3A_648 : vector<16xf32>
        %mul3A_651 = arith.mulf %sub3A_649, %sub3A_649 : vector<16xf32>
        %add3A_652 = arith.addf %mul3A_650, %mul3A_651 : vector<16xf32>
        %reduce_sum3A_653 = arith.constant true
        %reduce_sum3A_654 = vector.broadcast %reduce_sum3A_653 : i1 to vector<16xi1>
        %reduce_sum3A_655 = tpu.scan <sum>, %add3A_652 masked %reduce_sum3A_654 : vector<16xf32>, vector<16xi1> -> vector<16xf32>
        %reduce_sum3A_656 = vector.extract %reduce_sum3A_655[15] : f32 from vector<16xf32>
        %mul3A_657 = arith.constant -5.000000e-01 : f32
        %mul3A_658 = arith.mulf %reduce_sum3A_656, %mul3A_657 : f32
        %broadcast_in_dim3A_659 = vector.broadcast %mul3A_658 : f32 to vector<16xf32>
        %exp3A_660 = math.exp %broadcast_in_dim3A_659 : vector<16xf32>
        %mul3A_661 = arith.mulf %exp3A_660, %get3A_642 : vector<16xf32>
        %add3A_662 = arith.addf %add3A_634, %mul3A_661 : vector<16xf32>
        %mul3A_663 = arith.mulf %exp3A_660, %get3A_647 : vector<16xf32>
        %add3A_664 = arith.addf %add3A_636, %mul3A_663 : vector<16xf32>
        %add3A_665 = arith.addf %add3A_637, %exp3A_660 : vector<16xf32>
        %add3A_666 = arith.constant 12 : i32
        %add3A_667 = arith.addi %mul3A_332, %add3A_666 : i32
        %get3A_668 = arith.index_cast %add3A_667 : i32 to index
        %get3A_669 = arith.constant 0 : index
        %get3A_670 = tpu.vector_load %arg8[%get3A_668, %get3A_669] {strides = array<i32>} : memref<1280x32xf32, #tpu.memory_space<vmem>>, vector<16xf32>,
        %add3A_671 = arith.constant 12 : i32
        %add3A_672 = arith.addi %mul3A_332, %add3A_671 : i32
        %get3A_673 = arith.index_cast %add3A_672 : i32 to index
        %get3A_674 = arith.constant 16 : index
        %get3A_675 = tpu.vector_load %arg8[%get3A_673, %get3A_674] {strides = array<i32>} : memref<1280x32xf32, #tpu.memory_space<vmem>>, vector<16xf32>,
        %sub3A_676 = arith.subf %get3A_670, %get3A_322 : vector<16xf32>
        %sub3A_677 = arith.subf %get3A_675, %get3A_325 : vector<16xf32>
        %mul3A_678 = arith.mulf %sub3A_676, %sub3A_676 : vector<16xf32>
        %mul3A_679 = arith.mulf %sub3A_677, %sub3A_677 : vector<16xf32>
        %add3A_680 = arith.addf %mul3A_678, %mul3A_679 : vector<16xf32>
        %reduce_sum3A_681 = arith.constant true
        %reduce_sum3A_682 = vector.broadcast %reduce_sum3A_681 : i1 to vector<16xi1>
        %reduce_sum3A_683 = tpu.scan <sum>, %add3A_680 masked %reduce_sum3A_682 : vector<16xf32>, vector<16xi1> -> vector<16xf32>
        %reduce_sum3A_684 = vector.extract %reduce_sum3A_683[15] : f32 from vector<16xf32>
        %mul3A_685 = arith.constant -5.000000e-01 : f32
        %mul3A_686 = arith.mulf %reduce_sum3A_684, %mul3A_685 : f32
        %broadcast_in_dim3A_687 = vector.broadcast %mul3A_686 : f32 to vector<16xf32>
        %exp3A_688 = math.exp %broadcast_in_dim3A_687 : vector<16xf32>
        %mul3A_689 = arith.mulf %exp3A_688, %get3A_670 : vector<16xf32>
        %add3A_690 = arith.addf %add3A_662, %mul3A_689 : vector<16xf32>
        %mul3A_691 = arith.mulf %exp3A_688, %get3A_675 : vector<16xf32>
        %add3A_692 = arith.addf %add3A_664, %mul3A_691 : vector<16xf32>
        %add3A_693 = arith.addf %add3A_665, %exp3A_688 : vector<16xf32>
        %add3A_694 = arith.constant 13 : i32
        %add3A_695 = arith.addi %mul3A_332, %add3A_694 : i32
        %get3A_696 = arith.index_cast %add3A_695 : i32 to index
        %get3A_697 = arith.constant 0 : index
        %get3A_698 = tpu.vector_load %arg8[%get3A_696, %get3A_697] {strides = array<i32>} : memref<1280x32xf32, #tpu.memory_space<vmem>>, vector<16xf32>,
        %add3A_699 = arith.constant 13 : i32
        %add3A_700 = arith.addi %mul3A_332, %add3A_699 : i32
        %get3A_701 = arith.index_cast %add3A_700 : i32 to index
        %get3A_702 = arith.constant 16 : index
        %get3A_703 = tpu.vector_load %arg8[%get3A_701, %get3A_702] {strides = array<i32>} : memref<1280x32xf32, #tpu.memory_space<vmem>>, vector<16xf32>,
        %sub3A_704 = arith.subf %get3A_698, %get3A_322 : vector<16xf32>
        %sub3A_705 = arith.subf %get3A_703, %get3A_325 : vector<16xf32>
        %mul3A_706 = arith.mulf %sub3A_704, %sub3A_704 : vector<16xf32>
        %mul3A_707 = arith.mulf %sub3A_705, %sub3A_705 : vector<16xf32>
        %add3A_708 = arith.addf %mul3A_706, %mul3A_707 : vector<16xf32>
        %reduce_sum3A_709 = arith.constant true
        %reduce_sum3A_710 = vector.broadcast %reduce_sum3A_709 : i1 to vector<16xi1>
        %reduce_sum3A_711 = tpu.scan <sum>, %add3A_708 masked %reduce_sum3A_710 : vector<16xf32>, vector<16xi1> -> vector<16xf32>
        %reduce_sum3A_712 = vector.extract %reduce_sum3A_711[15] : f32 from vector<16xf32>
        %mul3A_713 = arith.constant -5.000000e-01 : f32
        %mul3A_714 = arith.mulf %reduce_sum3A_712, %mul3A_713 : f32
        %broadcast_in_dim3A_715 = vector.broadcast %mul3A_714 : f32 to vector<16xf32>
        %exp3A_716 = math.exp %broadcast_in_dim3A_715 : vector<16xf32>
        %mul3A_717 = arith.mulf %exp3A_716, %get3A_698 : vector<16xf32>
        %add3A_718 = arith.addf %add3A_690, %mul3A_717 : vector<16xf32>
        %mul3A_719 = arith.mulf %exp3A_716, %get3A_703 : vector<16xf32>
        %add3A_720 = arith.addf %add3A_692, %mul3A_719 : vector<16xf32>
        %add3A_721 = arith.addf %add3A_693, %exp3A_716 : vector<16xf32>
        %add3A_722 = arith.constant 14 : i32
        %add3A_723 = arith.addi %mul3A_332, %add3A_722 : i32
        %get3A_724 = arith.index_cast %add3A_723 : i32 to index
        %get3A_725 = arith.constant 0 : index
        %get3A_726 = tpu.vector_load %arg8[%get3A_724, %get3A_725] {strides = array<i32>} : memref<1280x32xf32, #tpu.memory_space<vmem>>, vector<16xf32>,
        %add3A_727 = arith.constant 14 : i32
        %add3A_728 = arith.addi %mul3A_332, %add3A_727 : i32
        %get3A_729 = arith.index_cast %add3A_728 : i32 to index
        %get3A_730 = arith.constant 16 : index
        %get3A_731 = tpu.vector_load %arg8[%get3A_729, %get3A_730] {strides = array<i32>} : memref<1280x32xf32, #tpu.memory_space<vmem>>, vector<16xf32>,
        %sub3A_732 = arith.subf %get3A_726, %get3A_322 : vector<16xf32>
        %sub3A_733 = arith.subf %get3A_731, %get3A_325 : vector<16xf32>
        %mul3A_734 = arith.mulf %sub3A_732, %sub3A_732 : vector<16xf32>
        %mul3A_735 = arith.mulf %sub3A_733, %sub3A_733 : vector<16xf32>
        %add3A_736 = arith.addf %mul3A_734, %mul3A_735 : vector<16xf32>
        %reduce_sum3A_737 = arith.constant true
        %reduce_sum3A_738 = vector.broadcast %reduce_sum3A_737 : i1 to vector<16xi1>
        %reduce_sum3A_739 = tpu.scan <sum>, %add3A_736 masked %reduce_sum3A_738 : vector<16xf32>, vector<16xi1> -> vector<16xf32>
        %reduce_sum3A_740 = vector.extract %reduce_sum3A_739[15] : f32 from vector<16xf32>
        %mul3A_741 = arith.constant -5.000000e-01 : f32
        %mul3A_742 = arith.mulf %reduce_sum3A_740, %mul3A_741 : f32
        %broadcast_in_dim3A_743 = vector.broadcast %mul3A_742 : f32 to vector<16xf32>
        %exp3A_744 = math.exp %broadcast_in_dim3A_743 : vector<16xf32>
        %mul3A_745 = arith.mulf %exp3A_744, %get3A_726 : vector<16xf32>
        %add3A_746 = arith.addf %add3A_718, %mul3A_745 : vector<16xf32>
        %mul3A_747 = arith.mulf %exp3A_744, %get3A_731 : vector<16xf32>
        %add3A_748 = arith.addf %add3A_720, %mul3A_747 : vector<16xf32>
        %add3A_749 = arith.addf %add3A_721, %exp3A_744 : vector<16xf32>
        %add3A_750 = arith.constant 15 : i32
        %add3A_751 = arith.addi %mul3A_332, %add3A_750 : i32
        %get3A_752 = arith.index_cast %add3A_751 : i32 to index
        %get3A_753 = arith.constant 0 : index
        %get3A_754 = tpu.vector_load %arg8[%get3A_752, %get3A_753] {strides = array<i32>} : memref<1280x32xf32, #tpu.memory_space<vmem>>, vector<16xf32>,
        %add3A_755 = arith.constant 15 : i32
        %add3A_756 = arith.addi %mul3A_332, %add3A_755 : i32
        %get3A_757 = arith.index_cast %add3A_756 : i32 to index
        %get3A_758 = arith.constant 16 : index
        %get3A_759 = tpu.vector_load %arg8[%get3A_757, %get3A_758] {strides = array<i32>} : memref<1280x32xf32, #tpu.memory_space<vmem>>, vector<16xf32>,
        %sub3A_760 = arith.subf %get3A_754, %get3A_322 : vector<16xf32>
        %sub3A_761 = arith.subf %get3A_759, %get3A_325 : vector<16xf32>
        %mul3A_762 = arith.mulf %sub3A_760, %sub3A_760 : vector<16xf32>
        %mul3A_763 = arith.mulf %sub3A_761, %sub3A_761 : vector<16xf32>
        %add3A_764 = arith.addf %mul3A_762, %mul3A_763 : vector<16xf32>
        %reduce_sum3A_765 = arith.constant true
        %reduce_sum3A_766 = vector.broadcast %reduce_sum3A_765 : i1 to vector<16xi1>
        %reduce_sum3A_767 = tpu.scan <sum>, %add3A_764 masked %reduce_sum3A_766 : vector<16xf32>, vector<16xi1> -> vector<16xf32>
        %reduce_sum3A_768 = vector.extract %reduce_sum3A_767[15] : f32 from vector<16xf32>
        %mul3A_769 = arith.constant -5.000000e-01 : f32
        %mul3A_770 = arith.mulf %reduce_sum3A_768, %mul3A_769 : f32
        %broadcast_in_dim3A_771 = vector.broadcast %mul3A_770 : f32 to vector<16xf32>
        %exp3A_772 = math.exp %broadcast_in_dim3A_771 : vector<16xf32>
        %mul3A_773 = arith.mulf %exp3A_772, %get3A_754 : vector<16xf32>
        %add3A_774 = arith.addf %add3A_746, %mul3A_773 : vector<16xf32>
        %mul3A_775 = arith.mulf %exp3A_772, %get3A_759 : vector<16xf32>
        %add3A_776 = arith.addf %add3A_748, %mul3A_775 : vector<16xf32>
        %add3A_777 = arith.addf %add3A_749, %exp3A_772 : vector<16xf32>
        %add3A_778 = arith.constant 16 : i32
        %add3A_779 = arith.addi %mul3A_332, %add3A_778 : i32
        %get3A_780 = arith.index_cast %add3A_779 : i32 to index
        %get3A_781 = arith.constant 0 : index
        %get3A_782 = tpu.vector_load %arg8[%get3A_780, %get3A_781] {strides = array<i32>} : memref<1280x32xf32, #tpu.memory_space<vmem>>, vector<16xf32>,
        %add3A_783 = arith.constant 16 : i32
        %add3A_784 = arith.addi %mul3A_332, %add3A_783 : i32
        %get3A_785 = arith.index_cast %add3A_784 : i32 to index
        %get3A_786 = arith.constant 16 : index
        %get3A_787 = tpu.vector_load %arg8[%get3A_785, %get3A_786] {strides = array<i32>} : memref<1280x32xf32, #tpu.memory_space<vmem>>, vector<16xf32>,
        %sub3A_788 = arith.subf %get3A_782, %get3A_322 : vector<16xf32>
        %sub3A_789 = arith.subf %get3A_787, %get3A_325 : vector<16xf32>
        %mul3A_790 = arith.mulf %sub3A_788, %sub3A_788 : vector<16xf32>
        %mul3A_791 = arith.mulf %sub3A_789, %sub3A_789 : vector<16xf32>
        %add3A_792 = arith.addf %mul3A_790, %mul3A_791 : vector<16xf32>
        %reduce_sum3A_793 = arith.constant true
        %reduce_sum3A_794 = vector.broadcast %reduce_sum3A_793 : i1 to vector<16xi1>
        %reduce_sum3A_795 = tpu.scan <sum>, %add3A_792 masked %reduce_sum3A_794 : vector<16xf32>, vector<16xi1> -> vector<16xf32>
        %reduce_sum3A_796 = vector.extract %reduce_sum3A_795[15] : f32 from vector<16xf32>
        %mul3A_797 = arith.constant -5.000000e-01 : f32
        %mul3A_798 = arith.mulf %reduce_sum3A_796, %mul3A_797 : f32
        %broadcast_in_dim3A_799 = vector.broadcast %mul3A_798 : f32 to vector<16xf32>
        %exp3A_800 = math.exp %broadcast_in_dim3A_799 : vector<16xf32>
        %mul3A_801 = arith.mulf %exp3A_800, %get3A_782 : vector<16xf32>
        %add3A_802 = arith.addf %add3A_774, %mul3A_801 : vector<16xf32>
        %mul3A_803 = arith.mulf %exp3A_800, %get3A_787 : vector<16xf32>
        %add3A_804 = arith.addf %add3A_776, %mul3A_803 : vector<16xf32>
        %add3A_805 = arith.addf %add3A_777, %exp3A_800 : vector<16xf32>
        %add3A_806 = arith.constant 17 : i32
        %add3A_807 = arith.addi %mul3A_332, %add3A_806 : i32
        %get3A_808 = arith.index_cast %add3A_807 : i32 to index
        %get3A_809 = arith.constant 0 : index
        %get3A_810 = tpu.vector_load %arg8[%get3A_808, %get3A_809] {strides = array<i32>} : memref<1280x32xf32, #tpu.memory_space<vmem>>, vector<16xf32>,
        %add3A_811 = arith.constant 17 : i32
        %add3A_812 = arith.addi %mul3A_332, %add3A_811 : i32
        %get3A_813 = arith.index_cast %add3A_812 : i32 to index
        %get3A_814 = arith.constant 16 : index
        %get3A_815 = tpu.vector_load %arg8[%get3A_813, %get3A_814] {strides = array<i32>} : memref<1280x32xf32, #tpu.memory_space<vmem>>, vector<16xf32>,
        %sub3A_816 = arith.subf %get3A_810, %get3A_322 : vector<16xf32>
        %sub3A_817 = arith.subf %get3A_815, %get3A_325 : vector<16xf32>
        %mul3A_818 = arith.mulf %sub3A_816, %sub3A_816 : vector<16xf32>
        %mul3A_819 = arith.mulf %sub3A_817, %sub3A_817 : vector<16xf32>
        %add3A_820 = arith.addf %mul3A_818, %mul3A_819 : vector<16xf32>
        %reduce_sum3A_821 = arith.constant true
        %reduce_sum3A_822 = vector.broadcast %reduce_sum3A_821 : i1 to vector<16xi1>
        %reduce_sum3A_823 = tpu.scan <sum>, %add3A_820 masked %reduce_sum3A_822 : vector<16xf32>, vector<16xi1> -> vector<16xf32>
        %reduce_sum3A_824 = vector.extract %reduce_sum3A_823[15] : f32 from vector<16xf32>
        %mul3A_825 = arith.constant -5.000000e-01 : f32
        %mul3A_826 = arith.mulf %reduce_sum3A_824, %mul3A_825 : f32
        %broadcast_in_dim3A_827 = vector.broadcast %mul3A_826 : f32 to vector<16xf32>
        %exp3A_828 = math.exp %broadcast_in_dim3A_827 : vector<16xf32>
        %mul3A_829 = arith.mulf %exp3A_828, %get3A_810 : vector<16xf32>
        %add3A_830 = arith.addf %add3A_802, %mul3A_829 : vector<16xf32>
        %mul3A_831 = arith.mulf %exp3A_828, %get3A_815 : vector<16xf32>
        %add3A_832 = arith.addf %add3A_804, %mul3A_831 : vector<16xf32>
        %add3A_833 = arith.addf %add3A_805, %exp3A_828 : vector<16xf32>
        %add3A_834 = arith.constant 18 : i32
        %add3A_835 = arith.addi %mul3A_332, %add3A_834 : i32
        %get3A_836 = arith.index_cast %add3A_835 : i32 to index
        %get3A_837 = arith.constant 0 : index
        %get3A_838 = tpu.vector_load %arg8[%get3A_836, %get3A_837] {strides = array<i32>} : memref<1280x32xf32, #tpu.memory_space<vmem>>, vector<16xf32>,
        %add3A_839 = arith.constant 18 : i32
        %add3A_840 = arith.addi %mul3A_332, %add3A_839 : i32
        %get3A_841 = arith.index_cast %add3A_840 : i32 to index
        %get3A_842 = arith.constant 16 : index
        %get3A_843 = tpu.vector_load %arg8[%get3A_841, %get3A_842] {strides = array<i32>} : memref<1280x32xf32, #tpu.memory_space<vmem>>, vector<16xf32>,
        %sub3A_844 = arith.subf %get3A_838, %get3A_322 : vector<16xf32>
        %sub3A_845 = arith.subf %get3A_843, %get3A_325 : vector<16xf32>
        %mul3A_846 = arith.mulf %sub3A_844, %sub3A_844 : vector<16xf32>
        %mul3A_847 = arith.mulf %sub3A_845, %sub3A_845 : vector<16xf32>
        %add3A_848 = arith.addf %mul3A_846, %mul3A_847 : vector<16xf32>
        %reduce_sum3A_849 = arith.constant true
        %reduce_sum3A_850 = vector.broadcast %reduce_sum3A_849 : i1 to vector<16xi1>
        %reduce_sum3A_851 = tpu.scan <sum>, %add3A_848 masked %reduce_sum3A_850 : vector<16xf32>, vector<16xi1> -> vector<16xf32>
        %reduce_sum3A_852 = vector.extract %reduce_sum3A_851[15] : f32 from vector<16xf32>
        %mul3A_853 = arith.constant -5.000000e-01 : f32
        %mul3A_854 = arith.mulf %reduce_sum3A_852, %mul3A_853 : f32
        %broadcast_in_dim3A_855 = vector.broadcast %mul3A_854 : f32 to vector<16xf32>
        %exp3A_856 = math.exp %broadcast_in_dim3A_855 : vector<16xf32>
        %mul3A_857 = arith.mulf %exp3A_856, %get3A_838 : vector<16xf32>
        %add3A_858 = arith.addf %add3A_830, %mul3A_857 : vector<16xf32>
        %mul3A_859 = arith.mulf %exp3A_856, %get3A_843 : vector<16xf32>
        %add3A_860 = arith.addf %add3A_832, %mul3A_859 : vector<16xf32>
        %add3A_861 = arith.addf %add3A_833, %exp3A_856 : vector<16xf32>
        %add3A_862 = arith.constant 19 : i32
        %add3A_863 = arith.addi %mul3A_332, %add3A_862 : i32
        %get3A_864 = arith.index_cast %add3A_863 : i32 to index
        %get3A_865 = arith.constant 0 : index
        %get3A_866 = tpu.vector_load %arg8[%get3A_864, %get3A_865] {strides = array<i32>} : memref<1280x32xf32, #tpu.memory_space<vmem>>, vector<16xf32>,
        %add3A_867 = arith.constant 19 : i32
        %add3A_868 = arith.addi %mul3A_332, %add3A_867 : i32
        %get3A_869 = arith.index_cast %add3A_868 : i32 to index
        %get3A_870 = arith.constant 16 : index
        %get3A_871 = tpu.vector_load %arg8[%get3A_869, %get3A_870] {strides = array<i32>} : memref<1280x32xf32, #tpu.memory_space<vmem>>, vector<16xf32>,
        %sub3A_872 = arith.subf %get3A_866, %get3A_322 : vector<16xf32>
        %sub3A_873 = arith.subf %get3A_871, %get3A_325 : vector<16xf32>
        %mul3A_874 = arith.mulf %sub3A_872, %sub3A_872 : vector<16xf32>
        %mul3A_875 = arith.mulf %sub3A_873, %sub3A_873 : vector<16xf32>
        %add3A_876 = arith.addf %mul3A_874, %mul3A_875 : vector<16xf32>
        %reduce_sum3A_877 = arith.constant true
        %reduce_sum3A_878 = vector.broadcast %reduce_sum3A_877 : i1 to vector<16xi1>
        %reduce_sum3A_879 = tpu.scan <sum>, %add3A_876 masked %reduce_sum3A_878 : vector<16xf32>, vector<16xi1> -> vector<16xf32>
        %reduce_sum3A_880 = vector.extract %reduce_sum3A_879[15] : f32 from vector<16xf32>
        %mul3A_881 = arith.constant -5.000000e-01 : f32
        %mul3A_882 = arith.mulf %reduce_sum3A_880, %mul3A_881 : f32
        %broadcast_in_dim3A_883 = vector.broadcast %mul3A_882 : f32 to vector<16xf32>
        %exp3A_884 = math.exp %broadcast_in_dim3A_883 : vector<16xf32>
        %mul3A_885 = arith.mulf %exp3A_884, %get3A_866 : vector<16xf32>
        %add3A_886 = arith.addf %add3A_858, %mul3A_885 : vector<16xf32>
        %mul3A_887 = arith.mulf %exp3A_884, %get3A_871 : vector<16xf32>
        %add3A_888 = arith.addf %add3A_860, %mul3A_887 : vector<16xf32>
        %add3A_889 = arith.addf %add3A_861, %exp3A_884 : vector<16xf32>
        %add3A_890 = arith.constant 9.99999993E-9 : f32
        %add3A_891 = vector.broadcast %add3A_890 : f32 to vector<16xf32>
        %add3A_892 = arith.addf %add3A_889, %add3A_891 : vector<16xf32>
        %div3A = arith.constant 1.000000e+00 : f32
        %div3A_893 = vector.broadcast %div3A : f32 to vector<16xf32>
        %div3A_894 = arith.divf %div3A_893, %add3A_892 : vector<16xf32>
        %mul3A_895 = arith.mulf %add3A_886, %div3A_894 : vector<16xf32>
        %swap3A = arith.index_cast %scan3A_320 : i32 to index
        %swap3A_896 = arith.constant 0 : index
        %swap3A_897 = tpu.vector_load %arg11[%swap3A, %swap3A_896] {strides = array<i32>} : memref<64x33xf32, #tpu.memory_space<vmem>>, vector<16xf32>,
        tpu.vector_store %arg11[%swap3A, %swap3A_896], %mul3A_895 {strides = array<i32>} : memref<64x33xf32, #tpu.memory_space<vmem>>, vector<16xf32>,
        %mul3A_898 = arith.mulf %add3A_888, %div3A_894 : vector<16xf32>
        %swap3A_899 = arith.index_cast %scan3A_320 : i32 to index
        %swap3A_900 = arith.constant 16 : index
        %swap3A_901 = tpu.vector_load %arg11[%swap3A_899, %swap3A_900] {strides = array<i32>} : memref<64x33xf32, #tpu.memory_space<vmem>>, vector<16xf32>,
        tpu.vector_store %arg11[%swap3A_899, %swap3A_900], %mul3A_898 {strides = array<i32>} : memref<64x33xf32, #tpu.memory_space<vmem>>, vector<16xf32>,
      }
      %scan3A_308 = arith.constant 64 : i32
      %scan3A_309 = arith.constant 0 : i32
      %scan3A_310 = arith.constant 0 : i32
      %scan3A_311 = arith.constant 32 : i32
      %scan3A_312 = arith.addi %scan3A_310, %scan3A_311 : i32
      %scan3A_313 = arith.constant 1 : i32
      scf.for %scan3A_320 = %scan3A_310 to %scan3A_312 step %scan3A_313  : i32 {
        %broadcast_in_dim3A = arith.constant 1 : i32
        %broadcast_in_dim3A_321 = vector.broadcast %broadcast_in_dim3A : i32 to vector<16xi32>
        %mul3A_322 = vector.broadcast %scan3A_320 : i32 to vector<16xi32>
        %mul3A_323 = arith.muli %broadcast_in_dim3A_321, %mul3A_322 : vector<16xi32>
        %add3A_324 = arith.constant 0 : i32
        %add3A_325 = vector.broadcast %add3A_324 : i32 to vector<16xi32>
        %add3A_326 = arith.addi %iota3A, %add3A_325 : vector<16xi32>
        %gather3A = tpu.vector_load_idx %arg11[%add3A_326, %mul3A_323] : memref<64x33xf32, #tpu.memory_space<vmem>>[vector<16xi32>, vector<16xi32>], vector<16xf32>,
        %swap3A = arith.index_cast %scan3A_320 : i32 to index
        %swap3A_327 = arith.constant 0 : index
        %swap3A_328 = tpu.vector_load %arg12[%swap3A, %swap3A_327] {strides = array<i32>} : memref<32x64xf32, #tpu.memory_space<vmem>>, vector<16xf32>,
        tpu.vector_store %arg12[%swap3A, %swap3A_327], %gather3A {strides = array<i32>} : memref<32x64xf32, #tpu.memory_space<vmem>>, vector<16xf32>,
        %add3A_329 = arith.constant 16 : i32
        %add3A_330 = vector.broadcast %add3A_329 : i32 to vector<16xi32>
        %add3A_331 = arith.addi %iota3A, %add3A_330 : vector<16xi32>
        %gather3A_332 = tpu.vector_load_idx %arg11[%add3A_331, %mul3A_323] : memref<64x33xf32, #tpu.memory_space<vmem>>[vector<16xi32>, vector<16xi32>], vector<16xf32>,
        %swap3A_333 = arith.index_cast %scan3A_320 : i32 to index
        %swap3A_334 = arith.constant 16 : index
        %swap3A_335 = tpu.vector_load %arg12[%swap3A_333, %swap3A_334] {strides = array<i32>} : memref<32x64xf32, #tpu.memory_space<vmem>>, vector<16xf32>,
        tpu.vector_store %arg12[%swap3A_333, %swap3A_334], %gather3A_332 {strides = array<i32>} : memref<32x64xf32, #tpu.memory_space<vmem>>, vector<16xf32>,
        %add3A_336 = arith.constant 32 : i32
        %add3A_337 = vector.broadcast %add3A_336 : i32 to vector<16xi32>
        %add3A_338 = arith.addi %iota3A, %add3A_337 : vector<16xi32>
        %gather3A_339 = tpu.vector_load_idx %arg11[%add3A_338, %mul3A_323] : memref<64x33xf32, #tpu.memory_space<vmem>>[vector<16xi32>, vector<16xi32>], vector<16xf32>,
        %swap3A_340 = arith.index_cast %scan3A_320 : i32 to index
        %swap3A_341 = arith.constant 32 : index
        %swap3A_342 = tpu.vector_load %arg12[%swap3A_340, %swap3A_341] {strides = array<i32>} : memref<32x64xf32, #tpu.memory_space<vmem>>, vector<16xf32>,
        tpu.vector_store %arg12[%swap3A_340, %swap3A_341], %gather3A_339 {strides = array<i32>} : memref<32x64xf32, #tpu.memory_space<vmem>>, vector<16xf32>,
        %add3A_343 = arith.constant 48 : i32
        %add3A_344 = vector.broadcast %add3A_343 : i32 to vector<16xi32>
        %add3A_345 = arith.addi %iota3A, %add3A_344 : vector<16xi32>
        %gather3A_346 = tpu.vector_load_idx %arg11[%add3A_345, %mul3A_323] : memref<64x33xf32, #tpu.memory_space<vmem>>[vector<16xi32>, vector<16xi32>], vector<16xf32>,
        %swap3A_347 = arith.index_cast %scan3A_320 : i32 to index
        %swap3A_348 = arith.constant 48 : index
        %swap3A_349 = tpu.vector_load %arg12[%swap3A_347, %swap3A_348] {strides = array<i32>} : memref<32x64xf32, #tpu.memory_space<vmem>>, vector<16xf32>,
        tpu.vector_store %arg12[%swap3A_347, %swap3A_348], %gather3A_346 {strides = array<i32>} : memref<32x64xf32, #tpu.memory_space<vmem>>, vector<16xf32>,
      }
      %scan3A_314 = arith.constant 32 : i32
      %mul3A_315 = arith.constant 512 : i32
      %mul3A_316 = arith.muli %add3A, %mul3A_315 : i32
      %mul3A_317 = arith.constant 64 : i32
      %mul3A_318 = arith.muli %add3A_302, %mul3A_317 : i32
      %add3A_319 = arith.addi %mul3A_316, %mul3A_318 : i32
      "tpu.region"() ({
        %run_scoped3A = tpu.sem_alloc : memref<!tpu.dma_semaphore, #tpu.memory_space<semaphore_mem>>
        %dma_start3A_320 = arith.constant 0 : i32
        %dma_start3A_321 = tpu.memref_slice %arg5[%dma_start3A_320, %add3A_319] : memref<32x16384xf32, #tpu.memory_space<hbm>> -> memref<32x64xf32, #tpu.memory_space<hbm>>
        %dma_start3A_322 = arith.constant 0 : i32
        %dma_start3A_323 = tpu.memref_slice %arg5[%dma_start3A_322, %add3A_319] : memref<32x16384xf32, #tpu.memory_space<hbm>> -> memref<32x64xf32, #tpu.memory_space<hbm>>
        tpu.enqueue_dma source(%arg12 : memref<32x64xf32, #tpu.memory_space<vmem>>) target(%dma_start3A_323 : memref<32x64xf32, #tpu.memory_space<hbm>>) target_semaphore(%run_scoped3A : memref<!tpu.dma_semaphore, #tpu.memory_space<semaphore_mem>>)
        %dma_wait3A_324 = arith.constant 0 : i32
        %dma_wait3A_325 = tpu.memref_slice %arg5[%dma_wait3A_324, %add3A_319] : memref<32x16384xf32, #tpu.memory_space<hbm>> -> memref<32x64xf32, #tpu.memory_space<hbm>>
        %dma_wait3A_326 = arith.constant 0 : i32
        %dma_wait3A_327 = tpu.memref_slice %arg5[%dma_wait3A_326, %add3A_319] : memref<32x16384xf32, #tpu.memory_space<hbm>> -> memref<32x64xf32, #tpu.memory_space<hbm>>
        tpu.wait_dma2 semaphore(%run_scoped3A : memref<!tpu.dma_semaphore, #tpu.memory_space<semaphore_mem>>) src(%arg12 : memref<32x64xf32, #tpu.memory_space<vmem>>) dst(%dma_wait3A_327 : memref<32x64xf32, #tpu.memory_space<hbm>>)
        tpu.yield
      }) : () -> ()
    }
    %scan3A_114 = arith.constant 4 : i32
    return
  }
}

</mosaic_0001>

<sc_bundles>
// kernel: _run.3.cloned.1.call-start
scs
__scs_entry_jumppad:
0x0: {  	(pc) =	sbr.rel $0x88, $3  }
0x1: {  	(tag) =	ssettag $0x0;
	lr =	simm.s32 $0x1  }
0x2: {  	[smem:$0x3F9E] =	sst lr;
	_ =	strace $0xD0000000  }
0x3: {  	_ = 	snop  }
0x4: {  	_ = 	snop  }
0x5: {  	_ = 	snop  }
0x6: {  	_ = 	snop  }
0x7: {  	_ = 	snop  }
__scs_overlays_trampoline_lowered:
0x8: {  	[smem:$0x3FAD] =	sst s0  }
0x9: {  	[smem:$0x3FAE] =	sst s1  }
0xa: {  	[smem:$0x3FAF] =	sst s2  }
0xb: {  	[smem:$0x3FB0] =	sst s3  }
0xc: {  	[smem:$0x3FB1] =	sst s4  }
0xd: {  	[smem:$0x3FB2] =	sst s5  }
0xe: {  	[smem:$0x3FB3] =	sst s6  }
0xf: {  	[smem:$0x3FB4] =	sst s7  }
0x10: {  	[smem:$0x3FB5] =	sst s8  }
0x11: {  	[smem:$0x3FB6] =	sst s9;
	s0 =	simm.s32 @!p0 $0x0  }
0x12: {  	s1 =	sld [smem:$0x3F9C];
	s0 =	simm.s32 @p0 $0x1  }
0x13: {  	[smem:$0x3FB7] =	sst s0;
	s0 =	simm.s32 @!p1 $0x0  }
0x14: {  	s2 =	sld [smem:$0x3F9B];
	s0 =	simm.s32 @p1 $0x1  }
0x15: {  	[smem:$0x3FB8] =	sst s0;
	s0 =	simm.s32 @!p2 $0x0  }
0x16: {  	s3 =	sld [smem:$0x3FDB];
	s0 =	simm.s32 @p2 $0x1  }
0x17: {  	s4 =	simm.s32 $0x1BF5;
	[smem:$0x3FBA] =	sst s0  }
0x18: {  	s0 =	sld [smem:$0x3F9D];
	_ =	swait.ge [sflag:s4], $0x0  }
0x19: {  	s7 =	sld [smem:$0x3F9E]  }
0x1a: {  	s8 =	sadd.s32 $0xFFFFE003, lr  }
0x1b: {  	s9 =	sadd.s32 $0xFFFFFEF7, lr;
	s5 =	simm.s32 $0xFFFFFFFF;
	p2 =	slt.u32 s8, $0xFFFFF086  }
0x1c: {  	p1 =	slt.u32 s9, $0xF7A;
	s5 =	simm.s32 @!p2 $0x0  }
0x1d: {  	s5 =	simm.s32 @p1 $0x1;
	p0 =	seq.s32 s7, s2  }
0x1e: {  	s7 =	smul.u32 @!p0 $0xF7A, s2;
	p2 =	seq.s32 @!p0 s5, $0x0  }
0x1f: {  	s9 =	smul.u32 $0xF7A, s1;
	s8 =	simm.s32 @!p0 $0x1BF5;
	p2 =	por !p2, p0  }
0x20: {  	[sflag:s8] =	ssyncset.s32 @!p0 $0xFFFFF086;
	s6 =	sadd.s32 @!p0 s3, s7;
	s7 =	simm.s32 @!p0 $0x108  }
0x21: {  	s3 =	sadd.s32 s3, s9;
	s6 =	sadd.s32 @!p0 $0x88, s6;
	s7 =	simm.s32 @p2 $0x1082  }
0x22: {  	[simem:s7], [sflag:s8] =	dma.local @!p0 [hbm:s6], $0xF7A  }
0x23: {  	s9 =	sor.u32 $0xD0000000, s2;
	s6 =	simm.s32 $0x108;
	_ =	swait.ge @!p0 [sflag:s8], $0x0  }
0x24: {  	s3 =	sadd.s32 $0x88, s3;
	s6 =	simm.s32 @!p1 $0x1082;
	[sflag:s4] =	ssyncset.s32 $0xFFFFF086  }
0x25: {  	[simem:s6], [sflag:s4] =	dma.local [hbm:s3], $0xF7A  }
0x26: {  	[smem:$0x3F9E] =	sst s1;
	(tag) =	ssettag s2;
	_ =	strace s9  }
0x27: {  	s1 =	sld [smem:$0x3FAE]  }
0x28: {  	s2 =	sld [smem:$0x3FAF]  }
0x29: {  	s4 =	sld [smem:$0x3FB1]  }
0x2a: {  	p0 =	seq.s32 s5, $0x0;
	s5 =	sld [smem:$0x3FB2]  }
0x2b: {  	s6 =	sld [smem:$0x3FB3]  }
0x2c: {  	s7 =	sld [smem:$0x3FB4]  }
0x2d: {  	s3 =	simm.s32 $0x108;
	s8 =	sld [smem:$0x3FB5]  }
0x2e: {  	s3 =	simm.s32 @!p0 $0x1082;
	s9 =	sld [smem:$0x3FB6]  }
0x2f: {  	lr =	sadd.s32 s0, s3;
	s0 =	sld [smem:$0x3FAD]  }
0x30: {  	s3 =	sld [smem:$0x3FB0]  }
0x31: {  	[smem:$0x3FB9] =	sst s10  }
0x32: {  	s10 =	sld [smem:$0x3FB7];
	_ =	sdelay $0x3  }
0x33: {  	p0 =	seq.s32 s10, $0x1;
	s10 =	sld [smem:$0x3FB9];
	_ =	sdelay $0x3  }
0x34: {  	[smem:$0x3FB9] =	sst s10  }
0x35: {  	s10 =	sld [smem:$0x3FB8];
	_ =	sdelay $0x3  }
0x36: {  	p1 =	seq.s32 s10, $0x1;
	s10 =	sld [smem:$0x3FB9];
	_ =	sdelay $0x3  }
0x37: {  	[smem:$0x3FB9] =	sst s10  }
0x38: {  	s10 =	sld [smem:$0x3FBA]  }
0x39: {  	_ = 	snop;
	(pc) =	sbr.ind lr, $3  }
0x3a: {  	_ = 	snop  }
0x3b: {  	_ = 	snop  }
0x3c: {  	p2 =	seq.s32 s10, $0x1;
	s10 =	sld [smem:$0x3FB9]  }
0x3d: {  	_ =	shalt  }
0x3e: {  	_ =	shalt  }
0x3f: {  	_ =	shalt  }
0x40: {  	_ =	shalt  }
0x41: {  	_ =	shalt  }
0x42: {  	_ =	shalt  }
0x43: {  	_ =	shalt  }
0x44: {  	_ =	shalt  }
0x45: {  	_ =	shalt  }
0x46: {  	_ =	shalt  }
0x47: {  	_ =	shalt  }
0x48: {  	_ =	shalt  }
0x49: {  	_ =	shalt  }
0x4a: {  	_ =	shalt  }
0x4b: {  	_ =	shalt  }
0x4c: {  	_ =	shalt  }
0x4d: {  	_ =	shalt  }
0x4e: {  	_ =	shalt  }
0x4f: {  	_ =	shalt  }
0x50: {  	_ =	shalt  }
0x51: {  	_ =	shalt  }
0x52: {  	_ =	shalt  }
0x53: {  	_ =	shalt  }
0x54: {  	_ =	shalt  }
0x55: {  	_ =	shalt  }
0x56: {  	_ =	shalt  }
0x57: {  	_ =	shalt  }
0x58: {  	_ =	shalt  }
0x59: {  	_ =	shalt  }
0x5a: {  	_ =	shalt  }
0x5b: {  	_ =	shalt  }
0x5c: {  	_ =	shalt  }
0x5d: {  	_ =	shalt  }
0x5e: {  	_ =	shalt  }
0x5f: {  	_ =	shalt  }
0x60: {  	_ =	shalt  }
0x61: {  	_ =	shalt  }
0x62: {  	_ =	shalt  }
0x63: {  	_ =	shalt  }
0x64: {  	_ =	shalt  }
0x65: {  	_ =	shalt  }
0x66: {  	_ =	shalt  }
0x67: {  	_ =	shalt  }
0x68: {  	_ =	shalt  }
0x69: {  	_ =	shalt  }
0x6a: {  	_ =	shalt  }
0x6b: {  	_ =	shalt  }
0x6c: {  	_ =	shalt  }
0x6d: {  	_ =	shalt  }
0x6e: {  	_ =	shalt  }
0x6f: {  	_ =	shalt  }
0x70: {  	_ =	shalt  }
0x71: {  	_ =	shalt  }
0x72: {  	_ =	shalt  }
0x73: {  	_ =	shalt  }
0x74: {  	_ =	shalt  }
0x75: {  	_ =	shalt  }
0x76: {  	_ =	shalt  }
0x77: {  	_ =	shalt  }
0x78: {  	_ =	shalt  }
0x79: {  	_ =	shalt  }
0x7a: {  	_ =	shalt  }
0x7b: {  	_ =	shalt  }
0x7c: {  	_ =	shalt  }
0x7d: {  	_ =	shalt  }
0x7e: {  	_ =	shalt  }
0x7f: {  	_ =	shalt  }
0x80: {  	_ =	shalt  }
0x81: {  	_ =	shalt  }
0x82: {  	_ =	shalt  }
0x83: {  	_ =	shalt  }
0x84: {  	_ =	shalt  }
0x85: {  	_ =	shalt  }
0x86: {  	_ =	shalt  }
0x87: {  	_ =	shalt  }
.Lfunc_end0:
.L_simem_size_0:
called_computation_lowered:
.L_overlay_start_0:
0x88: {  	s2 =	sld [smem:$0x3FD9]  }
0x89: {  	s3 =	sld [smem:$0x3FFE];
	_ =	sdelay $0x1  }
0x8a: {  	s1 =	srdreg.scid  }
0x8b: {  	s0 =	sand.u32 $0x1, s1  }
0x8c: {  	s17 =	sshll.u32 s0, $0xA;
	s2 =	sadd.s32 s3, s2  }
0x8d: {  	s2 =	sadd.s32 s2, s17  }
0x8e: {  	[smem:$0x3FC5] =	sst s2  }
0x8f: {  	_ = 	snop  }
0x90: {  	s2 =	sld [smem:$0x3FC9]  }
0x91: {  	s18 =	sld [smem:$0x3FD0];
	(tm) =	ssettm $0x1  }
0x92: {  	s4 =	sld [smem:$0x3FFB];
	_ =	sdelay $0x3  }
0x93: {  	_ =	strace s4  }
0x94: {  	s4 =	sld [smem:$0x3FFC];
	_ =	sdelay $0x3  }
0x95: {  	_ =	strace s4  }
0x96: {  	s4 =	sld [smem:$0x3FFD];
	_ =	sdelay $0x3  }
0x97: {  	_ =	strace s4  }
0x98: {  	_ =	strace $0x8FFFFFFF  }
0x99: {  	s19 =	sld [smem:$0x3FDB];
	_ =	sdelay $0x1  }
0x9a: {  	s5 =	simm.s32 $_scs_section_size  }
0x9b: {  	s6 =	simm.s32 $_size__tile_overlayer_lowered;
	s7 =	simm.s32 $_tile_overlayer_lowered  }
0x9c: {  	s22 =	simm.s32 $0x1BFF;
	s21 =	sshll.u32 s7, $0x1;
	s4 =	sadd.s32 s5, s19  }
0x9d: {  	s8 =	simm.s32 $0x0;
	s20 =	sshll.u32 s6, $0x1;
	s6 =	sadd.s32 s21, s4  }
0x9e: {  	[timem:s8], [sflag:s22] =	dma.local [hbm:s6], s20  }
0x9f: {  	_ =	swait.ge [sflag:s22], s20  }
0xa0: {  	s5 =	ssub.s32 $0x0, s20;
	[sflag:s22] =	ssyncset.done $0x0  }
0xa1: {  	[sflag:s22] =	ssyncadd.s32 s5;
	_ =	sdelay $0x1  }
0xa2: {  	s23 =	simm.s32 $0x1B8B  }
0xa3: {  	_ =	swait.ge [sflag:s23], $0x1  }
0xa4: {  	[sflag:s23] =	ssyncset.done $0x0  }
0xa5: {  	s25 =	simm.s32 $0x1B8E;
	s24 =	sld [smem:$0x3FFE];
	[sflag:s23] =	ssyncadd.s32 $0xFFFFFFFF  }
0xa6: {  	s26 =	simm.s32 $execute0_lowered;
	[smem:$0x3FD2] =	sst s25  }
0xa7: {  	s6 =	sshll.u32 s26, $0x1;
	_ =	strace $0x80000046;
	[dreg:$0x1] =	wrdreg $0xFFFFFFFF  }
0xa8: {  	s28 =	simm.s32 $_size_execute0_lowered;
	s4 =	sadd.s32 s4, s6;
	[dreg:$0x0] =	wrdreg $0x0  }
0xa9: {  	s6 =	sshll.u32 s28, $0x1;
	[dreg:$0x2] =	wrdreg s4  }
0xaa: {  	[dreg:$0x3] =	wrdreg s6  }
0xab: {  	[dreg:$0x4] =	wrdreg $0xC0  }
0xac: {  	_ =	task [dreg:s8], $0x5FFFF  }
0xad: {  	[dreg:$0x1] =	wrdreg $0xFFFFFFFF  }
0xae: {  	[dreg:$0x0] =	wrdreg $0x60  }
0xaf: {  	[dreg:$0x2] =	wrdreg s2  }
0xb0: {  	[dreg:$0x3] =	wrdreg s18  }
0xb1: {  	[dreg:$0x4] =	wrdreg s24  }
0xb2: {  	[dreg:$0x5] =	wrdreg $0x9  }
0xb3: {  	_ =	task.clear_ibuf [dreg:s8], $0x6FFFF;
	_ =	strace $0x90000046  }
0xb4: {  	s29 =	simm.s32 $0x9;
	_ =	strace $0x80000048  }
0xb5: {  	_ =	swait.ge [sflag:s29], $0x1  }
0xb6: {  	[sflag:s29] =	ssyncadd.s32 $0xFFFFFFFF  }
0xb7: {  	_ =	strace $0x90000048  }
0xb8: {  	_ =	sfence  }
0xb9: {  	s30 =	sld [smem:$0x0];
	_ =	sdelay $0x2  }
0xba: {  	s31 =	sshll.u32 s1, $0xD;
	s1 =	sshrl.u32 s1, $0x2  }
0xbb: {  	s3 =	sand.u32 $0x4000, s31;
	s1 =	sadd.s32 s1, s30  }
0xbc: {  	s0 =	sor.u32 s3, s0;
	s1 =	sshll.u32 s1, $0x11  }
0xbd: {  	s0 =	sor.u32 s1, s0  }
0xbe: {  	s0 =	sadd.s32 $0x8F2B, s0  }
0xbf: {  	[sflag:s0] =	ssyncadd.remote.s32 $0x1  }
0xc0: {  	_ =	sfence.sel $0xFFFF  }
0xc1: {  	[dreg:$0x0] =	wrdreg $0xFFFFFFFF;
	(pc) =	sbr.abs _section_cstart, $3  }
0xc2: {  	[dreg:$0x1] =	wrdreg $0xFFFFFFFF  }
0xc3: {  	_ =	task.clear_ibuf [dreg:s8], $0x2FFFF;
	_ =	strace $0x9FFFFFFF  }
0xc4: {  	(tm) =	ssettm $0x7FFFFFFF  }
0xc5: {  	_ =	shalt  }
tec
execute0_lowered:
.L_overlay_start_1:
0x0: {  	(tag) =	ssettag $0x1  }
0x1: {  	s0 =	rddreg [dreg:$0x0]  }
0x2: {  	s8 =	rddreg [dreg:$0x1]  }
0x3: {  	s1 =	rddreg [dreg:$0x2];
	s3 =	srdreg.scid  }
0x4: {  	s2 =	stileid.u32;
	s5 =	simm.s32 $0x0;
	s10 =	simm.s32 $0x3  }
0x5: {  	s11 =	simm.s32 $0x80;
	s12 =	simm.s32 $0xE800;
	s13 =	simm.s32 $0xF800  }
0x6: {  	s14 =	simm.s32 $0x10800;
	s15 =	simm.s32 $0x11800;
	s16 =	simm.s32 $0x12800  }
0x7: {  	s17 =	simm.s32 $0x13800;
	s18 =	simm.s32 $0x14800;
	s19 =	simm.s32 $0x15800  }
0x8: {  	s20 =	simm.s32 $0x17000;
	s21 =	simm.s32 $0x1;
	s22 =	simm.s32 $0x17800  }
0x9: {  	s23 =	simm.s32 $0x40;
	s24 =	simm.s32 $0x4000;
	s25 =	simm.s32 $0x18200  }
0xa: {  	s26 =	simm.s32 $0x2;
	s3 =	sand.u32 $0x1, s3;
	s4 =	sshll.u32 s2, $0x1  }
0xb: {  	[smem:$0x7FF] =	sst s5;
	s5 =	sadd.s32 $0x600, s1;
	s6 =	sor.u32 s3, s4  }
0xc: {  	s2 =	simm.s32 $0x0;
	s3 =	ssub.s32 $0x2, s3;
	s7 =	smul.u32 $0x500, s6  }
0xd: {  	_ =	strace $0x80000047;
	s4 =	sadd.s32 $0xF42A00, s1;
	s29 =	sshrl.u32 s3, $0x1  }
0xe: {  	s30 =	sshll.u32 s6, $0xB;
	s1 =	ssub.s32 s3, s29;
	s0 =	sadd.s32 s0, s7  }
0xf: {  	v0 =	vlaneseq.u32;
	s8 =	sadd.s32 s8, s30;
	s31 =	smax.u32 s1, $0x1;
	[dreg:$0x4] =	wrdreg s0  }
0x10: {  	v0 =	vmul.u32 $0x28, v0;
	s7 =	sshll.u32 s6, $0x9;
	s1 =	simm.s32 $0xD800;
	[dreg:$0x5] =	wrdreg s31  }
.LBB2_1:
0x11: {  	[dreg:$0x6] =	wrdreg s2  }
0x12: {  	s0 =	simm.s32 $0x0;
	s30 =	rddreg [dreg:$0x4]  }
0x13: {  	[tilespmem:s0], [sflag:$0x3] =	stream.linear.gather [hbm4b:s30+s0], $0x2800, $0x38;
	[tilespmem:$0x18A00] =	vst v63  }
0x14: {  	_ =	swait.ge [sflag:s10], $0x2800  }
0x15: {  	[sflag:s10] =	ssyncset.done $0x0  }
0x16: {  	s31 =	simm.s32 $0x2800;
	[sflag:s10] =	ssyncadd.s32 $0xFFFFD800  }
0x17: {  	[tilespmem:s31], [sflag:$0x1] =	stream.indirect.gather [hbm4b:s4+s11], $0x20, s0, s11, $0xb8;
	[tilespmem:$0x18A00] =	vst v63  }
0x18: {  	s3 =	simm.s32 $0x3800  }
0x19: {  	[tilespmem:s3], [sflag:$0x1] =	stream.indirect.gather [hbm4b:s4+s11], $0x20, s11, s11, $0xb8;
	[tilespmem:$0x18A00] =	vst v63  }
0x1a: {  	s6 =	simm.s32 $0x100;
	s3 =	simm.s32 $0x4800  }
0x1b: {  	[tilespmem:s3], [sflag:$0x1] =	stream.indirect.gather [hbm4b:s4+s11], $0x20, s6, s11, $0xb8;
	[tilespmem:$0x18A00] =	vst v63  }
0x1c: {  	s9 =	simm.s32 $0x180;
	s28 =	simm.s32 $0x5800  }
0x1d: {  	[tilespmem:s28], [sflag:$0x1] =	stream.indirect.gather [hbm4b:s4+s11], $0x20, s9, s11, $0xb8;
	[tilespmem:$0x18A00] =	vst v63  }
0x1e: {  	s30 =	simm.s32 $0x200;
	s31 =	simm.s32 $0x6800  }
0x1f: {  	[tilespmem:s31], [sflag:$0x1] =	stream.indirect.gather [hbm4b:s4+s11], $0x20, s30, s11, $0xb8;
	[tilespmem:$0x18A00] =	vst v63  }
0x20: {  	s3 =	simm.s32 $0x280;
	s6 =	simm.s32 $0x7800  }
0x21: {  	[tilespmem:s6], [sflag:$0x1] =	stream.indirect.gather [hbm4b:s4+s11], $0x20, s3, s11, $0xb8;
	[tilespmem:$0x18A00] =	vst v63  }
0x22: {  	s9 =	simm.s32 $0x300;
	s28 =	simm.s32 $0x8800  }
0x23: {  	[tilespmem:s28], [sflag:$0x1] =	stream.indirect.gather [hbm4b:s4+s11], $0x20, s9, s11, $0xb8;
	[tilespmem:$0x18A00] =	vst v63  }
0x24: {  	s30 =	simm.s32 $0x380;
	s31 =	simm.s32 $0x9800  }
0x25: {  	[tilespmem:s31], [sflag:$0x1] =	stream.indirect.gather [hbm4b:s4+s11], $0x20, s30, s11, $0xb8;
	[tilespmem:$0x18A00] =	vst v63  }
0x26: {  	s6 =	simm.s32 $0x400;
	s9 =	simm.s32 $0xA800  }
0x27: {  	[tilespmem:s9], [sflag:$0x1] =	stream.indirect.gather [hbm4b:s4+s11], $0x20, s6, s11, $0xb8;
	[tilespmem:$0x18A00] =	vst v63  }
0x28: {  	s28 =	simm.s32 $0x480;
	s30 =	simm.s32 $0xB800  }
0x29: {  	[tilespmem:s30], [sflag:$0x1] =	stream.indirect.gather [hbm4b:s4+s11], $0x20, s28, s11, $0xb8;
	[tilespmem:$0x18A00] =	vst v63  }
0x2a: {  	s29 =	simm.s32 $0x0;
	s31 =	simm.s32 $0x16800  }
0x2b: {  	[tilespmem:s31], [sflag:$0x1] =	stream.linear.gather [hbm4b:s8+s0], $0x800, $0x38;
	[tilespmem:$0x18A00] =	vst v63  }
.LBB2_2:
0x2c: {  	s3 =	sshllo.u32 s29, $0x1  }
0x2d: {  	s6 =	smul.u32 $0x1400, s3;
	_ =	sdelay $0x1  }
0x2e: {  	s0 =	simm.s32 $0xC800;
	s6 =	sshra.s32 s6, $0x2  }
0x2f: {  	[tilespmem:s0], [sflag:$0x2] =	stream.indirect.gather [hbm4b:s4+s11], $0x20, s6, s11, $0xb8;
	[tilespmem:$0x18A00] =	vst v63  }
0x30: {  	s9 =	sor.u32 $0x80, s6  }
0x31: {  	[tilespmem:s1], [sflag:$0x2] =	stream.indirect.gather [hbm4b:s4+s11], $0x20, s9, s11, $0xb8;
	[tilespmem:$0x18A00] =	vst v63  }
0x32: {  	s0 =	sadd.s32 $0x100, s6  }
0x33: {  	[tilespmem:s12], [sflag:$0x2] =	stream.indirect.gather [hbm4b:s4+s11], $0x20, s0, s11, $0xb8;
	[tilespmem:$0x18A00] =	vst v63  }
0x34: {  	s2 =	sadd.s32 $0x180, s6  }
0x35: {  	[tilespmem:s13], [sflag:$0x2] =	stream.indirect.gather [hbm4b:s4+s11], $0x20, s2, s11, $0xb8;
	[tilespmem:$0x18A00] =	vst v63  }
0x36: {  	s0 =	sadd.s32 $0x200, s6  }
0x37: {  	[tilespmem:s14], [sflag:$0x2] =	stream.indirect.gather [hbm4b:s4+s11], $0x20, s0, s11, $0xb8;
	[tilespmem:$0x18A00] =	vst v63  }
0x38: {  	s2 =	sadd.s32 $0x280, s6  }
0x39: {  	[tilespmem:s15], [sflag:$0x2] =	stream.indirect.gather [hbm4b:s4+s11], $0x20, s2, s11, $0xb8;
	[tilespmem:$0x18A00] =	vst v63  }
0x3a: {  	s3 =	sshll.u32 s3, $0x6;
	s0 =	sadd.s32 $0x300, s6  }
0x3b: {  	[tilespmem:s16], [sflag:$0x2] =	stream.indirect.gather [hbm4b:s4+s11], $0x20, s0, s11, $0xb8;
	[tilespmem:$0x18A00] =	vst v63  }
0x3c: {  	s30 =	sadd.s32 s7, s3;
	s2 =	sadd.s32 $0x380, s6  }
0x3d: {  	[tilespmem:s17], [sflag:$0x2] =	stream.indirect.gather [hbm4b:s4+s11], $0x20, s2, s11, $0xb8;
	[tilespmem:$0x18A00] =	vst v63  }
0x3e: {  	s0 =	sadd.s32 $0x400, s6;
	s2 =	sadd.s32 $0x480, s6;
	s6 =	sshll.u32 s30, $0x2  }
0x3f: {  	[tilespmem:s18], [sflag:$0x2] =	stream.indirect.gather [hbm4b:s4+s11], $0x20, s0, s11, $0xb8;
	[tilespmem:$0x18A00] =	vst v63  }
0x40: {  	s9 =	rddreg [dreg:$0x1];
	s3 =	sand.u32 $0x1FFFFF00, s6  }
0x41: {  	[tilespmem:s19], [sflag:$0x2] =	stream.indirect.gather [hbm4b:s4+s11], $0x20, s2, s11, $0xb8;
	[tilespmem:$0x18A00] =	vst v63  }
0x42: {  	s6 =	simm.s32 $0x0;
	s3 =	sadd.s32 s9, s3  }
0x43: {  	[tilespmem:s20], [sflag:$0x2] =	stream.linear.gather [hbm4b:s3+s6], $0x800, $0x38;
	[tilespmem:$0x18A00] =	vst v63  }
0x44: {  	_ =	swait.ge [sflag:s21], $0xA000  }
0x45: {  	[sflag:s21] =	ssyncset.done $0x0  }
0x46: {  	[sflag:s21] =	ssyncadd.s32 $0xFFFF6000  }
0x47: {  	_ =	swait.ge [sflag:s21], $0x800  }
0x48: {  	s31 =	sshll.u32 s29, $0x1;
	s28 =	simm.s32 $0x0;
	[sflag:s21] =	ssyncset.done $0x0  }
0x49: {  	s9 =	simm.s32 $0x17810;
	s3 =	simm.s32 $0x2940;
	[sflag:s21] =	ssyncadd.s32 $0xFFFFF800  }
.LBB2_3:
0x4a: {  	v24 =	vld [tilespmem:s3+$0xFFFFFEC0]  }
0x4b: {  	v39 =	vld [tilespmem:s3+$0xFFFFFED0]  }
0x4c: {  	s2 =	sshra.s32 s28, $0x2;
	v27 =	vld [tilespmem:s3+$0xFFFFFEE0]  }
0x4d: {  	v37 =	vld [tilespmem:s2+$0x16800]  }
0x4e: {  	v38 =	vld [tilespmem:s2+$0x16810]  }
0x4f: {  	v36 =	vld [tilespmem:s3+$0xFFFFFEF0];
	_ =	sdelay $0x3  }
0x50: {  	v1 =	vsub.f32 v24, v37;
	v2 =	vsub.f32 v39, v38  }
0x51: {  	v3 =	vsub.f32 v27, v37;
	v4 =	vsub.f32 v36, v38  }
0x52: {  	v1 =	vmul.f32 v1, v1;
	v2 =	vmul.f32 v2, v2  }
0x53: {  	v3 =	vmul.f32 v3, v3;
	v4 =	vmul.f32 v4, v4  }
0x54: {  	v1 =	vadd.f32 v2, v1  }
0x55: {  	v2 =	vadd.f32 v4, v3  }
0x56: {  	(xrf2) =	vadd.scan.msk.f32 $0xffff, v1  }
0x57: {  	(xrf2) =	vadd.scan.msk.f32 $0xffff, v2;
	_ =	sdelay $0x1  }
0x58: {  	v40 =	vld [tilespmem:s3+$0xFFFFFF00]  }
0x59: {  	v35 =	vld [tilespmem:s3+$0xFFFFFF10]  }
0x5a: {  	v28 =	vld [tilespmem:s3+$0xFFFFFF30]  }
0x5b: {  	v34 =	vld [tilespmem:s3+$0xFFFFFF20]  }
0x5c: {  	v25 =	vld [tilespmem:s3+$0xFFFFFF40]  }
0x5d: {  	v21 =	vld [tilespmem:s3+$0xFFFFFF50]  }
0x5e: {  	v23 =	vld [tilespmem:s3+$0xFFFFFF60]  }
0x5f: {  	v22 =	vld [tilespmem:s3+$0xFFFFFF70];
	v16 =	vsub.f32 v28, v38;
	v1, _, _ =	vpop (xrf2)  }
0x60: {  	v2 =	vsub.f32 v40, v37;
	(v2sf) =	vpush v1, $0xF;
	v1, _, _ =	vpop (xrf2)  }
0x61: {  	(v2sf) =	vpush v1, $0xF;
	v1 =	vsub.f32 v35, v38  }
0x62: {  	v5 =	vsub.f32 v25, v37;
	v6 =	vsub.f32 v21, v38  }
0x63: {  	v3 =	vsub.f32 v34, v37;
	v2 =	vmul.f32 v2, v2;
	v1 =	vmul.f32 v1, v1  }
0x64: {  	v7 =	vsub.f32 v23, v37;
	v9 =	vsub.f32 v22, v38  }
0x65: {  	v1 =	vadd.f32 v1, v2;
	v2 =	vmul.f32 v3, v3;
	v3 =	vmul.f32 v16, v16  }
0x66: {  	v20 =	vld [tilespmem:s3+$0xFFFFFF80];
	v17 =	vmul.f32 v5, v5;
	v18 =	vmul.f32 v6, v6  }
0x67: {  	v8 =	vld [tilespmem:s3+$0xFFFFFFA0];
	v7 =	vmul.f32 v7, v7;
	v9 =	vmul.f32 v9, v9;
	(xrf2) =	vadd.scan.msk.f32 $0xffff, v1;
	v1 =	vadd.f32 v3, v2  }
0x68: {  	v6 =	vld [tilespmem:s3+$0x0];
	v2 =	vadd.f32 v18, v17  }
0x69: {  	v16 =	vadd.f32 v9, v7;
	v7 =	vld [tilespmem:s3+$0x10];
	(xrf2) =	vadd.scan.msk.f32 $0xffff, v1  }
0x6a: {  	v17 =	vld [tilespmem:s3+$0xFFFFFF90];
	(xrf2) =	vadd.scan.msk.f32 $0xffff, v2  }
0x6b: {  	v4 =	vld [tilespmem:s3+$0xFFFFFFF0]  }
0x6c: {  	v9 =	vld [tilespmem:s3+$0x20]  }
0x6d: {  	v31 =	vsub.f32 v20, v37;
	v1 =	vld [tilespmem:s3+$0xFFFFFFB0]  }
0x6e: {  	v32 =	vsub.f32 v8, v37;
	v42 =	vsub.f32 v6, v37  }
0x6f: {  	v5 =	vld [tilespmem:s3+$0xFFFFFFE0];
	v43 =	vsub.f32 v7, v38;
	v12 =	vsub.f32 v17, v38;
	s0 =	spop (v2sf)  }
0x70: {  	v13 =	vmul.f32 v31, v31;
	v31 =	vsub.f32 v4, v38;
	v45 =	vmul.f32 v42, v42;
	v3 =	vld [tilespmem:s3+$0xFFFFFFC0];
	s2 =	smul.f32 $-5.000000000e-01, s0  }
0x71: {  	v47 =	vsub.f32 v9, v37;
	(xrf2) =	vadd.scan.msk.f32 $0xffff, v16;
	v16 =	vld [tilespmem:s3+$0x90];
	v46 =	vmul.f32 v43, v43;
	v12 =	vmul.f32 v12, v12;
	s0 =	spop (v2sf);
	v2, _, _ =	vpop (xrf2)  }
0x72: {  	v18 =	vsub.f32 v1, v38;
	s0 =	smul.f32 $-5.000000000e-01, s0;
	v19 =	vmov s2;
	(v2sf) =	vpush v2, $0xF;
	v2 =	vld [tilespmem:s3+$0xFFFFFFD0]  }
0x73: {  	v29, _, _ =	vpop (xrf2);
	v10 =	vmul.f32 $1.442695020e+00, v19;
	v19 =	vmul.f32 v32, v32;
	v32 =	vadd.f32 v12, v13;
	v12 =	vld [tilespmem:s3+$0x50]  }
0x74: {  	v18 =	vmul.f32 v18, v18;
	v26 =	vmov s0;
	v13 =	vld [tilespmem:s3+$0x60];
	(v2sf) =	vpush v29, $0xF;
	v30, _, _ =	vpop (xrf2)  }
0x75: {  	v11 =	vmul.f32 $1.442695020e+00, v26;
	(v2sf) =	vpush v30, $0xF;
	v14 =	vbroadcast v10, $0x0;
	v10 =	vld [tilespmem:s3+$0x30]  }
0x76: {  	v41 =	vmul.f32 v31, v31;
	v30 =	vsub.f32 v5, v37;
	v18 =	vadd.f32 v18, v19;
	v19 =	vld [tilespmem:s3+$0xB0]  }
0x77: {  	v49 =	vadd.f32 v46, v45;
	v26 =	vsub.f32 v3, v37;
	v15 =	vbroadcast v11, $0x0;
	v11 =	vld [tilespmem:s3+$0x40]  }
0x78: {  	(xrf2) =	vadd.scan.msk.f32 $0xffff, v32;
	v29 =	vsub.f32 v2, v38;
	v33 =	vmul.f32 v30, v30;
	(erf) = vpow2.f32 v14;
	v14 =	vld [tilespmem:s3+$0x70]  }
0x79: {  	v56 =	vsub.f32 v16, v38;
	v26 =	vmul.f32 v26, v26;
	(xrf2) =	vadd.scan.msk.f32 $0xffff, v18;
	v18 =	vld [tilespmem:s3+$0xA0];
	(erf) = vpow2.f32 v15  }
0x7a: {  	v15 =	vld [tilespmem:s3+$0x80];
	v51 =	vsub.f32 v12, v38;
	v29 =	vmul.f32 v29, v29;
	v44 =	vadd.f32 v41, v33  }
0x7b: {  	v50 =	vmul.f32 v47, v47;
	v41 =	vsub.f32 v13, v37;
	v48 =	vsub.f32 v10, v38  }
0x7c: {  	v58 =	vmul.f32 v56, v56;
	v60 =	vsub.f32 v19, v38;
	v26 =	vadd.f32 v29, v26  }
0x7d: {  	v52 =	vmul.f32 v51, v51;
	v33 =	vsub.f32 v11, v37;
	v53 =	vsub.f32 v14, v38  }
0x7e: {  	v55 =	vmul.f32 v41, v41;
	v32 =	vmul.f32 v48, v48;
	v59 =	vsub.f32 v18, v37;
	(xrf2) =	vadd.scan.msk.f32 $0xffff, v26  }
0x7f: {  	v33 =	vmul.f32 v33, v33;
	v42 =	vsub.f32 v15, v37;
	v26 =	vld [tilespmem:s3+$0xD0];
	v31 =	vmul.f32 v53, v53  }
0x80: {  	v46 =	vmul.f32 v60, v60;
	(xrf2) =	vadd.scan.msk.f32 $0xffff, v44;
	v54 =	vadd.f32 v32, v50;
	v44, _, _ =	vpop (xrf2);
	v63 =	vmul.f32 v59, v59  }
0x81: {  	v30 =	vld [tilespmem:s3+$0x100];
	(xrf2) =	vadd.scan.msk.f32 $0xffff, v49;
	v29 =	vadd.f32 v52, v33;
	v57 =	vmul.f32 v42, v42;
	v41 =	vpop (erf);
	v61 =	vadd.f32 v31, v55  }
0x82: {  	v48, _, _ =	vpop (xrf2);
	(xrf2) =	vadd.scan.msk.f32 $0xffff, v54;
	v51 =	vadd.f32 v46, v63;
	v43 =	vmul.f32 v41, v24;
	v24 =	vld [tilespmem:s3+$0xC0];
	s2 =	spop (v2sf);
	(v2sf) =	vpush v44, $0xF  }
0x83: {  	(xrf2) =	vadd.scan.msk.f32 $0xffff, v29;
	v45 =	vpop (erf);
	v62 =	vadd.f32 v58, v57;
	v29 =	vld [tilespmem:s3+$0xF0];
	v39 =	vmul.f32 v41, v39;
	s0 =	smul.f32 $-5.000000000e-01, s2;
	(v2sf) =	vpush v48, $0xF  }
0x84: {  	v50, _, _ =	vpop (xrf2);
	(xrf2) =	vadd.scan.msk.f32 $0xffff, v61;
	v49 =	vmul.f32 v45, v27;
	v27 =	vld [tilespmem:s3+$0xE0];
	v57 =	vsub.f32 v26, v38;
	v47 =	vadd.f32 $0.0e+00, v43;
	s2 =	spop (v2sf)  }
0x85: {  	v32 =	vld [tilespmem:s3+$0x120];
	(v2sf) =	vpush v50, $0xF;
	v39 =	vadd.f32 $0.0e+00, v39;
	v52 =	vmov s0;
	s2 =	smul.f32 $-5.000000000e-01, s2  }
0x86: {  	(xrf2) =	vadd.scan.msk.f32 $0xffff, v62;
	v44 =	vmul.f32 v57, v57;
	v42 =	vadd.f32 v49, v47;
	v31 =	vmul.f32 $1.442695020e+00, v52  }
0x87: {  	v52 =	vsub.f32 v30, v37;
	v55 =	vmov s2;
	v56 =	vsub.f32 v24, v37  }
0x88: {  	v48 =	vsub.f32 v29, v38;
	v53, _, _ =	vpop (xrf2);
	v47 =	vbroadcast v31, $0x0;
	v33 =	vmul.f32 $1.442695020e+00, v55  }
0x89: {  	(xrf2) =	vadd.scan.msk.f32 $0xffff, v51;
	v31 =	vld [tilespmem:s3+$0x110];
	v59 =	vsub.f32 v27, v37;
	(v2sf) =	vpush v53, $0xF;
	v43 =	vmul.f32 v56, v56  }
0x8a: {  	v37 =	vsub.f32 v32, v37;
	v54, _, _ =	vpop (xrf2);
	v62 =	vmul.f32 v48, v48;
	(erf) = vpow2.f32 v47  }
0x8b: {  	v46, _, _ =	vpop (xrf2);
	(v2sf) =	vpush v54, $0xF;
	v49 =	vbroadcast v33, $0x0;
	v33 =	vld [tilespmem:s3+$0x130];
	v61 =	vmul.f32 v59, v59  }
0x8c: {  	s2 =	spop (v2sf);
	(v2sf) =	vpush v46, $0xF;
	v58, _, _ =	vpop (xrf2);
	v43 =	vadd.f32 v44, v43  }
0x8d: {  	s0 =	smul.f32 $-5.000000000e-01, s2;
	(v2sf) =	vpush v58, $0xF;
	v60, _, _ =	vpop (xrf2);
	(erf) = vpow2.f32 v49;
	v44 =	vadd.f32 v62, v61  }
0x8e: {  	v36 =	vmul.f32 v45, v36;
	(v2sf) =	vpush v60, $0xF;
	v63, _, _ =	vpop (xrf2);
	(xrf2) =	vadd.scan.msk.f32 $0xffff, v43;
	v53 =	vsub.f32 v31, v38  }
0x8f: {  	v57 =	vmov s0;
	v43 =	vmul.f32 v52, v52;
	(v2sf) =	vpush v63, $0xF  }
0x90: {  	v54, _, _ =	vpop (xrf2);
	(xrf2) =	vadd.scan.msk.f32 $0xffff, v44;
	v44 =	vmul.f32 $1.442695020e+00, v57;
	v55 =	vmul.f32 v53, v53;
	v38 =	vsub.f32 v33, v38  }
0x91: {  	v37 =	vmul.f32 v37, v37;
	v59 =	vadd.f32 $0.0e+00, v41;
	(v2sf) =	vpush v54, $0xF  }
0x92: {  	v60 =	vbroadcast v44, $0x0;
	v43 =	vadd.f32 v55, v43;
	s2 =	spop (v2sf);
	v38 =	vmul.f32 v38, v38  }
0x93: {  	v36 =	vadd.f32 v36, v39;
	v56, _, _ =	vpop (xrf2);
	s0 =	smul.f32 $-5.000000000e-01, s2  }
0x94: {  	s2 =	spop (v2sf);
	(erf) = vpow2.f32 v60;
	(xrf2) =	vadd.scan.msk.f32 $0xffff, v43;
	v58 =	vpop (erf);
	v37 =	vadd.f32 v38, v37;
	v38 =	vadd.f32 v45, v59  }
0x95: {  	(v2sf) =	vpush v56, $0xF;
	v40 =	vmul.f32 v58, v40;
	v61 =	vmov s0;
	s0 =	smul.f32 $-5.000000000e-01, s2  }
0x96: {  	v35 =	vmul.f32 v58, v35;
	v41 =	vmul.f32 $1.442695020e+00, v61;
	(xrf2) =	vadd.scan.msk.f32 $0xffff, v37;
	v45 =	vpop (erf);
	v38 =	vadd.f32 v58, v38  }
0x97: {  	s2 =	spop (v2sf);
	v40 =	vadd.f32 v40, v42;
	v63 =	vmov s0;
	v34 =	vmul.f32 v45, v34  }
0x98: {  	s0 =	smul.f32 $-5.000000000e-01, s2;
	v35 =	vadd.f32 v35, v36;
	v28 =	vmul.f32 v45, v28;
	v62, _, _ =	vpop (xrf2);
	v39 =	vmul.f32 $1.442695020e+00, v63;
	s2 =	spop (v2sf)  }
0x99: {  	v41 =	vbroadcast v41, $0x0;
	v55 =	vadd.f32 v45, v38;
	(v2sf) =	vpush v62, $0xF;
	s2 =	smul.f32 $-5.000000000e-01, s2  }
0x9a: {  	v46 =	vmov s0;
	v34 =	vadd.f32 v34, v40;
	s0 =	spop (v2sf);
	v39 =	vbroadcast v39, $0x0  }
0x9b: {  	v47, _, _ =	vpop (xrf2);
	(erf) = vpow2.f32 v41;
	v36 =	vmul.f32 $1.442695020e+00, v46;
	s0 =	smul.f32 $-5.000000000e-01, s0;
	v48 =	vmov s2;
	s2 =	spop (v2sf)  }
0x9c: {  	v28 =	vadd.f32 v28, v35;
	(v2sf) =	vpush v47, $0xF;
	(erf) = vpow2.f32 v39;
	s2 =	smul.f32 $-5.000000000e-01, s2  }
0x9d: {  	v36 =	vbroadcast v36, $0x0;
	v58 =	vpop (erf);
	v49 =	vmul.f32 $1.442695020e+00, v48;
	v50 =	vmov s0;
	s0 =	spop (v2sf)  }
0x9e: {  	v25 =	vmul.f32 v58, v25;
	v51, _, _ =	vpop (xrf2);
	s0 =	smul.f32 $-5.000000000e-01, s0;
	v52 =	vmul.f32 $1.442695020e+00, v50;
	v53 =	vmov s2;
	s2 =	spop (v2sf)  }
0x9f: {  	v21 =	vmul.f32 v58, v21;
	(erf) = vpow2.f32 v36;
	(v2sf) =	vpush v51, $0xF;
	s2 =	smul.f32 $-5.000000000e-01, s2  }
0xa0: {  	v37 =	vbroadcast v49, $0x0;
	v54 =	vmov s0;
	s0 =	spop (v2sf);
	v56 =	vbroadcast v52, $0x0;
	v57, _, _ =	vpop (xrf2)  }
0xa1: {  	v41 =	vmul.f32 $1.442695020e+00, v53;
	v59 =	vmov s2;
	s2 =	spop (v2sf);
	(v2sf) =	vpush v57, $0xF  }
0xa2: {  	v36 =	vadd.f32 v58, v55;
	(erf) = vpow2.f32 v37;
	s0 =	smul.f32 $-5.000000000e-01, s0;
	v39 =	vmul.f32 $1.442695020e+00, v54  }
0xa3: {  	v25 =	vadd.f32 v25, v34;
	(erf) = vpow2.f32 v56;
	v61 =	vbroadcast v41, $0x0  }
0xa4: {  	v60 =	vmov s0;
	v45 =	vbroadcast v39, $0x0;
	v47 =	vmul.f32 $1.442695020e+00, v59  }
0xa5: {  	v21 =	vadd.f32 v21, v28;
	s0 =	smul.f32 $-5.000000000e-01, s2;
	s2 =	spop (v2sf);
	v63 =	vpop (erf);
	(erf) = vpow2.f32 v61;
	v49 =	vmul.f32 $1.442695020e+00, v60  }
0xa6: {  	s2 =	smul.f32 $-5.000000000e-01, s2;
	v44 =	vadd.f32 v63, v36;
	v23 =	vmul.f32 v63, v23;
	v22 =	vmul.f32 v63, v22  }
0xa7: {  	v62 =	vmov s0;
	v46 =	vpop (erf);
	(erf) = vpow2.f32 v45;
	v51 =	vbroadcast v47, $0x0  }
0xa8: {  	v48 =	vmov s2;
	v35 =	vadd.f32 v46, v44;
	v52 =	vmul.f32 $1.442695020e+00, v62  }
0xa9: {  	v36 =	vbroadcast v49, $0x0;
	v23 =	vadd.f32 v23, v25;
	v20 =	vmul.f32 v46, v20;
	v50 =	vpop (erf);
	s2 =	spop (v2sf)  }
0xaa: {  	v17 =	vmul.f32 v46, v17;
	(erf) = vpow2.f32 v51;
	v35 =	vadd.f32 v50, v35;
	s0 =	smul.f32 $-5.000000000e-01, s2  }
0xab: {  	v21 =	vadd.f32 v22, v21;
	v57 =	vmul.f32 $1.442695020e+00, v48;
	v39 =	vbroadcast v52, $0x0;
	s2 =	spop (v2sf);
	v54 =	vpop (erf)  }
0xac: {  	(erf) = vpow2.f32 v36;
	v53 =	vmov s0;
	v55 =	vadd.f32 v54, v35;
	s0 =	smul.f32 $-5.000000000e-01, s2  }
0xad: {  	v20 =	vadd.f32 v20, v23;
	v56 =	vpop (erf);
	(erf) = vpow2.f32 v39;
	v35 =	vbroadcast v57, $0x0  }
0xae: {  	v60 =	vmul.f32 $1.442695020e+00, v53;
	v58 =	vmov s0;
	v34 =	vadd.f32 v56, v55;
	s2 =	spop (v2sf)  }
0xaf: {  	v17 =	vadd.f32 v17, v21;
	v8 =	vmul.f32 v50, v8;
	v59 =	vpop (erf);
	v36 =	vmul.f32 $1.442695020e+00, v58;
	s0 =	smul.f32 $-5.000000000e-01, s2  }
0xb0: {  	(erf) = vpow2.f32 v35;
	v61 =	vbroadcast v60, $0x0;
	v34 =	vadd.f32 v59, v34;
	s2 =	spop (v2sf)  }
0xb1: {  	v1 =	vmul.f32 v50, v1;
	v63 =	vpop (erf);
	v40 =	vbroadcast v36, $0x0;
	v62 =	vmov s0;
	s0 =	smul.f32 $-5.000000000e-01, s2  }
0xb2: {  	(erf) = vpow2.f32 v61;
	v34 =	vadd.f32 v63, v34;
	v41 =	vmul.f32 $1.442695020e+00, v62  }
0xb3: {  	v8 =	vadd.f32 v8, v20;
	v42 =	vpop (erf);
	(erf) = vpow2.f32 v40;
	v43 =	vmov s0  }
0xb4: {  	v34 =	vadd.f32 v42, v34;
	v35 =	vbroadcast v41, $0x0;
	v23 =	vmul.f32 $1.442695020e+00, v43  }
0xb5: {  	v1 =	vadd.f32 v1, v17;
	v3 =	vmul.f32 v54, v3;
	v2 =	vmul.f32 v54, v2;
	v44 =	vpop (erf)  }
0xb6: {  	v45 =	vadd.f32 v44, v34;
	(erf) = vpow2.f32 v35;
	v23 =	vbroadcast v23, $0x0  }
0xb7: {  	v5 =	vmul.f32 v56, v5;
	v1 =	vadd.f32 v2, v1;
	v2 =	vmul.f32 v56, v4;
	v46 =	vpop (erf)  }
0xb8: {  	v3 =	vadd.f32 v3, v8;
	v47 =	vadd.f32 v46, v45;
	(erf) = vpow2.f32 v23  }
0xb9: {  	v1 =	vadd.f32 v2, v1;
	v2 =	vmul.f32 v59, v7;
	v48 =	vpop (erf)  }
0xba: {  	v49 =	vmul.f32 v59, v6;
	v3 =	vadd.f32 v5, v3;
	v50 =	vadd.f32 v48, v47  }
0xbb: {  	v1 =	vadd.f32 v2, v1;
	v2 =	vmul.f32 v63, v10;
	v51 =	vpop (erf)  }
0xbc: {  	v52 =	vmul.f32 v63, v9;
	v3 =	vadd.f32 v49, v3;
	v5 =	vadd.f32 v51, v50  }
0xbd: {  	v1 =	vadd.f32 v2, v1;
	v2 =	vmul.f32 v42, v12;
	v53 =	vpop (erf)  }
0xbe: {  	v54 =	vmul.f32 v42, v11;
	v3 =	vadd.f32 v52, v3;
	v5 =	vadd.f32 v53, v5  }
0xbf: {  	v1 =	vadd.f32 v2, v1;
	v2 =	vmul.f32 v44, v14;
	v55 =	vpop (erf)  }
0xc0: {  	v56 =	vmul.f32 v44, v13;
	v3 =	vadd.f32 v54, v3;
	v5 =	vadd.f32 v55, v5  }
0xc1: {  	v1 =	vadd.f32 v2, v1;
	v2 =	vmul.f32 v46, v16;
	v57 =	vpop (erf)  }
0xc2: {  	v58 =	vmul.f32 v46, v15;
	v3 =	vadd.f32 v56, v3;
	v5 =	vadd.f32 v57, v5  }
0xc3: {  	v1 =	vadd.f32 v2, v1;
	v2 =	vmul.f32 v48, v19  }
0xc4: {  	v59 =	vmul.f32 v48, v18;
	v3 =	vadd.f32 v58, v3;
	v5 =	vadd.f32 $9.999999930e-09, v5  }
0xc5: {  	v1 =	vadd.f32 v2, v1;
	v2 =	vmul.f32 v51, v26  }
0xc6: {  	v60 =	vmul.f32 v51, v24;
	v3 =	vadd.f32 v59, v3;
	(erf) = vrcp.f32 v5  }
0xc7: {  	v1 =	vadd.f32 v2, v1;
	v2 =	vmul.f32 v53, v29  }
0xc8: {  	v61 =	vmul.f32 v53, v27;
	v3 =	vadd.f32 v60, v3  }
0xc9: {  	v1 =	vadd.f32 v2, v1;
	v2 =	vmul.f32 v55, v31  }
0xca: {  	v3 =	vadd.f32 v61, v3;
	v62 =	vmul.f32 v55, v30  }
0xcb: {  	v1 =	vadd.f32 v2, v1;
	v2 =	vmul.f32 v57, v33  }
0xcc: {  	v3 =	vadd.f32 v62, v3;
	v63 =	vmul.f32 v57, v32;
	_ =	sdelay $0x1  }
0xcd: {  	p0 =	sne.s32 s28, $0x1F80;
	v3 =	vadd.f32 v63, v3  }
.Ltmp0:
0xce: {  	v1 =	vadd.f32 v2, v1;
	v2 =	vpop (erf);
	(pc) =	sbr.rel @p0 .LBB2_3-.Ltmp0, $4  }
0xcf: {  	v3 =	vmul.f32 v2, v3  }
0xd0: {  	v1 =	vmul.f32 v2, v1  }
0xd1: {  	[tilespmem:s9+$0xFFFFFFF0] =	vst v3  }
0xd2: {  	s28 =	sadd.s32 $0x80, s28;
	s3 =	sadd.s32 $0x280, s3;
	[tilespmem:s9+$0x0] =	vst v1;
	s9 =	sadd.s32 $0x28, s9  }
0xd3: {  	v1 =	vmov s6  }
0xd4: {  	v4 =	vand.u32 $0x1F, v1  }
0xd5: {  	v1 =	vadd.s32 v0, v4;
	_ =	sdelay $0x4  }
0xd6: {  	v2 =	vld.idx.msk [tilespmem:v1+s22+$0x0], $0xffff;
	v1 =	vadd.s32 $0x280, v0  }
0xd7: {  	v3 =	vadd.s32 v1, v4;
	_ =	sdelay $0x2  }
0xd8: {  	s3 =	simm.s32 $0x18220  }
0xd9: {  	[tilespmem:s3+$0xFFFFFFE0] =	vst v2  }
0xda: {  	v2 =	vadd.s32 $0x500, v0;
	v3 =	vld.idx.msk [tilespmem:v3+s22+$0x0], $0xffff  }
0xdb: {  	v5 =	vadd.s32 v2, v4;
	_ =	sdelay $0x3  }
0xdc: {  	[tilespmem:s3+$0xFFFFFFF0] =	vst v3  }
0xdd: {  	v3 =	vadd.s32 $0x780, v0;
	v5 =	vld.idx.msk [tilespmem:v5+s22+$0x0], $0xffff  }
0xde: {  	v4 =	vadd.s32 v3, v4;
	_ =	sdelay $0x3  }
0xdf: {  	s0 =	simm.s32 $0x1;
	[tilespmem:s3+$0x0] =	vst v5  }
0xe0: {  	s6 =	simm.s32 $0x2;
	v5 =	vmov s0;
	v4 =	vld.idx.msk [tilespmem:v4+s22+$0x0], $0xffff  }
.LBB2_5:
0xe1: {  	p0 =	sne.s32 s6, $0x1F;
	v5 =	vand.u32 $0x1F, v5  }
0xe2: {  	v6 =	vadd.s32 v0, v5;
	_ =	sdelay $0x3  }
0xe3: {  	[tilespmem:s3+$0x10] =	vst v4  }
0xe4: {  	v4 =	vld.idx.msk [tilespmem:v6+s22+$0x0], $0xffff;
	_ =	sdelay $0x1  }
0xe5: {  	v6 =	vadd.s32 v1, v5;
	_ =	sdelay $0x2  }
0xe6: {  	s3 =	sadd.s32 $0x40, s3  }
0xe7: {  	[tilespmem:s3+$0xFFFFFFE0] =	vst v4  }
0xe8: {  	v4 =	vld.idx.msk [tilespmem:v6+s22+$0x0], $0xffff;
	_ =	sdelay $0x1  }
0xe9: {  	v6 =	vadd.s32 v2, v5;
	_ =	sdelay $0x3  }
0xea: {  	[tilespmem:s3+$0xFFFFFFF0] =	vst v4  }
0xeb: {  	v4 =	vld.idx.msk [tilespmem:v6+s22+$0x0], $0xffff;
	_ =	sdelay $0x1  }
0xec: {  	v6 =	vadd.s32 v3, v5  }
.Ltmp1:
0xed: {  	(pc) =	sbr.rel @p0 .LBB2_5-.Ltmp1, $3  }
0xee: {  	_ =	sdelay $0x1  }
0xef: {  	[tilespmem:s3+$0x0] =	vst v4  }
0xf0: {  	v5 =	vmov s6;
	s6 =	sadd.s32 $0x1, s6;
	v4 =	vld.idx.msk [tilespmem:v6+s22+$0x0], $0xffff  }
0xf1: {  	v5 =	vand.u32 $0x1F, v5  }
0xf2: {  	v6 =	vadd.s32 v0, v5;
	_ =	sdelay $0x3  }
0xf3: {  	[tilespmem:s3+$0x10] =	vst v4  }
0xf4: {  	v4 =	vld.idx.msk [tilespmem:v6+s22+$0x0], $0xffff  }
0xf5: {  	v62 =	vadd.s32 v1, v5;
	_ =	sdelay $0x2  }
0xf6: {  	s0 =	sadd.s32 $0x40, s3  }
0xf7: {  	[tilespmem:s0+$0xFFFFFFE0] =	vst v4  }
0xf8: {  	v4 =	vld.idx.msk [tilespmem:v62+s22+$0x0], $0xffff  }
0xf9: {  	v63 =	vadd.s32 v2, v5;
	_ =	sdelay $0x3  }
0xfa: {  	[tilespmem:s0+$0xFFFFFFF0] =	vst v4  }
0xfb: {  	v4 =	vld.idx.msk [tilespmem:v63+s22+$0x0], $0xffff  }
0xfc: {  	v5 =	vadd.s32 v3, v5;
	_ =	sdelay $0x3  }
0xfd: {  	[tilespmem:s0+$0x0] =	vst v4  }
0xfe: {  	v4 =	vld.idx.msk [tilespmem:v5+s22+$0x0], $0xffff;
	_ =	sdelay $0x1  }
0xff: {  	s2 =	sshll.u32 s29, $0x7  }
0x100: {  	s2 =	sadd.s32 s7, s2  }
0x101: {  	p0 =	seq.s32 s29, $0x3;
	s2 =	sshrl.u32 s2, $0x3  }
0x102: {  	s9 =	sadd.s32 s5, s2;
	[tilespmem:s0+$0x10] =	vst v4;
	s0 =	sadd.s32 @!p0 $0x2, s31  }
0x103: {  	[hbm4b:s9+s23] =	stream.strided.scatter [tilespmem:s25], [sflag:$0x3], $0x800, s24, s23, $0x38;
	[tilespmem:$0x18A00] =	vst v63  }
0x104: {  	s2 =	smul.u32 @!p0 $0x1400, s0;
	_ =	swait.ge [sflag:s10], $0x800  }
0x105: {  	s6 =	simm.s32 @!p0 $0x2800;
	[sflag:s10] =	ssyncset.done $0x0  }
0x106: {  	s3 =	simm.s32 @!p0 $0x80;
	s2 =	sshra.s32 @!p0 s2, $0x2;
	[sflag:s10] =	ssyncadd.s32 $0xFFFFF800  }
0x107: {  	[tilespmem:s6], [sflag:$0x1] =	stream.indirect.gather @!p0 [hbm4b:s4+s3], $0x20, s2, s3, $0xb8;
	[tilespmem:$0x18A00] =	vst v63  }
0x108: {  	s9 =	simm.s32 @!p0 $0x3800;
	s6 =	sor.u32 @!p0 $0x80, s2  }
0x109: {  	[tilespmem:s9], [sflag:$0x1] =	stream.indirect.gather @!p0 [hbm4b:s4+s3], $0x20, s6, s3, $0xb8;
	[tilespmem:$0x18A00] =	vst v63  }
0x10a: {  	s6 =	sadd.s32 @!p0 $0x100, s2;
	s9 =	simm.s32 @!p0 $0x4800  }
0x10b: {  	[tilespmem:s9], [sflag:$0x1] =	stream.indirect.gather @!p0 [hbm4b:s4+s3], $0x20, s6, s3, $0xb8;
	[tilespmem:$0x18A00] =	vst v63  }
0x10c: {  	s6 =	sadd.s32 @!p0 $0x180, s2;
	s9 =	simm.s32 @!p0 $0x5800  }
0x10d: {  	[tilespmem:s9], [sflag:$0x1] =	stream.indirect.gather @!p0 [hbm4b:s4+s3], $0x20, s6, s3, $0xb8;
	[tilespmem:$0x18A00] =	vst v63  }
0x10e: {  	s6 =	sadd.s32 @!p0 $0x200, s2;
	s9 =	simm.s32 @!p0 $0x6800  }
0x10f: {  	[tilespmem:s9], [sflag:$0x1] =	stream.indirect.gather @!p0 [hbm4b:s4+s3], $0x20, s6, s3, $0xb8;
	[tilespmem:$0x18A00] =	vst v63  }
0x110: {  	s6 =	sadd.s32 @!p0 $0x280, s2;
	s9 =	simm.s32 @!p0 $0x7800  }
0x111: {  	[tilespmem:s9], [sflag:$0x1] =	stream.indirect.gather @!p0 [hbm4b:s4+s3], $0x20, s6, s3, $0xb8;
	[tilespmem:$0x18A00] =	vst v63  }
0x112: {  	s6 =	sadd.s32 @!p0 $0x300, s2;
	s9 =	simm.s32 @!p0 $0x8800  }
0x113: {  	[tilespmem:s9], [sflag:$0x1] =	stream.indirect.gather @!p0 [hbm4b:s4+s3], $0x20, s6, s3, $0xb8;
	[tilespmem:$0x18A00] =	vst v63  }
0x114: {  	s6 =	sadd.s32 @!p0 $0x380, s2;
	s9 =	simm.s32 @!p0 $0x9800  }
0x115: {  	[tilespmem:s9], [sflag:$0x1] =	stream.indirect.gather @!p0 [hbm4b:s4+s3], $0x20, s6, s3, $0xb8;
	[tilespmem:$0x18A00] =	vst v63  }
0x116: {  	s6 =	sadd.s32 @!p0 $0x400, s2;
	s9 =	simm.s32 @!p0 $0xA800  }
0x117: {  	[tilespmem:s9], [sflag:$0x1] =	stream.indirect.gather @!p0 [hbm4b:s4+s3], $0x20, s6, s3, $0xb8;
	[tilespmem:$0x18A00] =	vst v63  }
0x118: {  	s0 =	sshll.u32 @!p0 s0, $0x8;
	s2 =	sadd.s32 @!p0 $0x480, s2;
	s6 =	simm.s32 @!p0 $0xB800  }
0x119: {  	[tilespmem:s6], [sflag:$0x1] =	stream.indirect.gather @!p0 [hbm4b:s4+s3], $0x20, s2, s3, $0xb8;
	[tilespmem:$0x18A00] =	vst v63  }
0x11a: {  	s0 =	sadd.s32 @!p0 s0, s8;
	s2 =	simm.s32 @!p0 $0x0;
	s3 =	simm.s32 @!p0 $0x16800  }
0x11b: {  	[tilespmem:s3], [sflag:$0x1] =	stream.linear.gather @!p0 [hbm4b:s0+s2], $0x800, $0x38;
	[tilespmem:$0x18A00] =	vst v63  }
0x11c: {  	_ =	swait.ge [sflag:s26], $0xA000  }
0x11d: {  	[sflag:s26] =	ssyncset.done $0x0  }
0x11e: {  	[sflag:s26] =	ssyncadd.s32 $0xFFFF6000  }
0x11f: {  	_ =	swait.ge [sflag:s26], $0x800  }
0x120: {  	s28 =	simm.s32 $0x0;
	s9 =	simm.s32 $0x17810;
	[sflag:s26] =	ssyncset.done $0x0  }
0x121: {  	s6 =	simm.s32 $0x0;
	s3 =	simm.s32 $0xC940;
	[sflag:s26] =	ssyncadd.s32 $0xFFFFF800  }
.LBB2_7:
0x122: {  	v27 =	vld [tilespmem:s3+$0xFFFFFEC0]  }
0x123: {  	v42 =	vld [tilespmem:s3+$0xFFFFFED0]  }
0x124: {  	s0 =	sshra.s32 s28, $0x2;
	v30 =	vld [tilespmem:s3+$0xFFFFFEE0]  }
0x125: {  	v40 =	vld [tilespmem:s0+$0x17000]  }
0x126: {  	v41 =	vld [tilespmem:s0+$0x17010]  }
0x127: {  	v39 =	vld [tilespmem:s3+$0xFFFFFEF0];
	_ =	sdelay $0x3  }
0x128: {  	v4 =	vsub.f32 v27, v40;
	v5 =	vsub.f32 v42, v41  }
0x129: {  	v6 =	vsub.f32 v30, v40;
	v7 =	vsub.f32 v39, v41  }
0x12a: {  	v4 =	vmul.f32 v4, v4;
	v5 =	vmul.f32 v5, v5  }
0x12b: {  	v6 =	vmul.f32 v6, v6;
	v7 =	vmul.f32 v7, v7  }
0x12c: {  	v4 =	vadd.f32 v5, v4  }
0x12d: {  	v5 =	vadd.f32 v7, v6  }
0x12e: {  	(xrf2) =	vadd.scan.msk.f32 $0xffff, v4  }
0x12f: {  	(xrf2) =	vadd.scan.msk.f32 $0xffff, v5;
	_ =	sdelay $0x5  }
0x130: {  	v43 =	vld [tilespmem:s3+$0xFFFFFF00]  }
0x131: {  	v38 =	vld [tilespmem:s3+$0xFFFFFF10]  }
0x132: {  	v37 =	vld [tilespmem:s3+$0xFFFFFF20]  }
0x133: {  	v31 =	vld [tilespmem:s3+$0xFFFFFF30];
	v4, _, _ =	vpop (xrf2)  }
0x134: {  	v28 =	vld [tilespmem:s3+$0xFFFFFF40];
	(v2sf) =	vpush v4, $0xF;
	v4, _, _ =	vpop (xrf2)  }
0x135: {  	(v2sf) =	vpush v4, $0xF  }
0x136: {  	v24 =	vld [tilespmem:s3+$0xFFFFFF50];
	v5 =	vsub.f32 v43, v40;
	v4 =	vsub.f32 v38, v41  }
0x137: {  	v26 =	vld [tilespmem:s3+$0xFFFFFF60];
	v48 =	vsub.f32 v37, v40  }
0x138: {  	v25 =	vld [tilespmem:s3+$0xFFFFFF70];
	v49 =	vsub.f32 v31, v41;
	v5 =	vmul.f32 v5, v5;
	v4 =	vmul.f32 v4, v4  }
0x139: {  	v23 =	vld [tilespmem:s3+$0xFFFFFF80];
	v8 =	vsub.f32 v28, v40  }
0x13a: {  	v20 =	vld [tilespmem:s3+$0xFFFFFF90];
	v50 =	vmul.f32 v49, v49;
	v4 =	vadd.f32 v4, v5;
	v5 =	vmul.f32 v48, v48  }
0x13b: {  	v11 =	vld [tilespmem:s3+$0xFFFFFFA0];
	v9 =	vsub.f32 v24, v41  }
0x13c: {  	v51 =	vmul.f32 v8, v8;
	v8 =	vld [tilespmem:s3+$0xFFFFFFE0];
	(xrf2) =	vadd.scan.msk.f32 $0xffff, v4;
	v4 =	vadd.f32 v50, v5  }
0x13d: {  	v10 =	vsub.f32 v26, v40;
	v12 =	vsub.f32 v25, v41;
	v52 =	vmul.f32 v9, v9;
	v9 =	vld [tilespmem:s3+$0x0]  }
0x13e: {  	v57 =	vsub.f32 v23, v40;
	v6 =	vld [tilespmem:s3+$0xFFFFFFC0];
	(xrf2) =	vadd.scan.msk.f32 $0xffff, v4  }
0x13f: {  	v15 =	vsub.f32 v20, v41;
	v10 =	vmul.f32 v10, v10;
	v12 =	vmul.f32 v12, v12;
	v4 =	vld [tilespmem:s3+$0xFFFFFFB0]  }
0x140: {  	v16 =	vmul.f32 v57, v57;
	v7 =	vld [tilespmem:s3+$0xFFFFFFF0]  }
0x141: {  	v15 =	vmul.f32 v15, v15;
	v19 =	vadd.f32 v12, v10;
	v10 =	vld [tilespmem:s3+$0x10];
	v5 =	vadd.f32 v52, v51  }
0x142: {  	v58 =	vsub.f32 v11, v40  }
0x143: {  	v12 =	vld [tilespmem:s3+$0x20];
	v35 =	vadd.f32 v15, v16;
	v33 =	vsub.f32 v8, v40;
	(xrf2) =	vadd.scan.msk.f32 $0xffff, v5;
	s31 =	spop (v2sf)  }
0x144: {  	v22 =	vmul.f32 v58, v58;
	v15 =	vld [tilespmem:s3+$0x50];
	v61 =	vsub.f32 v9, v40;
	v21 =	vsub.f32 v4, v41;
	s0 =	smul.f32 $-5.000000000e-01, s31;
	s2 =	spop (v2sf)  }
0x145: {  	v16 =	vld [tilespmem:s3+$0x60];
	v29 =	vsub.f32 v6, v40;
	v34 =	vsub.f32 v7, v41;
	v59 =	vmul.f32 v33, v33;
	s2 =	smul.f32 $-5.000000000e-01, s2  }
0x146: {  	v62 =	vsub.f32 v10, v41;
	(xrf2) =	vadd.scan.msk.f32 $0xffff, v19;
	v19 =	vld [tilespmem:s3+$0x90];
	v21 =	vmul.f32 v21, v21;
	v5, _, _ =	vpop (xrf2);
	v53 =	vmov s0  }
0x147: {  	(v2sf) =	vpush v5, $0xF;
	v5 =	vld [tilespmem:s3+$0xFFFFFFD0];
	v54 =	vmov s2;
	v13 =	vmul.f32 $1.442695020e+00, v53  }
0x148: {  	v46 =	vmul.f32 v61, v61;
	v21 =	vadd.f32 v21, v22;
	v22 =	vld [tilespmem:s3+$0xB0];
	v55, _, _ =	vpop (xrf2);
	v14 =	vmul.f32 $1.442695020e+00, v54  }
0x149: {  	v29 =	vmul.f32 v29, v29;
	(v2sf) =	vpush v55, $0xF;
	v17 =	vbroadcast v13, $0x0;
	v13 =	vld [tilespmem:s3+$0x30]  }
0x14a: {  	v44 =	vsub.f32 v16, v40;
	v60 =	vmul.f32 v34, v34;
	v18 =	vbroadcast v14, $0x0;
	v14 =	vld [tilespmem:s3+$0x40]  }
0x14b: {  	v47 =	vmul.f32 v62, v62;
	v48 =	vsub.f32 v12, v40;
	(xrf2) =	vadd.scan.msk.f32 $0xffff, v35;
	(erf) = vpow2.f32 v17;
	v17 =	vld [tilespmem:s3+$0x70]  }
0x14c: {  	v57 =	vsub.f32 v19, v41;
	v32 =	vsub.f32 v5, v41;
	(erf) = vpow2.f32 v18;
	v18 =	vld [tilespmem:s3+$0x80]  }
0x14d: {  	v63 =	vadd.f32 v60, v59;
	v51 =	vmul.f32 v48, v48;
	v52 =	vsub.f32 v15, v41;
	v56, _, _ =	vpop (xrf2);
	(xrf2) =	vadd.scan.msk.f32 $0xffff, v21;
	v21 =	vld [tilespmem:s3+$0xA0]  }
0x14e: {  	v50 =	vadd.f32 v47, v46;
	v59 =	vmul.f32 v57, v57;
	v32 =	vmul.f32 v32, v32  }
0x14f: {  	v53 =	vmul.f32 v52, v52;
	(v2sf) =	vpush v56, $0xF;
	v49 =	vsub.f32 v13, v41  }
0x150: {  	v56 =	vmul.f32 v44, v44;
	v29 =	vadd.f32 v32, v29;
	v36 =	vsub.f32 v14, v40  }
0x151: {  	v35 =	vmul.f32 v49, v49;
	v54 =	vsub.f32 v17, v41;
	v45 =	vsub.f32 v18, v40  }
0x152: {  	v61 =	vsub.f32 v22, v41;
	v60 =	vsub.f32 v21, v40;
	(xrf2) =	vadd.scan.msk.f32 $0xffff, v29;
	v36 =	vmul.f32 v36, v36  }
0x153: {  	v47, _, _ =	vpop (xrf2);
	v29 =	vld [tilespmem:s3+$0xD0];
	(xrf2) =	vadd.scan.msk.f32 $0xffff, v63;
	v55 =	vadd.f32 v35, v51;
	v34 =	vmul.f32 v54, v54;
	v58 =	vmul.f32 v45, v45  }
0x154: {  	v33 =	vld [tilespmem:s3+$0x100];
	v49 =	vmul.f32 v60, v60;
	(xrf2) =	vadd.scan.msk.f32 $0xffff, v50;
	v32 =	vadd.f32 v53, v36;
	v50 =	vmul.f32 v61, v61;
	v44 =	vpop (erf)  }
0x155: {  	v52, _, _ =	vpop (xrf2);
	(xrf2) =	vadd.scan.msk.f32 $0xffff, v55;
	v62 =	vadd.f32 v34, v56;
	v46 =	vmul.f32 v44, v27;
	v27 =	vld [tilespmem:s3+$0xC0];
	v63 =	vadd.f32 v59, v58  }
0x156: {  	(xrf2) =	vadd.scan.msk.f32 $0xffff, v32;
	v48 =	vpop (erf);
	s2 =	spop (v2sf);
	(v2sf) =	vpush v47, $0xF;
	v55 =	vadd.f32 v50, v49;
	v32 =	vld [tilespmem:s3+$0xF0]  }
0x157: {  	v42 =	vmul.f32 v44, v42;
	s0 =	smul.f32 $-5.000000000e-01, s2;
	v53 =	vmul.f32 v48, v30;
	(v2sf) =	vpush v52, $0xF;
	v30 =	vld [tilespmem:s3+$0xE0]  }
0x158: {  	v35 =	vld [tilespmem:s3+$0x120];
	v54, _, _ =	vpop (xrf2);
	(xrf2) =	vadd.scan.msk.f32 $0xffff, v62;
	v61 =	vsub.f32 v29, v41;
	v51 =	vadd.f32 $0.0e+00, v46;
	s31 =	spop (v2sf)  }
0x159: {  	(v2sf) =	vpush v54, $0xF;
	v42 =	vadd.f32 $0.0e+00, v42;
	v56 =	vmov s0;
	s31 =	smul.f32 $-5.000000000e-01, s31  }
0x15a: {  	(xrf2) =	vadd.scan.msk.f32 $0xffff, v63;
	v47 =	vmul.f32 v61, v61;
	v45 =	vadd.f32 v53, v51;
	v34 =	vmul.f32 $1.442695020e+00, v56  }
0x15b: {  	v59 =	vmov s31;
	v60 =	vsub.f32 v27, v40;
	v51 =	vsub.f32 v32, v41  }
0x15c: {  	v50 =	vbroadcast v34, $0x0;
	v36 =	vmul.f32 $1.442695020e+00, v59;
	v63 =	vsub.f32 v30, v40  }
0x15d: {  	v57, _, _ =	vpop (xrf2);
	(xrf2) =	vadd.scan.msk.f32 $0xffff, v55;
	v34 =	vld [tilespmem:s3+$0x110];
	v59 =	vsub.f32 v33, v40;
	v40 =	vsub.f32 v35, v40;
	v46 =	vmul.f32 v60, v60  }
0x15e: {  	(v2sf) =	vpush v57, $0xF;
	v58, _, _ =	vpop (xrf2);
	v57 =	vmul.f32 v51, v51;
	(erf) = vpow2.f32 v50  }
0x15f: {  	v49, _, _ =	vpop (xrf2);
	(v2sf) =	vpush v58, $0xF;
	v52 =	vbroadcast v36, $0x0;
	v36 =	vld [tilespmem:s3+$0x130];
	v56 =	vmul.f32 v63, v63  }
0x160: {  	s2 =	spop (v2sf);
	(v2sf) =	vpush v49, $0xF;
	v62, _, _ =	vpop (xrf2);
	v46 =	vadd.f32 v47, v46  }
0x161: {  	s0 =	smul.f32 $-5.000000000e-01, s2;
	(v2sf) =	vpush v62, $0xF;
	v55, _, _ =	vpop (xrf2);
	(erf) = vpow2.f32 v52;
	v47 =	vadd.f32 v57, v56  }
0x162: {  	v39 =	vmul.f32 v48, v39;
	(v2sf) =	vpush v55, $0xF;
	v58, _, _ =	vpop (xrf2);
	v60 =	vsub.f32 v34, v41  }
0x163: {  	v49 =	vmov s0;
	(xrf2) =	vadd.scan.msk.f32 $0xffff, v46;
	v46 =	vmul.f32 v59, v59;
	(v2sf) =	vpush v58, $0xF  }
0x164: {  	v61, _, _ =	vpop (xrf2);
	(xrf2) =	vadd.scan.msk.f32 $0xffff, v47;
	v47 =	vmul.f32 $1.442695020e+00, v49;
	v62 =	vmul.f32 v60, v60;
	v41 =	vsub.f32 v36, v41  }
0x165: {  	v51 =	vadd.f32 $0.0e+00, v44;
	v40 =	vmul.f32 v40, v40;
	(v2sf) =	vpush v61, $0xF  }
0x166: {  	v52 =	vbroadcast v47, $0x0;
	v46 =	vadd.f32 v62, v46;
	s31 =	spop (v2sf);
	v41 =	vmul.f32 v41, v41  }
0x167: {  	v39 =	vadd.f32 v39, v42;
	v63, _, _ =	vpop (xrf2);
	s2 =	smul.f32 $-5.000000000e-01, s31  }
0x168: {  	s31 =	spop (v2sf);
	(erf) = vpow2.f32 v52;
	(xrf2) =	vadd.scan.msk.f32 $0xffff, v46;
	v50 =	vpop (erf);
	v40 =	vadd.f32 v41, v40;
	v41 =	vadd.f32 v48, v51  }
0x169: {  	(v2sf) =	vpush v63, $0xF;
	v43 =	vmul.f32 v50, v43;
	v53 =	vmov s2;
	s2 =	smul.f32 $-5.000000000e-01, s31  }
0x16a: {  	s31 =	spop (v2sf);
	v38 =	vmul.f32 v50, v38;
	v44 =	vmul.f32 $1.442695020e+00, v53;
	(xrf2) =	vadd.scan.msk.f32 $0xffff, v40;
	v56 =	vpop (erf);
	v41 =	vadd.f32 v50, v41  }
0x16b: {  	s0 =	smul.f32 $-5.000000000e-01, s31;
	v43 =	vadd.f32 v43, v45;
	v55 =	vmov s2;
	v37 =	vmul.f32 v56, v37  }
0x16c: {  	v38 =	vadd.f32 v38, v39;
	v31 =	vmul.f32 v56, v31;
	v44 =	vbroadcast v44, $0x0  }
0x16d: {  	v54, _, _ =	vpop (xrf2);
	v42 =	vmul.f32 $1.442695020e+00, v55;
	v57 =	vmov s0;
	v50 =	vadd.f32 v56, v41;
	s31 =	spop (v2sf)  }
0x16e: {  	(v2sf) =	vpush v54, $0xF;
	v39 =	vmul.f32 $1.442695020e+00, v57;
	v37 =	vadd.f32 v37, v43;
	s2 =	smul.f32 $-5.000000000e-01, s31;
	s31 =	spop (v2sf)  }
0x16f: {  	v58, _, _ =	vpop (xrf2);
	v31 =	vadd.f32 v31, v38;
	(erf) = vpow2.f32 v44;
	v42 =	vbroadcast v42, $0x0;
	s0 =	smul.f32 $-5.000000000e-01, s31  }
0x170: {  	(v2sf) =	vpush v58, $0xF;
	v39 =	vbroadcast v39, $0x0;
	v59 =	vmov s2;
	s2 =	spop (v2sf)  }
0x171: {  	(erf) = vpow2.f32 v42;
	v53 =	vpop (erf);
	v60 =	vmul.f32 $1.442695020e+00, v59;
	v61 =	vmov s0;
	s31 =	spop (v2sf);
	s2 =	smul.f32 $-5.000000000e-01, s2  }
0x172: {  	(erf) = vpow2.f32 v39;
	v28 =	vmul.f32 v53, v28;
	v39 =	vadd.f32 v53, v50;
	v62, _, _ =	vpop (xrf2);
	s0 =	smul.f32 $-5.000000000e-01, s31  }
0x173: {  	v63 =	vmul.f32 $1.442695020e+00, v61;
	v48 =	vmov s2;
	s2 =	spop (v2sf);
	(v2sf) =	vpush v62, $0xF  }
0x174: {  	v24 =	vmul.f32 v53, v24;
	v40 =	vbroadcast v60, $0x0;
	v49 =	vmov s0;
	s31 =	spop (v2sf);
	s2 =	smul.f32 $-5.000000000e-01, s2;
	v52, _, _ =	vpop (xrf2)  }
0x175: {  	v51 =	vbroadcast v63, $0x0;
	v44 =	vmul.f32 $1.442695020e+00, v48;
	s0 =	smul.f32 $-5.000000000e-01, s31;
	s31 =	spop (v2sf);
	(v2sf) =	vpush v52, $0xF  }
0x176: {  	v28 =	vadd.f32 v28, v37;
	(erf) = vpow2.f32 v40;
	v42 =	vmul.f32 $1.442695020e+00, v49  }
0x177: {  	v54 =	vmov s2;
	(erf) = vpow2.f32 v51;
	v56 =	vbroadcast v44, $0x0  }
0x178: {  	v55 =	vmov s0;
	v60 =	vbroadcast v42, $0x0;
	v62 =	vmul.f32 $1.442695020e+00, v54  }
0x179: {  	v24 =	vadd.f32 v24, v31;
	s2 =	smul.f32 $-5.000000000e-01, s31;
	v58 =	vpop (erf);
	(erf) = vpow2.f32 v56;
	v47 =	vmul.f32 $1.442695020e+00, v55  }
0x17a: {  	s31 =	spop (v2sf);
	v59 =	vadd.f32 v58, v39;
	v26 =	vmul.f32 v58, v26;
	v25 =	vmul.f32 v58, v25  }
0x17b: {  	v57 =	vmov s2;
	s31 =	smul.f32 $-5.000000000e-01, s31;
	v61 =	vpop (erf);
	(erf) = vpow2.f32 v60;
	v49 =	vbroadcast v62, $0x0  }
0x17c: {  	v50 =	vmul.f32 $1.442695020e+00, v57;
	v38 =	vadd.f32 v61, v59;
	v39 =	vbroadcast v47, $0x0  }
0x17d: {  	v63 =	vmov s31;
	v48 =	vpop (erf);
	v23 =	vmul.f32 v61, v23;
	v20 =	vmul.f32 v61, v20;
	s2 =	spop (v2sf)  }
0x17e: {  	(erf) = vpow2.f32 v49;
	v42 =	vbroadcast v50, $0x0;
	v38 =	vadd.f32 v48, v38;
	s0 =	smul.f32 $-5.000000000e-01, s2  }
0x17f: {  	v26 =	vadd.f32 v26, v28;
	v55 =	vmul.f32 $1.442695020e+00, v63;
	v11 =	vmul.f32 v48, v11;
	s31 =	spop (v2sf);
	v52 =	vpop (erf)  }
0x180: {  	(erf) = vpow2.f32 v39;
	v51 =	vmov s0;
	v53 =	vadd.f32 v52, v38;
	s0 =	smul.f32 $-5.000000000e-01, s31  }
0x181: {  	v24 =	vadd.f32 v25, v24;
	v54 =	vpop (erf);
	(erf) = vpow2.f32 v42;
	v38 =	vbroadcast v55, $0x0  }
0x182: {  	v58 =	vmul.f32 $1.442695020e+00, v51;
	v56 =	vmov s0;
	v37 =	vadd.f32 v54, v53;
	s2 =	spop (v2sf)  }
0x183: {  	v4 =	vmul.f32 v48, v4;
	v23 =	vadd.f32 v23, v26;
	v57 =	vpop (erf);
	v39 =	vmul.f32 $1.442695020e+00, v56;
	s0 =	smul.f32 $-5.000000000e-01, s2  }
0x184: {  	(erf) = vpow2.f32 v38;
	v59 =	vbroadcast v58, $0x0;
	v37 =	vadd.f32 v57, v37;
	s31 =	spop (v2sf)  }
0x185: {  	v20 =	vadd.f32 v20, v24;
	v61 =	vpop (erf);
	v62 =	vbroadcast v39, $0x0;
	v60 =	vmov s0;
	s0 =	smul.f32 $-5.000000000e-01, s31  }
0x186: {  	(erf) = vpow2.f32 v59;
	v37 =	vadd.f32 v61, v37;
	v63 =	vmul.f32 $1.442695020e+00, v60  }
0x187: {  	v11 =	vadd.f32 v11, v23;
	v42 =	vpop (erf);
	(erf) = vpow2.f32 v62;
	v43 =	vmov s0  }
0x188: {  	v37 =	vadd.f32 v42, v37;
	v38 =	vbroadcast v63, $0x0;
	v26 =	vmul.f32 $1.442695020e+00, v43  }
0x189: {  	v4 =	vadd.f32 v4, v20;
	v6 =	vmul.f32 v52, v6;
	v5 =	vmul.f32 v52, v5;
	v44 =	vpop (erf)  }
0x18a: {  	v45 =	vadd.f32 v44, v37;
	(erf) = vpow2.f32 v38;
	v26 =	vbroadcast v26, $0x0  }
0x18b: {  	v8 =	vmul.f32 v54, v8;
	v4 =	vadd.f32 v5, v4;
	v5 =	vmul.f32 v54, v7;
	v46 =	vpop (erf)  }
0x18c: {  	v6 =	vadd.f32 v6, v11;
	v47 =	vadd.f32 v46, v45;
	(erf) = vpow2.f32 v26  }
0x18d: {  	v4 =	vadd.f32 v5, v4;
	v5 =	vmul.f32 v57, v10;
	v48 =	vpop (erf)  }
0x18e: {  	v49 =	vmul.f32 v57, v9;
	v6 =	vadd.f32 v8, v6;
	v50 =	vadd.f32 v48, v47  }
0x18f: {  	v4 =	vadd.f32 v5, v4;
	v5 =	vmul.f32 v61, v13;
	v51 =	vpop (erf)  }
0x190: {  	v52 =	vmul.f32 v61, v12;
	v6 =	vadd.f32 v49, v6;
	v8 =	vadd.f32 v51, v50  }
0x191: {  	v4 =	vadd.f32 v5, v4;
	v5 =	vmul.f32 v42, v15;
	v53 =	vpop (erf)  }
0x192: {  	v54 =	vmul.f32 v42, v14;
	v6 =	vadd.f32 v52, v6;
	v8 =	vadd.f32 v53, v8  }
0x193: {  	v4 =	vadd.f32 v5, v4;
	v5 =	vmul.f32 v44, v17;
	v55 =	vpop (erf)  }
0x194: {  	v56 =	vmul.f32 v44, v16;
	v6 =	vadd.f32 v54, v6;
	v8 =	vadd.f32 v55, v8  }
0x195: {  	v4 =	vadd.f32 v5, v4;
	v5 =	vmul.f32 v46, v19;
	v57 =	vpop (erf)  }
0x196: {  	v58 =	vmul.f32 v46, v18;
	v6 =	vadd.f32 v56, v6;
	v8 =	vadd.f32 v57, v8  }
0x197: {  	v4 =	vadd.f32 v5, v4;
	v5 =	vmul.f32 v48, v22  }
0x198: {  	v59 =	vmul.f32 v48, v21;
	v6 =	vadd.f32 v58, v6;
	v8 =	vadd.f32 $9.999999930e-09, v8  }
0x199: {  	v4 =	vadd.f32 v5, v4;
	v5 =	vmul.f32 v51, v29  }
0x19a: {  	v60 =	vmul.f32 v51, v27;
	v6 =	vadd.f32 v59, v6;
	(erf) = vrcp.f32 v8  }
0x19b: {  	v4 =	vadd.f32 v5, v4;
	v5 =	vmul.f32 v53, v32  }
0x19c: {  	v61 =	vmul.f32 v53, v30;
	v6 =	vadd.f32 v60, v6  }
0x19d: {  	v4 =	vadd.f32 v5, v4;
	v5 =	vmul.f32 v55, v34  }
0x19e: {  	v6 =	vadd.f32 v61, v6;
	v62 =	vmul.f32 v55, v33  }
0x19f: {  	v4 =	vadd.f32 v5, v4;
	v5 =	vmul.f32 v57, v36  }
0x1a0: {  	v6 =	vadd.f32 v62, v6;
	v63 =	vmul.f32 v57, v35;
	_ =	sdelay $0x1  }
0x1a1: {  	p0 =	sne.s32 s28, $0x1F80;
	v6 =	vadd.f32 v63, v6  }
.Ltmp2:
0x1a2: {  	v4 =	vadd.f32 v5, v4;
	v5 =	vpop (erf);
	(pc) =	sbr.rel @p0 .LBB2_7-.Ltmp2, $4  }
0x1a3: {  	v6 =	vmul.f32 v5, v6  }
0x1a4: {  	v4 =	vmul.f32 v5, v4  }
0x1a5: {  	[tilespmem:s9+$0xFFFFFFF0] =	vst v6  }
0x1a6: {  	s28 =	sadd.s32 $0x80, s28;
	s3 =	sadd.s32 $0x280, s3;
	[tilespmem:s9+$0x0] =	vst v4;
	s9 =	sadd.s32 $0x28, s9  }
0x1a7: {  	v4 =	vmov s6  }
0x1a8: {  	v4 =	vand.u32 $0x1F, v4  }
0x1a9: {  	v5 =	vadd.s32 v0, v4;
	_ =	sdelay $0x4  }
0x1aa: {  	v5 =	vld.idx.msk [tilespmem:v5+s22+$0x0], $0xffff  }
0x1ab: {  	v6 =	vadd.s32 v1, v4;
	_ =	sdelay $0x2  }
0x1ac: {  	s3 =	simm.s32 $0x18220  }
0x1ad: {  	[tilespmem:s3+$0xFFFFFFE0] =	vst v5  }
0x1ae: {  	v5 =	vld.idx.msk [tilespmem:v6+s22+$0x0], $0xffff  }
0x1af: {  	v6 =	vadd.s32 v2, v4;
	_ =	sdelay $0x3  }
0x1b0: {  	[tilespmem:s3+$0xFFFFFFF0] =	vst v5  }
0x1b1: {  	v5 =	vld.idx.msk [tilespmem:v6+s22+$0x0], $0xffff  }
0x1b2: {  	v4 =	vadd.s32 v3, v4;
	_ =	sdelay $0x3  }
0x1b3: {  	s0 =	simm.s32 $0x1;
	[tilespmem:s3+$0x0] =	vst v5  }
0x1b4: {  	s6 =	simm.s32 $0x2;
	v5 =	vmov s0;
	v4 =	vld.idx.msk [tilespmem:v4+s22+$0x0], $0xffff  }
.LBB2_9:
0x1b5: {  	p0 =	sne.s32 s6, $0x1F;
	v5 =	vand.u32 $0x1F, v5  }
0x1b6: {  	v6 =	vadd.s32 v0, v5;
	_ =	sdelay $0x3  }
0x1b7: {  	[tilespmem:s3+$0x10] =	vst v4  }
0x1b8: {  	v4 =	vld.idx.msk [tilespmem:v6+s22+$0x0], $0xffff;
	_ =	sdelay $0x1  }
0x1b9: {  	v6 =	vadd.s32 v1, v5;
	_ =	sdelay $0x2  }
0x1ba: {  	s3 =	sadd.s32 $0x40, s3  }
0x1bb: {  	[tilespmem:s3+$0xFFFFFFE0] =	vst v4  }
0x1bc: {  	v4 =	vld.idx.msk [tilespmem:v6+s22+$0x0], $0xffff;
	_ =	sdelay $0x1  }
0x1bd: {  	v6 =	vadd.s32 v2, v5;
	_ =	sdelay $0x3  }
0x1be: {  	[tilespmem:s3+$0xFFFFFFF0] =	vst v4  }
0x1bf: {  	v4 =	vld.idx.msk [tilespmem:v6+s22+$0x0], $0xffff;
	_ =	sdelay $0x1  }
0x1c0: {  	v6 =	vadd.s32 v3, v5  }
.Ltmp3:
0x1c1: {  	(pc) =	sbr.rel @p0 .LBB2_9-.Ltmp3, $3  }
0x1c2: {  	_ =	sdelay $0x1  }
0x1c3: {  	[tilespmem:s3+$0x0] =	vst v4  }
0x1c4: {  	v5 =	vmov s6;
	s6 =	sadd.s32 $0x1, s6;
	v4 =	vld.idx.msk [tilespmem:v6+s22+$0x0], $0xffff  }
0x1c5: {  	v5 =	vand.u32 $0x1F, v5  }
0x1c6: {  	v6 =	vadd.s32 v0, v5;
	_ =	sdelay $0x3  }
0x1c7: {  	[tilespmem:s3+$0x10] =	vst v4  }
0x1c8: {  	v4 =	vld.idx.msk [tilespmem:v6+s22+$0x0], $0xffff  }
0x1c9: {  	v1 =	vadd.s32 v1, v5;
	_ =	sdelay $0x2  }
0x1ca: {  	s0 =	sadd.s32 $0x40, s3  }
0x1cb: {  	[tilespmem:s0+$0xFFFFFFE0] =	vst v4  }
0x1cc: {  	v1 =	vld.idx.msk [tilespmem:v1+s22+$0x0], $0xffff  }
0x1cd: {  	v2 =	vadd.s32 v2, v5;
	_ =	sdelay $0x3  }
0x1ce: {  	[tilespmem:s0+$0xFFFFFFF0] =	vst v1  }
0x1cf: {  	v1 =	vld.idx.msk [tilespmem:v2+s22+$0x0], $0xffff  }
0x1d0: {  	v2 =	vadd.s32 v3, v5;
	_ =	sdelay $0x3  }
0x1d1: {  	[tilespmem:s0+$0x0] =	vst v1  }
0x1d2: {  	v1 =	vld.idx.msk [tilespmem:v2+s22+$0x0], $0xffff;
	_ =	sdelay $0x2  }
0x1d3: {  	s29 =	sadd.s32 $0x1, s29  }
0x1d4: {  	s2 =	sshrl.u32 s30, $0x3;
	p0 =	sne.s32 s29, $0x4  }
.Ltmp4:
0x1d5: {  	s31 =	sadd.s32 s5, s2;
	[tilespmem:s0+$0x10] =	vst v1;
	(pc) =	sbr.rel @p0 .LBB2_2-.Ltmp4, $4  }
0x1d6: {  	[hbm4b:s31+s23] =	stream.strided.scatter [tilespmem:s25], [sflag:$0x3], $0x800, s24, s23, $0x38;
	[tilespmem:$0x18A00] =	vst v63  }
0x1d7: {  	_ =	swait.ge [sflag:s10], $0x800  }
0x1d8: {  	[sflag:s10] =	ssyncset.done $0x0  }
0x1d9: {  	[sflag:s10] =	ssyncadd.s32 $0xFFFFF800  }
0x1da: {  	s2 =	rddreg [dreg:$0x6]  }
0x1db: {  	s0 =	rddreg [dreg:$0x5];
	s2 =	sadd.s32 $0x1, s2  }
0x1dc: {  	p0 =	sne.s32 s2, s0  }
.Ltmp5:
0x1dd: {  	_ = 	snop;
	(pc) =	sbr.rel @p0 .LBB2_1-.Ltmp5, $1  }
0x1de: {  	_ =	sdelay $0x3  }
0x1df: {  	_ =	sfence.sel $0x180000  }
0x1e0: {  	[bflag:$0x0] =	sbarrier.arrive $0xFFFF  }
0x1e1: {  	_ =	strace $0x90000047  }
0x1e2: {  	s0 =	stileid.u32;
	[bflag:$0x2] =	sbarrier.arrive $0xFFFF  }
0x1e3: {  	p0 =	sne.s32 s0, $0x0;
	s0 =	rddreg [dreg:$0x3]  }
0x1e4: {  	s0 =	sadd.s32 @!p0 $0x100000, s0  }
0x1e5: {  	[sflag:s0] =	ssyncadd.tile.s32 @!p0 $0x1;
	_ =	shalt  }
.Lfunc_end2:
_tile_overlayer_lowered:
.L_overlay_start_2:
0x1e6: {  	(tag) =	ssettag $0x2  }
0x1e7: {  	s0 =	rddreg [dreg:$0x0];
	s2 =	stileid.u32  }
0x1e8: {  	s1 =	rddreg [dreg:$0x1];
	p0 =	sne.s32 s2, $0x0  }
0x1e9: {  	s3 =	rddreg [dreg:$0x2];
	[bflag:$0x3] =	sbarrier.arrive $0xFFFF;
	s2 =	simm.s32 @!p0 $0x1C03  }
0x1ea: {  	[timem:s3], [sflag:s2] =	dma.local @!p0 [hbm:s0], s1  }
0x1eb: {  	s0 =	simm.s32 @!p0 $0x3  }
0x1ec: {  	_ =	swait.ge @!p0 [sflag:s0], s1  }
0x1ed: {  	s1 =	ssub.s32 @!p0 $0x0, s1;
	[sflag:s0] =	ssyncset.done @!p0 $0x0  }
0x1ee: {  	[sflag:s0] =	ssyncadd.s32 @!p0 s1  }
0x1ef: {  	[bflag:$0x3] =	sbarrier.arrive $0xFFFF  }
0x1f0: {  	_ =	shalt  }

</sc_bundles>
